<compile_context>
chip_gen: v7x
topology: tpu7x:2x2x1
jax: 0.10.2.dev20260603
libtpu: 0.0.44.dev20260713+nightly
codegen_flags: <defaults>
</compile_context>

<pallas_src>
import functools

import jax
import jax.numpy as jnp
from jax import lax
from jax.experimental import pallas as pl
from jax.experimental.pallas import tpu as pltpu
from jax.experimental.pallas import tpu_sc as plsc

E = 64
TOPK = 2
D = 1024
F = 1024
B = 128
CHUNK = 256


def _router_body(x_ref, wg_ref, w_ref, pos_ref, be_ref, nact_ref):
    x = x_ref[...]
    wg = wg_ref[...]
    N = x.shape[0]
    P = TOPK * N
    NBLK = P // B + E
    logits = lax.dot_general(x, wg, (((1,), (1,)), ((), ())),
                             preferred_element_type=jnp.float32)
    scores = jax.nn.sigmoid(logits)
    iota_e = lax.broadcasted_iota(jnp.int32, (N, E), 1)
    s1 = jnp.max(scores, axis=1, keepdims=True)
    i1 = jnp.min(jnp.where(scores == s1, iota_e, E), axis=1, keepdims=True)
    masked = jnp.where(iota_e == i1, -jnp.inf, scores)
    s2 = jnp.max(masked, axis=1, keepdims=True)
    i2 = jnp.min(jnp.where(masked == s2, iota_e, E), axis=1, keepdims=True)
    sw = s1 + s2
    w_ref[...] = jnp.broadcast_to(
        jnp.concatenate([s1 / sw, s2 / sw], axis=0), (P, 16))
    oh1 = (iota_e == i1).astype(jnp.float32)
    oh2 = (iota_e == i2).astype(jnp.float32)
    onehot = jnp.concatenate([oh1, oh2], axis=0)
    ri = lax.broadcasted_iota(jnp.int32, (CHUNK, CHUNK), 0)
    ci = lax.broadcasted_iota(jnp.int32, (CHUNK, CHUNK), 1)
    L = (ci <= ri).astype(jnp.float32)
    parts = []
    carry = jnp.zeros((1, E), jnp.float32)
    for b in range(P // CHUNK):
        seg = onehot[b * CHUNK:(b + 1) * CHUNK]
        c = jnp.dot(L, seg, preferred_element_type=jnp.float32) + carry
        parts.append(c)
        carry = c[CHUNK - 1:CHUNK, :]
    cum = jnp.concatenate(parts, axis=0)
    rank = jnp.sum(cum * onehot, axis=1, keepdims=True) - 1.0
    total = carry
    nblk = jnp.floor((total + (B - 1)) * (1.0 / B))
    re_ = lax.broadcasted_iota(jnp.int32, (E, E), 0)
    ce_ = lax.broadcasted_iota(jnp.int32, (E, E), 1)
    U = (re_ < ce_).astype(jnp.float32)
    excl = jnp.dot(nblk, U, preferred_element_type=jnp.float32)
    row_off = excl * B
    pos = jnp.sum(onehot * row_off, axis=1, keepdims=True) + rank
    pos_ref[...] = pos.astype(jnp.int32)
    ident = (re_ == ce_).astype(jnp.float32)
    excl_col = lax.dot_general(ident, excl, (((1,), (1,)), ((), ())),
                               preferred_element_type=jnp.float32)
    blk_i = lax.broadcasted_iota(jnp.int32, (E, NBLK), 1)
    le = (excl_col.astype(jnp.int32) <= blk_i).astype(jnp.float32)
    be = jnp.sum(le, axis=0, keepdims=True) - 1.0
    be_ref[...] = be.astype(jnp.int32)
    nact = (excl + nblk)[:, E - 1:E]
    nact_ref[...] = nact.astype(jnp.int32)


def _router(x, w_gate):
    N = x.shape[0]
    P = TOPK * N
    NBLK = P // B + E
    return pl.pallas_call(
        _router_body,
        out_shape=[
            jax.ShapeDtypeStruct((P, 16), jnp.float32),
            jax.ShapeDtypeStruct((P, 1), jnp.int32),
            jax.ShapeDtypeStruct((1, NBLK), jnp.int32),
            jax.ShapeDtypeStruct((1, 1), jnp.int32),
        ],
    )(x, w_gate)


def _moe_body(be_ref, nact_ref, xs_ref, wgu_ref, wd_ref, ys_ref):
    del be_ref

    @pl.when(pl.program_id(0) < nact_ref[0])
    def _():
        gu = jnp.dot(xs_ref[...], wgu_ref[0],
                     preferred_element_type=jnp.float32)
        g = gu[:, :F]
        u = gu[:, F:]
        h = (g * jax.nn.sigmoid(g)) * u
        ys_ref[...] = jnp.dot(h, wd_ref[0], preferred_element_type=jnp.float32)


def _moe(xs_pad, w_gate_up, w_down, be, nact):
    NBLK = be.shape[0]
    P_PAD = xs_pad.shape[0]
    grid_spec = pltpu.PrefetchScalarGridSpec(
        num_scalar_prefetch=2,
        grid=(NBLK,),
        in_specs=[
            pl.BlockSpec((B, D),
                         lambda i, be, na: (jnp.where(i < na[0], i, 0), 0)),
            pl.BlockSpec((1, D, 2 * F), lambda i, be, na: (be[i], 0, 0)),
            pl.BlockSpec((1, F, D), lambda i, be, na: (be[i], 0, 0)),
        ],
        out_specs=pl.BlockSpec((B, D), lambda i, be, na: (i, 0)),
    )
    return pl.pallas_call(
        _moe_body,
        grid_spec=grid_spec,
        out_shape=jax.ShapeDtypeStruct((P_PAD, D), jnp.float32),
    )(be, nact, xs_pad, w_gate_up, w_down)



_NC = 2
_NS = 16
_NW = _NC * _NS


def _dispatch(x, pos, p_pad):
    N, d = x.shape
    P = pos.shape[0]
    sub = 64
    per_w = P // _NW
    mesh = plsc.VectorSubcoreMesh(core_axis_name="c", subcore_axis_name="s")

    @functools.partial(
        pl.kernel,
        out_type=jax.ShapeDtypeStruct((p_pad, d), jnp.float32),
        mesh=mesh,
        scratch_types=[
            pltpu.VMEM((sub,), jnp.int32),
            pltpu.VMEM((sub,), jnp.int32),
            pltpu.VMEM((sub, d), jnp.float32),
            pltpu.SemaphoreType.DMA,
        ],
    )
    def disp(x_hbm, pos_hbm, xs_hbm, tok_v, idx_v, rows_v, sem):
        wid = lax.axis_index("s") * _NC + lax.axis_index("c")
        base = wid * per_w
        for s in range(per_w // sub):
            jb = base + s * sub
            pltpu.sync_copy(pos_hbm.at[pl.ds(jb, sub)], idx_v)
            for c in range(sub // 16):
                j16 = lax.iota(jnp.int32, 16) + (jb + c * 16)
                tok_v[pl.ds(c * 16, 16)] = jnp.where(j16 >= N, j16 - N, j16)
            pltpu.async_copy(x_hbm.at[tok_v], rows_v, sem).wait()
            pltpu.async_copy(rows_v, xs_hbm.at[idx_v], sem).wait()

    return disp(x, pos)


def _combine(ys_pad, pos, w_rep, N):
    d = ys_pad.shape[1]
    csub = 32
    per_w = N // _NW
    mesh = plsc.VectorSubcoreMesh(core_axis_name="c", subcore_axis_name="s")

    @functools.partial(
        pl.kernel,
        out_type=jax.ShapeDtypeStruct((N, d), jnp.float32),
        mesh=mesh,
        scratch_types=[
            pltpu.VMEM((csub,), jnp.int32),
            pltpu.VMEM((csub,), jnp.int32),
            pltpu.VMEM((csub, 16), jnp.float32),
            pltpu.VMEM((csub, 16), jnp.float32),
            pltpu.VMEM((csub, d), jnp.float32),
            pltpu.VMEM((csub, d), jnp.float32),
            pltpu.VMEM((csub, d), jnp.float32),
            pltpu.SemaphoreType.DMA,
        ],
    )
    def comb(ys_hbm, pos_hbm, w_hbm, out_hbm,
             i0_v, i1_v, w0_v, w1_v, r0_v, r1_v, o_v, sem):
        wid = lax.axis_index("s") * _NC + lax.axis_index("c")
        tbase = wid * per_w
        for s in range(per_w // csub):
            tb = tbase + s * csub
            pltpu.sync_copy(pos_hbm.at[pl.ds(tb, csub)], i0_v)
            pltpu.sync_copy(pos_hbm.at[pl.ds(N + tb, csub)], i1_v)
            pltpu.sync_copy(w_hbm.at[pl.ds(tb, csub)], w0_v)
            pltpu.sync_copy(w_hbm.at[pl.ds(N + tb, csub)], w1_v)
            pltpu.async_copy(ys_hbm.at[i0_v], r0_v, sem).wait()
            pltpu.async_copy(ys_hbm.at[i1_v], r1_v, sem).wait()

            def body_row(r, carry):
                w0c = w0_v[r]
                w1c = w1_v[r]

                def body_c(ci, c2):
                    c = pl.multiple_of(lax.shift_left(ci, 4), 16)
                    o_v[r, pl.ds(c, 16)] = (r0_v[r, pl.ds(c, 16)] * w0c
                                            + r1_v[r, pl.ds(c, 16)] * w1c)
                    return c2

                lax.fori_loop(0, d // 16, body_c, 0, unroll=8)
                return carry

            lax.fori_loop(0, csub, body_row, 0)
            pltpu.sync_copy(o_v, out_hbm.at[pl.ds(tb, csub)])

    return comb(ys_pad, pos, w_rep)


def kernel(hidden_states, w_gate, w_gate_up, w_down):
    orig_shape = hidden_states.shape
    x = hidden_states.reshape(-1, D)
    N = x.shape[0]
    P = TOPK * N
    NBLK = P // B + E
    P_PAD = NBLK * B
    w_rep, pos_col, be_row, nact_arr = _router(x, w_gate)
    pos = pos_col.reshape(P)
    be = be_row.reshape(NBLK)
    nact = nact_arr.reshape(1)
    xs_pad = _dispatch(x, pos, P_PAD)
    ys_pad = _moe(xs_pad, w_gate_up, w_down, be, nact)
    out = _combine(ys_pad, pos, w_rep, N)
    return out.reshape(orig_shape)

# --- scband reference (transcript-rebuilt; emitter-appended) ---
"""Pipeline reference for scband-cohere-moe-54245436949032 (READ-ONLY COPY).

The authoritative reference and input builder live on the scoring server;
editing this copy changes nothing except your own understanding.
"""

import jax, jax.numpy as jnp
import numpy as np

E = 64
TOPK = 2
D = 1024
F = 1024

def setup_inputs(seed: int = 0) -> dict:
    key = jax.random.key(seed)
    k0, k1, k2, k3 = jax.random.split(key, 4)
    hidden_states = jax.random.normal(k0, (1, 2048, D), dtype=jnp.float32)
    w_gate = jax.random.normal(k1, (E, D), dtype=jnp.float32) * 0.02
    w_gate_up = jax.random.normal(k2, (E, D, 2 * F), dtype=jnp.float32) * 0.02
    w_down = jax.random.normal(k3, (E, F, D), dtype=jnp.float32) * 0.02
    return {"hidden_states": hidden_states, "w_gate": w_gate, "w_gate_up": w_gate_up, "w_down": w_down}

def reference(hidden_states, w_gate, w_gate_up, w_down):
    orig_shape = hidden_states.shape
    x = hidden_states.reshape(-1, D)
    N = x.shape[0]
    # gate: ReplicatedLinear (no bias)
    router_logits = x @ w_gate.T
    # token_choice_with_bias: sigmoid -> top-k -> renormalize
    scores = jax.nn.sigmoid(router_logits.astype(jnp.float32))
    topk_w, topk_ids = jax.lax.top_k(scores, TOPK)
    topk_w = topk_w / jnp.sum(topk_w, axis=-1, keepdims=True)
    topk_w = topk_w.astype(jnp.float32)
    # FusedMoE: dispatch tokens to experts, SwiGLU per expert, weighted combine
    out = jnp.zeros((N, D), dtype=jnp.float32)
    for e in range(E):
        w_e = jnp.sum(jnp.where(topk_ids == e, topk_w, jnp.float32(0.0)), axis=-1)
        gu = x @ w_gate_up[e]
        h = jax.nn.silu(gu[:, :F]) * gu[:, F:]
        ye = h @ w_down[e]
        out = out + w_e[:, None] * ye
    return out.reshape(orig_shape)

if __name__ == "__main__":
    import jax
    _d = setup_inputs()
    print(jax.jit(kernel)(*tuple(_d.values())))

</pallas_src>

<mosaic_0001>
#map = affine_map<(d0, d1) -> (0, 0)>
#map1 = affine_map<(d0, d1) -> (0)>
module attributes {stable_mosaic.version = 14 : i64} {
  func.func @disp(%arg0: i32, %arg1: i32, %arg2: memref<2048x1024xf32, #tpu.memory_space<hbm>>, %arg3: memref<4096xi32, #tpu.memory_space<hbm>>, %arg4: memref<12288x1024xf32, #tpu.memory_space<hbm>>, %arg5: memref<64xi32, #tpu.memory_space<vmem>>, %arg6: memref<64xi32, #tpu.memory_space<vmem>>, %arg7: memref<64x1024xf32, #tpu.memory_space<vmem>>, %arg8: memref<!tpu.dma_semaphore, #tpu.memory_space<semaphore_mem>>) attributes {dimension_semantics = [#tpu.dimension_semantics<core_parallel>, #tpu.dimension_semantics<subcore_parallel>], iteration_bounds = array<i64: 2, 16>, scalar_prefetch = 0 : i64, scratch_operands = 4 : i64, tpu.core_type = #tpu.core_type<sc_vector_subcore>, window_params = [{transform_indices = #map}, {transform_indices = #map1}, {transform_indices = #map}]} {
    %mul3A = arith.constant 2 : i32
    %mul3A_0 = arith.muli %arg1, %mul3A : i32
    %add3A = arith.addi %mul3A_0, %arg0 : i32
    %mul3A_1 = arith.constant 128 : i32
    %mul3A_2 = arith.muli %add3A, %mul3A_1 : i32
    %add3A_3 = arith.constant 0 : i32
    %add3A_4 = arith.addi %mul3A_2, %add3A_3 : i32
    "tpu.region"() ({
      %run_scoped3A = tpu.sem_alloc : memref<!tpu.dma_semaphore, #tpu.memory_space<semaphore_mem>>
      %dma_start3A_152 = tpu.memref_slice %arg3[%add3A_4] : memref<4096xi32, #tpu.memory_space<hbm>> -> memref<64xi32, #tpu.memory_space<hbm>>
      %dma_start3A_153 = tpu.memref_slice %arg3[%add3A_4] : memref<4096xi32, #tpu.memory_space<hbm>> -> memref<64xi32, #tpu.memory_space<hbm>>
      tpu.enqueue_dma source(%dma_start3A_153 : memref<64xi32, #tpu.memory_space<hbm>>) target(%arg6 : memref<64xi32, #tpu.memory_space<vmem>>) target_semaphore(%run_scoped3A : memref<!tpu.dma_semaphore, #tpu.memory_space<semaphore_mem>>)
      %dma_wait3A_154 = tpu.memref_slice %arg3[%add3A_4] : memref<4096xi32, #tpu.memory_space<hbm>> -> memref<64xi32, #tpu.memory_space<hbm>>
      %dma_wait3A_155 = tpu.memref_slice %arg3[%add3A_4] : memref<4096xi32, #tpu.memory_space<hbm>> -> memref<64xi32, #tpu.memory_space<hbm>>
      tpu.wait_dma2 semaphore(%run_scoped3A : memref<!tpu.dma_semaphore, #tpu.memory_space<semaphore_mem>>) src(%dma_wait3A_155 : memref<64xi32, #tpu.memory_space<hbm>>) dst(%arg6 : memref<64xi32, #tpu.memory_space<vmem>>)
      tpu.yield
    }) : () -> ()
    %iota3A = tpu.iota {dimensions = array<i32: 0>} : vector<16xi32>
    %add3A_5 = arith.constant 0 : i32
    %add3A_6 = arith.addi %add3A_4, %add3A_5 : i32
    %add3A_7 = vector.broadcast %add3A_6 : i32 to vector<16xi32>
    %add3A_8 = arith.addi %iota3A, %add3A_7 : vector<16xi32>
    %ge3A = arith.constant 2048 : i32
    %ge3A_9 = vector.broadcast %ge3A : i32 to vector<16xi32>
    %ge3A_10 = arith.cmpi sge, %add3A_8, %ge3A_9 : vector<16xi32>
    %sub3A = arith.constant 2048 : i32
    %sub3A_11 = vector.broadcast %sub3A : i32 to vector<16xi32>
    %sub3A_12 = arith.subi %add3A_8, %sub3A_11 : vector<16xi32>
    %select_n3A = arith.select %ge3A_10, %sub3A_12, %add3A_8 : vector<16xi1>, vector<16xi32>
    %swap3A = arith.constant 0 : index
    %swap3A_13 = tpu.vector_load %arg5[%swap3A] {strides = array<i32>} : memref<64xi32, #tpu.memory_space<vmem>>, vector<16xi32>,
    %swap3A_14 = vector.shape_cast %swap3A_13 : vector<16xi32> to vector<16xi32>
    %swap3A_15 = vector.shape_cast %select_n3A : vector<16xi32> to vector<16xi32>
    tpu.vector_store %arg5[%swap3A], %swap3A_15 {strides = array<i32>} : memref<64xi32, #tpu.memory_space<vmem>>, vector<16xi32>,
    %iota3A_16 = tpu.iota {dimensions = array<i32: 0>} : vector<16xi32>
    %add3A_17 = arith.constant 16 : i32
    %add3A_18 = arith.addi %add3A_4, %add3A_17 : i32
    %add3A_19 = vector.broadcast %add3A_18 : i32 to vector<16xi32>
    %add3A_20 = arith.addi %iota3A_16, %add3A_19 : vector<16xi32>
    %ge3A_21 = arith.constant 2048 : i32
    %ge3A_22 = vector.broadcast %ge3A_21 : i32 to vector<16xi32>
    %ge3A_23 = arith.cmpi sge, %add3A_20, %ge3A_22 : vector<16xi32>
    %sub3A_24 = arith.constant 2048 : i32
    %sub3A_25 = vector.broadcast %sub3A_24 : i32 to vector<16xi32>
    %sub3A_26 = arith.subi %add3A_20, %sub3A_25 : vector<16xi32>
    %select_n3A_27 = arith.select %ge3A_23, %sub3A_26, %add3A_20 : vector<16xi1>, vector<16xi32>
    %swap3A_28 = arith.constant 16 : index
    %swap3A_29 = tpu.vector_load %arg5[%swap3A_28] {strides = array<i32>} : memref<64xi32, #tpu.memory_space<vmem>>, vector<16xi32>,
    %swap3A_30 = vector.shape_cast %swap3A_29 : vector<16xi32> to vector<16xi32>
    %swap3A_31 = vector.shape_cast %select_n3A_27 : vector<16xi32> to vector<16xi32>
    tpu.vector_store %arg5[%swap3A_28], %swap3A_31 {strides = array<i32>} : memref<64xi32, #tpu.memory_space<vmem>>, vector<16xi32>,
    %iota3A_32 = tpu.iota {dimensions = array<i32: 0>} : vector<16xi32>
    %add3A_33 = arith.constant 32 : i32
    %add3A_34 = arith.addi %add3A_4, %add3A_33 : i32
    %add3A_35 = vector.broadcast %add3A_34 : i32 to vector<16xi32>
    %add3A_36 = arith.addi %iota3A_32, %add3A_35 : vector<16xi32>
    %ge3A_37 = arith.constant 2048 : i32
    %ge3A_38 = vector.broadcast %ge3A_37 : i32 to vector<16xi32>
    %ge3A_39 = arith.cmpi sge, %add3A_36, %ge3A_38 : vector<16xi32>
    %sub3A_40 = arith.constant 2048 : i32
    %sub3A_41 = vector.broadcast %sub3A_40 : i32 to vector<16xi32>
    %sub3A_42 = arith.subi %add3A_36, %sub3A_41 : vector<16xi32>
    %select_n3A_43 = arith.select %ge3A_39, %sub3A_42, %add3A_36 : vector<16xi1>, vector<16xi32>
    %swap3A_44 = arith.constant 32 : index
    %swap3A_45 = tpu.vector_load %arg5[%swap3A_44] {strides = array<i32>} : memref<64xi32, #tpu.memory_space<vmem>>, vector<16xi32>,
    %swap3A_46 = vector.shape_cast %swap3A_45 : vector<16xi32> to vector<16xi32>
    %swap3A_47 = vector.shape_cast %select_n3A_43 : vector<16xi32> to vector<16xi32>
    tpu.vector_store %arg5[%swap3A_44], %swap3A_47 {strides = array<i32>} : memref<64xi32, #tpu.memory_space<vmem>>, vector<16xi32>,
    %iota3A_48 = tpu.iota {dimensions = array<i32: 0>} : vector<16xi32>
    %add3A_49 = arith.constant 48 : i32
    %add3A_50 = arith.addi %add3A_4, %add3A_49 : i32
    %add3A_51 = vector.broadcast %add3A_50 : i32 to vector<16xi32>
    %add3A_52 = arith.addi %iota3A_48, %add3A_51 : vector<16xi32>
    %ge3A_53 = arith.constant 2048 : i32
    %ge3A_54 = vector.broadcast %ge3A_53 : i32 to vector<16xi32>
    %ge3A_55 = arith.cmpi sge, %add3A_52, %ge3A_54 : vector<16xi32>
    %sub3A_56 = arith.constant 2048 : i32
    %sub3A_57 = vector.broadcast %sub3A_56 : i32 to vector<16xi32>
    %sub3A_58 = arith.subi %add3A_52, %sub3A_57 : vector<16xi32>
    %select_n3A_59 = arith.select %ge3A_55, %sub3A_58, %add3A_52 : vector<16xi1>, vector<16xi32>
    %swap3A_60 = arith.constant 48 : index
    %swap3A_61 = tpu.vector_load %arg5[%swap3A_60] {strides = array<i32>} : memref<64xi32, #tpu.memory_space<vmem>>, vector<16xi32>,
    %swap3A_62 = vector.shape_cast %swap3A_61 : vector<16xi32> to vector<16xi32>
    %swap3A_63 = vector.shape_cast %select_n3A_59 : vector<16xi32> to vector<16xi32>
    tpu.vector_store %arg5[%swap3A_60], %swap3A_63 {strides = array<i32>} : memref<64xi32, #tpu.memory_space<vmem>>, vector<16xi32>,
    %dma_start3A = arith.constant 0 : i32
    %dma_start3A_64 = arith.constant 0 : i32
    %dma_start3A_65 = tpu.memref_slice %arg2[%dma_start3A, %dma_start3A_64] : memref<2048x1024xf32, #tpu.memory_space<hbm>> -> memref<2048x1024xf32, #tpu.memory_space<hbm>>
    tpu.enqueue_indirect_dma source(%dma_start3A_65 : memref<2048x1024xf32, #tpu.memory_space<hbm>>) target(%arg7 : memref<64x1024xf32, #tpu.memory_space<vmem>>) offsets(%arg5 : memref<64xi32, #tpu.memory_space<vmem>>) semaphore(%arg8 : memref<!tpu.dma_semaphore, #tpu.memory_space<semaphore_mem>>)
    %dma_wait3A = arith.constant 0 : i32
    %dma_wait3A_66 = arith.constant 0 : i32
    %dma_wait3A_67 = tpu.memref_slice %arg2[%dma_wait3A, %dma_wait3A_66] : memref<2048x1024xf32, #tpu.memory_space<hbm>> -> memref<2048x1024xf32, #tpu.memory_space<hbm>>
    tpu.wait_indirect_dma semaphore(%arg8 : memref<!tpu.dma_semaphore, #tpu.memory_space<semaphore_mem>>) src(%dma_wait3A_67 : memref<2048x1024xf32, #tpu.memory_space<hbm>>) dst(%arg7 : memref<64x1024xf32, #tpu.memory_space<vmem>>)
    %dma_start3A_68 = arith.constant 0 : i32
    %dma_start3A_69 = arith.constant 0 : i32
    %dma_start3A_70 = tpu.memref_slice %arg4[%dma_start3A_68, %dma_start3A_69] : memref<12288x1024xf32, #tpu.memory_space<hbm>> -> memref<12288x1024xf32, #tpu.memory_space<hbm>>
    tpu.enqueue_indirect_dma source(%arg7 : memref<64x1024xf32, #tpu.memory_space<vmem>>) target(%dma_start3A_70 : memref<12288x1024xf32, #tpu.memory_space<hbm>>) offsets(%arg6 : memref<64xi32, #tpu.memory_space<vmem>>) semaphore(%arg8 : memref<!tpu.dma_semaphore, #tpu.memory_space<semaphore_mem>>)
    %dma_wait3A_71 = arith.constant 0 : i32
    %dma_wait3A_72 = arith.constant 0 : i32
    %dma_wait3A_73 = tpu.memref_slice %arg4[%dma_wait3A_71, %dma_wait3A_72] : memref<12288x1024xf32, #tpu.memory_space<hbm>> -> memref<12288x1024xf32, #tpu.memory_space<hbm>>
    tpu.wait_indirect_dma semaphore(%arg8 : memref<!tpu.dma_semaphore, #tpu.memory_space<semaphore_mem>>) src(%arg7 : memref<64x1024xf32, #tpu.memory_space<vmem>>) dst(%dma_wait3A_73 : memref<12288x1024xf32, #tpu.memory_space<hbm>>)
    %add3A_74 = arith.constant 64 : i32
    %add3A_75 = arith.addi %mul3A_2, %add3A_74 : i32
    "tpu.region"() ({
      %run_scoped3A = tpu.sem_alloc : memref<!tpu.dma_semaphore, #tpu.memory_space<semaphore_mem>>
      %dma_start3A_152 = tpu.memref_slice %arg3[%add3A_75] : memref<4096xi32, #tpu.memory_space<hbm>> -> memref<64xi32, #tpu.memory_space<hbm>>
      %dma_start3A_153 = tpu.memref_slice %arg3[%add3A_75] : memref<4096xi32, #tpu.memory_space<hbm>> -> memref<64xi32, #tpu.memory_space<hbm>>
      tpu.enqueue_dma source(%dma_start3A_153 : memref<64xi32, #tpu.memory_space<hbm>>) target(%arg6 : memref<64xi32, #tpu.memory_space<vmem>>) target_semaphore(%run_scoped3A : memref<!tpu.dma_semaphore, #tpu.memory_space<semaphore_mem>>)
      %dma_wait3A_154 = tpu.memref_slice %arg3[%add3A_75] : memref<4096xi32, #tpu.memory_space<hbm>> -> memref<64xi32, #tpu.memory_space<hbm>>
      %dma_wait3A_155 = tpu.memref_slice %arg3[%add3A_75] : memref<4096xi32, #tpu.memory_space<hbm>> -> memref<64xi32, #tpu.memory_space<hbm>>
      tpu.wait_dma2 semaphore(%run_scoped3A : memref<!tpu.dma_semaphore, #tpu.memory_space<semaphore_mem>>) src(%dma_wait3A_155 : memref<64xi32, #tpu.memory_space<hbm>>) dst(%arg6 : memref<64xi32, #tpu.memory_space<vmem>>)
      tpu.yield
    }) : () -> ()
    %iota3A_76 = tpu.iota {dimensions = array<i32: 0>} : vector<16xi32>
    %add3A_77 = arith.constant 0 : i32
    %add3A_78 = arith.addi %add3A_75, %add3A_77 : i32
    %add3A_79 = vector.broadcast %add3A_78 : i32 to vector<16xi32>
    %add3A_80 = arith.addi %iota3A_76, %add3A_79 : vector<16xi32>
    %ge3A_81 = arith.constant 2048 : i32
    %ge3A_82 = vector.broadcast %ge3A_81 : i32 to vector<16xi32>
    %ge3A_83 = arith.cmpi sge, %add3A_80, %ge3A_82 : vector<16xi32>
    %sub3A_84 = arith.constant 2048 : i32
    %sub3A_85 = vector.broadcast %sub3A_84 : i32 to vector<16xi32>
    %sub3A_86 = arith.subi %add3A_80, %sub3A_85 : vector<16xi32>
    %select_n3A_87 = arith.select %ge3A_83, %sub3A_86, %add3A_80 : vector<16xi1>, vector<16xi32>
    %swap3A_88 = arith.constant 0 : index
    %swap3A_89 = tpu.vector_load %arg5[%swap3A_88] {strides = array<i32>} : memref<64xi32, #tpu.memory_space<vmem>>, vector<16xi32>,
    %swap3A_90 = vector.shape_cast %swap3A_89 : vector<16xi32> to vector<16xi32>
    %swap3A_91 = vector.shape_cast %select_n3A_87 : vector<16xi32> to vector<16xi32>
    tpu.vector_store %arg5[%swap3A_88], %swap3A_91 {strides = array<i32>} : memref<64xi32, #tpu.memory_space<vmem>>, vector<16xi32>,
    %iota3A_92 = tpu.iota {dimensions = array<i32: 0>} : vector<16xi32>
    %add3A_93 = arith.constant 16 : i32
    %add3A_94 = arith.addi %add3A_75, %add3A_93 : i32
    %add3A_95 = vector.broadcast %add3A_94 : i32 to vector<16xi32>
    %add3A_96 = arith.addi %iota3A_92, %add3A_95 : vector<16xi32>
    %ge3A_97 = arith.constant 2048 : i32
    %ge3A_98 = vector.broadcast %ge3A_97 : i32 to vector<16xi32>
    %ge3A_99 = arith.cmpi sge, %add3A_96, %ge3A_98 : vector<16xi32>
    %sub3A_100 = arith.constant 2048 : i32
    %sub3A_101 = vector.broadcast %sub3A_100 : i32 to vector<16xi32>
    %sub3A_102 = arith.subi %add3A_96, %sub3A_101 : vector<16xi32>
    %select_n3A_103 = arith.select %ge3A_99, %sub3A_102, %add3A_96 : vector<16xi1>, vector<16xi32>
    %swap3A_104 = arith.constant 16 : index
    %swap3A_105 = tpu.vector_load %arg5[%swap3A_104] {strides = array<i32>} : memref<64xi32, #tpu.memory_space<vmem>>, vector<16xi32>,
    %swap3A_106 = vector.shape_cast %swap3A_105 : vector<16xi32> to vector<16xi32>
    %swap3A_107 = vector.shape_cast %select_n3A_103 : vector<16xi32> to vector<16xi32>
    tpu.vector_store %arg5[%swap3A_104], %swap3A_107 {strides = array<i32>} : memref<64xi32, #tpu.memory_space<vmem>>, vector<16xi32>,
    %iota3A_108 = tpu.iota {dimensions = array<i32: 0>} : vector<16xi32>
    %add3A_109 = arith.constant 32 : i32
    %add3A_110 = arith.addi %add3A_75, %add3A_109 : i32
    %add3A_111 = vector.broadcast %add3A_110 : i32 to vector<16xi32>
    %add3A_112 = arith.addi %iota3A_108, %add3A_111 : vector<16xi32>
    %ge3A_113 = arith.constant 2048 : i32
    %ge3A_114 = vector.broadcast %ge3A_113 : i32 to vector<16xi32>
    %ge3A_115 = arith.cmpi sge, %add3A_112, %ge3A_114 : vector<16xi32>
    %sub3A_116 = arith.constant 2048 : i32
    %sub3A_117 = vector.broadcast %sub3A_116 : i32 to vector<16xi32>
    %sub3A_118 = arith.subi %add3A_112, %sub3A_117 : vector<16xi32>
    %select_n3A_119 = arith.select %ge3A_115, %sub3A_118, %add3A_112 : vector<16xi1>, vector<16xi32>
    %swap3A_120 = arith.constant 32 : index
    %swap3A_121 = tpu.vector_load %arg5[%swap3A_120] {strides = array<i32>} : memref<64xi32, #tpu.memory_space<vmem>>, vector<16xi32>,
    %swap3A_122 = vector.shape_cast %swap3A_121 : vector<16xi32> to vector<16xi32>
    %swap3A_123 = vector.shape_cast %select_n3A_119 : vector<16xi32> to vector<16xi32>
    tpu.vector_store %arg5[%swap3A_120], %swap3A_123 {strides = array<i32>} : memref<64xi32, #tpu.memory_space<vmem>>, vector<16xi32>,
    %iota3A_124 = tpu.iota {dimensions = array<i32: 0>} : vector<16xi32>
    %add3A_125 = arith.constant 48 : i32
    %add3A_126 = arith.addi %add3A_75, %add3A_125 : i32
    %add3A_127 = vector.broadcast %add3A_126 : i32 to vector<16xi32>
    %add3A_128 = arith.addi %iota3A_124, %add3A_127 : vector<16xi32>
    %ge3A_129 = arith.constant 2048 : i32
    %ge3A_130 = vector.broadcast %ge3A_129 : i32 to vector<16xi32>
    %ge3A_131 = arith.cmpi sge, %add3A_128, %ge3A_130 : vector<16xi32>
    %sub3A_132 = arith.constant 2048 : i32
    %sub3A_133 = vector.broadcast %sub3A_132 : i32 to vector<16xi32>
    %sub3A_134 = arith.subi %add3A_128, %sub3A_133 : vector<16xi32>
    %select_n3A_135 = arith.select %ge3A_131, %sub3A_134, %add3A_128 : vector<16xi1>, vector<16xi32>
    %swap3A_136 = arith.constant 48 : index
    %swap3A_137 = tpu.vector_load %arg5[%swap3A_136] {strides = array<i32>} : memref<64xi32, #tpu.memory_space<vmem>>, vector<16xi32>,
    %swap3A_138 = vector.shape_cast %swap3A_137 : vector<16xi32> to vector<16xi32>
    %swap3A_139 = vector.shape_cast %select_n3A_135 : vector<16xi32> to vector<16xi32>
    tpu.vector_store %arg5[%swap3A_136], %swap3A_139 {strides = array<i32>} : memref<64xi32, #tpu.memory_space<vmem>>, vector<16xi32>,
    %dma_start3A_140 = arith.constant 0 : i32
    %dma_start3A_141 = arith.constant 0 : i32
    %dma_start3A_142 = tpu.memref_slice %arg2[%dma_start3A_140, %dma_start3A_141] : memref<2048x1024xf32, #tpu.memory_space<hbm>> -> memref<2048x1024xf32, #tpu.memory_space<hbm>>
    tpu.enqueue_indirect_dma source(%dma_start3A_142 : memref<2048x1024xf32, #tpu.memory_space<hbm>>) target(%arg7 : memref<64x1024xf32, #tpu.memory_space<vmem>>) offsets(%arg5 : memref<64xi32, #tpu.memory_space<vmem>>) semaphore(%arg8 : memref<!tpu.dma_semaphore, #tpu.memory_space<semaphore_mem>>)
    %dma_wait3A_143 = arith.constant 0 : i32
    %dma_wait3A_144 = arith.constant 0 : i32
    %dma_wait3A_145 = tpu.memref_slice %arg2[%dma_wait3A_143, %dma_wait3A_144] : memref<2048x1024xf32, #tpu.memory_space<hbm>> -> memref<2048x1024xf32, #tpu.memory_space<hbm>>
    tpu.wait_indirect_dma semaphore(%arg8 : memref<!tpu.dma_semaphore, #tpu.memory_space<semaphore_mem>>) src(%dma_wait3A_145 : memref<2048x1024xf32, #tpu.memory_space<hbm>>) dst(%arg7 : memref<64x1024xf32, #tpu.memory_space<vmem>>)
    %dma_start3A_146 = arith.constant 0 : i32
    %dma_start3A_147 = arith.constant 0 : i32
    %dma_start3A_148 = tpu.memref_slice %arg4[%dma_start3A_146, %dma_start3A_147] : memref<12288x1024xf32, #tpu.memory_space<hbm>> -> memref<12288x1024xf32, #tpu.memory_space<hbm>>
    tpu.enqueue_indirect_dma source(%arg7 : memref<64x1024xf32, #tpu.memory_space<vmem>>) target(%dma_start3A_148 : memref<12288x1024xf32, #tpu.memory_space<hbm>>) offsets(%arg6 : memref<64xi32, #tpu.memory_space<vmem>>) semaphore(%arg8 : memref<!tpu.dma_semaphore, #tpu.memory_space<semaphore_mem>>)
    %dma_wait3A_149 = arith.constant 0 : i32
    %dma_wait3A_150 = arith.constant 0 : i32
    %dma_wait3A_151 = tpu.memref_slice %arg4[%dma_wait3A_149, %dma_wait3A_150] : memref<12288x1024xf32, #tpu.memory_space<hbm>> -> memref<12288x1024xf32, #tpu.memory_space<hbm>>
    tpu.wait_indirect_dma semaphore(%arg8 : memref<!tpu.dma_semaphore, #tpu.memory_space<semaphore_mem>>) src(%arg7 : memref<64x1024xf32, #tpu.memory_space<vmem>>) dst(%dma_wait3A_151 : memref<12288x1024xf32, #tpu.memory_space<hbm>>)
    return
  }
}

#map = affine_map<(d0, d1) -> (0, 0)>
#map1 = affine_map<(d0, d1) -> (0)>
module attributes {stable_mosaic.version = 14 : i64} {
  func.func @comb(%arg0: i32, %arg1: i32, %arg2: memref<12288x1024xf32, #tpu.memory_space<hbm>>, %arg3: memref<4096xi32, #tpu.memory_space<hbm>>, %arg4: memref<4096x16xf32, #tpu.memory_space<hbm>>, %arg5: memref<2048x1024xf32, #tpu.memory_space<hbm>>, %arg6: memref<32xi32, #tpu.memory_space<vmem>>, %arg7: memref<32xi32, #tpu.memory_space<vmem>>, %arg8: memref<32x16xf32, #tpu.memory_space<vmem>>, %arg9: memref<32x16xf32, #tpu.memory_space<vmem>>, %arg10: memref<32x1024xf32, #tpu.memory_space<vmem>>, %arg11: memref<32x1024xf32, #tpu.memory_space<vmem>>, %arg12: memref<32x1024xf32, #tpu.memory_space<vmem>>, %arg13: memref<!tpu.dma_semaphore, #tpu.memory_space<semaphore_mem>>) attributes {dimension_semantics = [#tpu.dimension_semantics<core_parallel>, #tpu.dimension_semantics<subcore_parallel>], iteration_bounds = array<i64: 2, 16>, scalar_prefetch = 0 : i64, scratch_operands = 8 : i64, tpu.core_type = #tpu.core_type<sc_vector_subcore>, window_params = [{transform_indices = #map}, {transform_indices = #map1}, {transform_indices = #map}, {transform_indices = #map}]} {
    %mul3A = arith.constant 2 : i32
    %mul3A_0 = arith.muli %arg1, %mul3A : i32
    %add3A = arith.addi %mul3A_0, %arg0 : i32
    %mul3A_1 = arith.constant 64 : i32
    %mul3A_2 = arith.muli %add3A, %mul3A_1 : i32
    %add3A_3 = arith.constant 0 : i32
    %add3A_4 = arith.addi %mul3A_2, %add3A_3 : i32
    "tpu.region"() ({
      %run_scoped3A = tpu.sem_alloc : memref<!tpu.dma_semaphore, #tpu.memory_space<semaphore_mem>>
      %dma_start3A_48 = tpu.memref_slice %arg3[%add3A_4] : memref<4096xi32, #tpu.memory_space<hbm>> -> memref<32xi32, #tpu.memory_space<hbm>>
      %dma_start3A_49 = tpu.memref_slice %arg3[%add3A_4] : memref<4096xi32, #tpu.memory_space<hbm>> -> memref<32xi32, #tpu.memory_space<hbm>>
      tpu.enqueue_dma source(%dma_start3A_49 : memref<32xi32, #tpu.memory_space<hbm>>) target(%arg6 : memref<32xi32, #tpu.memory_space<vmem>>) target_semaphore(%run_scoped3A : memref<!tpu.dma_semaphore, #tpu.memory_space<semaphore_mem>>)
      %dma_wait3A_50 = tpu.memref_slice %arg3[%add3A_4] : memref<4096xi32, #tpu.memory_space<hbm>> -> memref<32xi32, #tpu.memory_space<hbm>>
      %dma_wait3A_51 = tpu.memref_slice %arg3[%add3A_4] : memref<4096xi32, #tpu.memory_space<hbm>> -> memref<32xi32, #tpu.memory_space<hbm>>
      tpu.wait_dma2 semaphore(%run_scoped3A : memref<!tpu.dma_semaphore, #tpu.memory_space<semaphore_mem>>) src(%dma_wait3A_51 : memref<32xi32, #tpu.memory_space<hbm>>) dst(%arg6 : memref<32xi32, #tpu.memory_space<vmem>>)
      tpu.yield
    }) : () -> ()
    %add3A_5 = arith.constant 2048 : i32
    %add3A_6 = arith.addi %add3A_5, %add3A_4 : i32
    "tpu.region"() ({
      %run_scoped3A = tpu.sem_alloc : memref<!tpu.dma_semaphore, #tpu.memory_space<semaphore_mem>>
      %dma_start3A_48 = tpu.memref_slice %arg3[%add3A_6] : memref<4096xi32, #tpu.memory_space<hbm>> -> memref<32xi32, #tpu.memory_space<hbm>>
      %dma_start3A_49 = tpu.memref_slice %arg3[%add3A_6] : memref<4096xi32, #tpu.memory_space<hbm>> -> memref<32xi32, #tpu.memory_space<hbm>>
      tpu.enqueue_dma source(%dma_start3A_49 : memref<32xi32, #tpu.memory_space<hbm>>) target(%arg7 : memref<32xi32, #tpu.memory_space<vmem>>) target_semaphore(%run_scoped3A : memref<!tpu.dma_semaphore, #tpu.memory_space<semaphore_mem>>)
      %dma_wait3A_50 = tpu.memref_slice %arg3[%add3A_6] : memref<4096xi32, #tpu.memory_space<hbm>> -> memref<32xi32, #tpu.memory_space<hbm>>
      %dma_wait3A_51 = tpu.memref_slice %arg3[%add3A_6] : memref<4096xi32, #tpu.memory_space<hbm>> -> memref<32xi32, #tpu.memory_space<hbm>>
      tpu.wait_dma2 semaphore(%run_scoped3A : memref<!tpu.dma_semaphore, #tpu.memory_space<semaphore_mem>>) src(%dma_wait3A_51 : memref<32xi32, #tpu.memory_space<hbm>>) dst(%arg7 : memref<32xi32, #tpu.memory_space<vmem>>)
      tpu.yield
    }) : () -> ()
    "tpu.region"() ({
      %run_scoped3A = tpu.sem_alloc : memref<!tpu.dma_semaphore, #tpu.memory_space<semaphore_mem>>
      %dma_start3A_48 = arith.constant 0 : i32
      %dma_start3A_49 = tpu.memref_slice %arg4[%add3A_4, %dma_start3A_48] : memref<4096x16xf32, #tpu.memory_space<hbm>> -> memref<32x16xf32, #tpu.memory_space<hbm>>
      %dma_start3A_50 = arith.constant 0 : i32
      %dma_start3A_51 = tpu.memref_slice %arg4[%add3A_4, %dma_start3A_50] : memref<4096x16xf32, #tpu.memory_space<hbm>> -> memref<32x16xf32, #tpu.memory_space<hbm>>
      tpu.enqueue_dma source(%dma_start3A_51 : memref<32x16xf32, #tpu.memory_space<hbm>>) target(%arg8 : memref<32x16xf32, #tpu.memory_space<vmem>>) target_semaphore(%run_scoped3A : memref<!tpu.dma_semaphore, #tpu.memory_space<semaphore_mem>>)
      %dma_wait3A_52 = arith.constant 0 : i32
      %dma_wait3A_53 = tpu.memref_slice %arg4[%add3A_4, %dma_wait3A_52] : memref<4096x16xf32, #tpu.memory_space<hbm>> -> memref<32x16xf32, #tpu.memory_space<hbm>>
      %dma_wait3A_54 = arith.constant 0 : i32
      %dma_wait3A_55 = tpu.memref_slice %arg4[%add3A_4, %dma_wait3A_54] : memref<4096x16xf32, #tpu.memory_space<hbm>> -> memref<32x16xf32, #tpu.memory_space<hbm>>
      tpu.wait_dma2 semaphore(%run_scoped3A : memref<!tpu.dma_semaphore, #tpu.memory_space<semaphore_mem>>) src(%dma_wait3A_55 : memref<32x16xf32, #tpu.memory_space<hbm>>) dst(%arg8 : memref<32x16xf32, #tpu.memory_space<vmem>>)
      tpu.yield
    }) : () -> ()
    %add3A_7 = arith.constant 2048 : i32
    %add3A_8 = arith.addi %add3A_7, %add3A_4 : i32
    "tpu.region"() ({
      %run_scoped3A = tpu.sem_alloc : memref<!tpu.dma_semaphore, #tpu.memory_space<semaphore_mem>>
      %dma_start3A_48 = arith.constant 0 : i32
      %dma_start3A_49 = tpu.memref_slice %arg4[%add3A_8, %dma_start3A_48] : memref<4096x16xf32, #tpu.memory_space<hbm>> -> memref<32x16xf32, #tpu.memory_space<hbm>>
      %dma_start3A_50 = arith.constant 0 : i32
      %dma_start3A_51 = tpu.memref_slice %arg4[%add3A_8, %dma_start3A_50] : memref<4096x16xf32, #tpu.memory_space<hbm>> -> memref<32x16xf32, #tpu.memory_space<hbm>>
      tpu.enqueue_dma source(%dma_start3A_51 : memref<32x16xf32, #tpu.memory_space<hbm>>) target(%arg9 : memref<32x16xf32, #tpu.memory_space<vmem>>) target_semaphore(%run_scoped3A : memref<!tpu.dma_semaphore, #tpu.memory_space<semaphore_mem>>)
      %dma_wait3A_52 = arith.constant 0 : i32
      %dma_wait3A_53 = tpu.memref_slice %arg4[%add3A_8, %dma_wait3A_52] : memref<4096x16xf32, #tpu.memory_space<hbm>> -> memref<32x16xf32, #tpu.memory_space<hbm>>
      %dma_wait3A_54 = arith.constant 0 : i32
      %dma_wait3A_55 = tpu.memref_slice %arg4[%add3A_8, %dma_wait3A_54] : memref<4096x16xf32, #tpu.memory_space<hbm>> -> memref<32x16xf32, #tpu.memory_space<hbm>>
      tpu.wait_dma2 semaphore(%run_scoped3A : memref<!tpu.dma_semaphore, #tpu.memory_space<semaphore_mem>>) src(%dma_wait3A_55 : memref<32x16xf32, #tpu.memory_space<hbm>>) dst(%arg9 : memref<32x16xf32, #tpu.memory_space<vmem>>)
      tpu.yield
    }) : () -> ()
    %dma_start3A = arith.constant 0 : i32
    %dma_start3A_9 = arith.constant 0 : i32
    %dma_start3A_10 = tpu.memref_slice %arg2[%dma_start3A, %dma_start3A_9] : memref<12288x1024xf32, #tpu.memory_space<hbm>> -> memref<12288x1024xf32, #tpu.memory_space<hbm>>
    tpu.enqueue_indirect_dma source(%dma_start3A_10 : memref<12288x1024xf32, #tpu.memory_space<hbm>>) target(%arg10 : memref<32x1024xf32, #tpu.memory_space<vmem>>) offsets(%arg6 : memref<32xi32, #tpu.memory_space<vmem>>) semaphore(%arg13 : memref<!tpu.dma_semaphore, #tpu.memory_space<semaphore_mem>>)
    %dma_wait3A = arith.constant 0 : i32
    %dma_wait3A_11 = arith.constant 0 : i32
    %dma_wait3A_12 = tpu.memref_slice %arg2[%dma_wait3A, %dma_wait3A_11] : memref<12288x1024xf32, #tpu.memory_space<hbm>> -> memref<12288x1024xf32, #tpu.memory_space<hbm>>
    tpu.wait_indirect_dma semaphore(%arg13 : memref<!tpu.dma_semaphore, #tpu.memory_space<semaphore_mem>>) src(%dma_wait3A_12 : memref<12288x1024xf32, #tpu.memory_space<hbm>>) dst(%arg10 : memref<32x1024xf32, #tpu.memory_space<vmem>>)
    %dma_start3A_13 = arith.constant 0 : i32
    %dma_start3A_14 = arith.constant 0 : i32
    %dma_start3A_15 = tpu.memref_slice %arg2[%dma_start3A_13, %dma_start3A_14] : memref<12288x1024xf32, #tpu.memory_space<hbm>> -> memref<12288x1024xf32, #tpu.memory_space<hbm>>
    tpu.enqueue_indirect_dma source(%dma_start3A_15 : memref<12288x1024xf32, #tpu.memory_space<hbm>>) target(%arg11 : memref<32x1024xf32, #tpu.memory_space<vmem>>) offsets(%arg7 : memref<32xi32, #tpu.memory_space<vmem>>) semaphore(%arg13 : memref<!tpu.dma_semaphore, #tpu.memory_space<semaphore_mem>>)
    %dma_wait3A_16 = arith.constant 0 : i32
    %dma_wait3A_17 = arith.constant 0 : i32
    %dma_wait3A_18 = tpu.memref_slice %arg2[%dma_wait3A_16, %dma_wait3A_17] : memref<12288x1024xf32, #tpu.memory_space<hbm>> -> memref<12288x1024xf32, #tpu.memory_space<hbm>>
    tpu.wait_indirect_dma semaphore(%arg13 : memref<!tpu.dma_semaphore, #tpu.memory_space<semaphore_mem>>) src(%dma_wait3A_18 : memref<12288x1024xf32, #tpu.memory_space<hbm>>) dst(%arg11 : memref<32x1024xf32, #tpu.memory_space<vmem>>)
    %scan3A = arith.constant 0 : i32
    %scan3A_19 = arith.constant 0 : i32
    %scan3A_20 = arith.constant 32 : i32
    %scan3A_21 = arith.addi %scan3A_19, %scan3A_20 : i32
    %scan3A_22 = arith.constant 1 : i32
    scf.for %scan3A_48 = %scan3A_19 to %scan3A_21 step %scan3A_22  : i32 {
      %get3A = arith.index_cast %scan3A_48 : i32 to index
      %get3A_49 = arith.constant 0 : index
      %get3A_50 = tpu.vector_load %arg8[%get3A, %get3A_49] {strides = array<i32>} : memref<32x16xf32, #tpu.memory_space<vmem>>, vector<1x16xf32>,
      %get3A_51 = vector.shape_cast %get3A_50 : vector<1x16xf32> to vector<16xf32>
      %get3A_52 = arith.index_cast %scan3A_48 : i32 to index
      %get3A_53 = arith.constant 0 : index
      %get3A_54 = tpu.vector_load %arg9[%get3A_52, %get3A_53] {strides = array<i32>} : memref<32x16xf32, #tpu.memory_space<vmem>>, vector<1x16xf32>,
      %get3A_55 = vector.shape_cast %get3A_54 : vector<1x16xf32> to vector<16xf32>
      %scan3A_56 = arith.constant 0 : i32
      %scan3A_57 = arith.constant 0 : i32
      %scan3A_58 = arith.constant 64 : i32
      %scan3A_59 = arith.addi %scan3A_57, %scan3A_58 : i32
      %scan3A_60 = arith.constant 8 : i32
      scf.for %scan3A_62 = %scan3A_57 to %scan3A_59 step %scan3A_60  : i32 {
        %shift_left3A = arith.constant 4 : i32
        %shift_left3A_63 = arith.shli %scan3A_62, %shift_left3A : i32
        %multiple_of3A = tpu.assume_multiple %shift_left3A_63, 16 : i32
        %get3A_64 = arith.index_cast %scan3A_48 : i32 to index
        %get3A_65 = arith.index_cast %multiple_of3A : i32 to index
        %get3A_66 = tpu.vector_load %arg10[%get3A_64, %get3A_65] {strides = array<i32>} : memref<32x1024xf32, #tpu.memory_space<vmem>>, vector<1x16xf32>,
        %get3A_67 = vector.shape_cast %get3A_66 : vector<1x16xf32> to vector<16xf32>
        %mul3A_68 = arith.mulf %get3A_67, %get3A_51 : vector<16xf32>
        %get3A_69 = arith.index_cast %scan3A_48 : i32 to index
        %get3A_70 = arith.index_cast %multiple_of3A : i32 to index
        %get3A_71 = tpu.vector_load %arg11[%get3A_69, %get3A_70] {strides = array<i32>} : memref<32x1024xf32, #tpu.memory_space<vmem>>, vector<1x16xf32>,
        %get3A_72 = vector.shape_cast %get3A_71 : vector<1x16xf32> to vector<16xf32>
        %mul3A_73 = arith.mulf %get3A_72, %get3A_55 : vector<16xf32>
        %add3A_74 = arith.addf %mul3A_68, %mul3A_73 : vector<16xf32>
        %swap3A = arith.index_cast %scan3A_48 : i32 to index
        %swap3A_75 = arith.index_cast %multiple_of3A : i32 to index
        %swap3A_76 = tpu.vector_load %arg12[%swap3A, %swap3A_75] {strides = array<i32>} : memref<32x1024xf32, #tpu.memory_space<vmem>>, vector<1x16xf32>,
        %swap3A_77 = vector.shape_cast %swap3A_76 : vector<1x16xf32> to vector<16xf32>
        %swap3A_78 = vector.shape_cast %add3A_74 : vector<16xf32> to vector<1x16xf32>
        tpu.vector_store %arg12[%swap3A, %swap3A_75], %swap3A_78 {strides = array<i32>} : memref<32x1024xf32, #tpu.memory_space<vmem>>, vector<1x16xf32>,
        %scan3A_79 = arith.constant 1 : i32
        %scan3A_80 = arith.addi %scan3A_62, %scan3A_79 : i32
        %shift_left3A_81 = arith.constant 4 : i32
        %shift_left3A_82 = arith.shli %scan3A_80, %shift_left3A_81 : i32
        %multiple_of3A_83 = tpu.assume_multiple %shift_left3A_82, 16 : i32
        %get3A_84 = arith.index_cast %scan3A_48 : i32 to index
        %get3A_85 = arith.index_cast %multiple_of3A_83 : i32 to index
        %get3A_86 = tpu.vector_load %arg10[%get3A_84, %get3A_85] {strides = array<i32>} : memref<32x1024xf32, #tpu.memory_space<vmem>>, vector<1x16xf32>,
        %get3A_87 = vector.shape_cast %get3A_86 : vector<1x16xf32> to vector<16xf32>
        %mul3A_88 = arith.mulf %get3A_87, %get3A_51 : vector<16xf32>
        %get3A_89 = arith.index_cast %scan3A_48 : i32 to index
        %get3A_90 = arith.index_cast %multiple_of3A_83 : i32 to index
        %get3A_91 = tpu.vector_load %arg11[%get3A_89, %get3A_90] {strides = array<i32>} : memref<32x1024xf32, #tpu.memory_space<vmem>>, vector<1x16xf32>,
        %get3A_92 = vector.shape_cast %get3A_91 : vector<1x16xf32> to vector<16xf32>
        %mul3A_93 = arith.mulf %get3A_92, %get3A_55 : vector<16xf32>
        %add3A_94 = arith.addf %mul3A_88, %mul3A_93 : vector<16xf32>
        %swap3A_95 = arith.index_cast %scan3A_48 : i32 to index
        %swap3A_96 = arith.index_cast %multiple_of3A_83 : i32 to index
        %swap3A_97 = tpu.vector_load %arg12[%swap3A_95, %swap3A_96] {strides = array<i32>} : memref<32x1024xf32, #tpu.memory_space<vmem>>, vector<1x16xf32>,
        %swap3A_98 = vector.shape_cast %swap3A_97 : vector<1x16xf32> to vector<16xf32>
        %swap3A_99 = vector.shape_cast %add3A_94 : vector<16xf32> to vector<1x16xf32>
        tpu.vector_store %arg12[%swap3A_95, %swap3A_96], %swap3A_99 {strides = array<i32>} : memref<32x1024xf32, #tpu.memory_space<vmem>>, vector<1x16xf32>,
        %scan3A_100 = arith.constant 2 : i32
        %scan3A_101 = arith.addi %scan3A_62, %scan3A_100 : i32
        %shift_left3A_102 = arith.constant 4 : i32
        %shift_left3A_103 = arith.shli %scan3A_101, %shift_left3A_102 : i32
        %multiple_of3A_104 = tpu.assume_multiple %shift_left3A_103, 16 : i32
        %get3A_105 = arith.index_cast %scan3A_48 : i32 to index
        %get3A_106 = arith.index_cast %multiple_of3A_104 : i32 to index
        %get3A_107 = tpu.vector_load %arg10[%get3A_105, %get3A_106] {strides = array<i32>} : memref<32x1024xf32, #tpu.memory_space<vmem>>, vector<1x16xf32>,
        %get3A_108 = vector.shape_cast %get3A_107 : vector<1x16xf32> to vector<16xf32>
        %mul3A_109 = arith.mulf %get3A_108, %get3A_51 : vector<16xf32>
        %get3A_110 = arith.index_cast %scan3A_48 : i32 to index
        %get3A_111 = arith.index_cast %multiple_of3A_104 : i32 to index
        %get3A_112 = tpu.vector_load %arg11[%get3A_110, %get3A_111] {strides = array<i32>} : memref<32x1024xf32, #tpu.memory_space<vmem>>, vector<1x16xf32>,
        %get3A_113 = vector.shape_cast %get3A_112 : vector<1x16xf32> to vector<16xf32>
        %mul3A_114 = arith.mulf %get3A_113, %get3A_55 : vector<16xf32>
        %add3A_115 = arith.addf %mul3A_109, %mul3A_114 : vector<16xf32>
        %swap3A_116 = arith.index_cast %scan3A_48 : i32 to index
        %swap3A_117 = arith.index_cast %multiple_of3A_104 : i32 to index
        %swap3A_118 = tpu.vector_load %arg12[%swap3A_116, %swap3A_117] {strides = array<i32>} : memref<32x1024xf32, #tpu.memory_space<vmem>>, vector<1x16xf32>,
        %swap3A_119 = vector.shape_cast %swap3A_118 : vector<1x16xf32> to vector<16xf32>
        %swap3A_120 = vector.shape_cast %add3A_115 : vector<16xf32> to vector<1x16xf32>
        tpu.vector_store %arg12[%swap3A_116, %swap3A_117], %swap3A_120 {strides = array<i32>} : memref<32x1024xf32, #tpu.memory_space<vmem>>, vector<1x16xf32>,
        %scan3A_121 = arith.constant 3 : i32
        %scan3A_122 = arith.addi %scan3A_62, %scan3A_121 : i32
        %shift_left3A_123 = arith.constant 4 : i32
        %shift_left3A_124 = arith.shli %scan3A_122, %shift_left3A_123 : i32
        %multiple_of3A_125 = tpu.assume_multiple %shift_left3A_124, 16 : i32
        %get3A_126 = arith.index_cast %scan3A_48 : i32 to index
        %get3A_127 = arith.index_cast %multiple_of3A_125 : i32 to index
        %get3A_128 = tpu.vector_load %arg10[%get3A_126, %get3A_127] {strides = array<i32>} : memref<32x1024xf32, #tpu.memory_space<vmem>>, vector<1x16xf32>,
        %get3A_129 = vector.shape_cast %get3A_128 : vector<1x16xf32> to vector<16xf32>
        %mul3A_130 = arith.mulf %get3A_129, %get3A_51 : vector<16xf32>
        %get3A_131 = arith.index_cast %scan3A_48 : i32 to index
        %get3A_132 = arith.index_cast %multiple_of3A_125 : i32 to index
        %get3A_133 = tpu.vector_load %arg11[%get3A_131, %get3A_132] {strides = array<i32>} : memref<32x1024xf32, #tpu.memory_space<vmem>>, vector<1x16xf32>,
        %get3A_134 = vector.shape_cast %get3A_133 : vector<1x16xf32> to vector<16xf32>
        %mul3A_135 = arith.mulf %get3A_134, %get3A_55 : vector<16xf32>
        %add3A_136 = arith.addf %mul3A_130, %mul3A_135 : vector<16xf32>
        %swap3A_137 = arith.index_cast %scan3A_48 : i32 to index
        %swap3A_138 = arith.index_cast %multiple_of3A_125 : i32 to index
        %swap3A_139 = tpu.vector_load %arg12[%swap3A_137, %swap3A_138] {strides = array<i32>} : memref<32x1024xf32, #tpu.memory_space<vmem>>, vector<1x16xf32>,
        %swap3A_140 = vector.shape_cast %swap3A_139 : vector<1x16xf32> to vector<16xf32>
        %swap3A_141 = vector.shape_cast %add3A_136 : vector<16xf32> to vector<1x16xf32>
        tpu.vector_store %arg12[%swap3A_137, %swap3A_138], %swap3A_141 {strides = array<i32>} : memref<32x1024xf32, #tpu.memory_space<vmem>>, vector<1x16xf32>,
        %scan3A_142 = arith.constant 4 : i32
        %scan3A_143 = arith.addi %scan3A_62, %scan3A_142 : i32
        %shift_left3A_144 = arith.constant 4 : i32
        %shift_left3A_145 = arith.shli %scan3A_143, %shift_left3A_144 : i32
        %multiple_of3A_146 = tpu.assume_multiple %shift_left3A_145, 16 : i32
        %get3A_147 = arith.index_cast %scan3A_48 : i32 to index
        %get3A_148 = arith.index_cast %multiple_of3A_146 : i32 to index
        %get3A_149 = tpu.vector_load %arg10[%get3A_147, %get3A_148] {strides = array<i32>} : memref<32x1024xf32, #tpu.memory_space<vmem>>, vector<1x16xf32>,
        %get3A_150 = vector.shape_cast %get3A_149 : vector<1x16xf32> to vector<16xf32>
        %mul3A_151 = arith.mulf %get3A_150, %get3A_51 : vector<16xf32>
        %get3A_152 = arith.index_cast %scan3A_48 : i32 to index
        %get3A_153 = arith.index_cast %multiple_of3A_146 : i32 to index
        %get3A_154 = tpu.vector_load %arg11[%get3A_152, %get3A_153] {strides = array<i32>} : memref<32x1024xf32, #tpu.memory_space<vmem>>, vector<1x16xf32>,
        %get3A_155 = vector.shape_cast %get3A_154 : vector<1x16xf32> to vector<16xf32>
        %mul3A_156 = arith.mulf %get3A_155, %get3A_55 : vector<16xf32>
        %add3A_157 = arith.addf %mul3A_151, %mul3A_156 : vector<16xf32>
        %swap3A_158 = arith.index_cast %scan3A_48 : i32 to index
        %swap3A_159 = arith.index_cast %multiple_of3A_146 : i32 to index
        %swap3A_160 = tpu.vector_load %arg12[%swap3A_158, %swap3A_159] {strides = array<i32>} : memref<32x1024xf32, #tpu.memory_space<vmem>>, vector<1x16xf32>,
        %swap3A_161 = vector.shape_cast %swap3A_160 : vector<1x16xf32> to vector<16xf32>
        %swap3A_162 = vector.shape_cast %add3A_157 : vector<16xf32> to vector<1x16xf32>
        tpu.vector_store %arg12[%swap3A_158, %swap3A_159], %swap3A_162 {strides = array<i32>} : memref<32x1024xf32, #tpu.memory_space<vmem>>, vector<1x16xf32>,
        %scan3A_163 = arith.constant 5 : i32
        %scan3A_164 = arith.addi %scan3A_62, %scan3A_163 : i32
        %shift_left3A_165 = arith.constant 4 : i32
        %shift_left3A_166 = arith.shli %scan3A_164, %shift_left3A_165 : i32
        %multiple_of3A_167 = tpu.assume_multiple %shift_left3A_166, 16 : i32
        %get3A_168 = arith.index_cast %scan3A_48 : i32 to index
        %get3A_169 = arith.index_cast %multiple_of3A_167 : i32 to index
        %get3A_170 = tpu.vector_load %arg10[%get3A_168, %get3A_169] {strides = array<i32>} : memref<32x1024xf32, #tpu.memory_space<vmem>>, vector<1x16xf32>,
        %get3A_171 = vector.shape_cast %get3A_170 : vector<1x16xf32> to vector<16xf32>
        %mul3A_172 = arith.mulf %get3A_171, %get3A_51 : vector<16xf32>
        %get3A_173 = arith.index_cast %scan3A_48 : i32 to index
        %get3A_174 = arith.index_cast %multiple_of3A_167 : i32 to index
        %get3A_175 = tpu.vector_load %arg11[%get3A_173, %get3A_174] {strides = array<i32>} : memref<32x1024xf32, #tpu.memory_space<vmem>>, vector<1x16xf32>,
        %get3A_176 = vector.shape_cast %get3A_175 : vector<1x16xf32> to vector<16xf32>
        %mul3A_177 = arith.mulf %get3A_176, %get3A_55 : vector<16xf32>
        %add3A_178 = arith.addf %mul3A_172, %mul3A_177 : vector<16xf32>
        %swap3A_179 = arith.index_cast %scan3A_48 : i32 to index
        %swap3A_180 = arith.index_cast %multiple_of3A_167 : i32 to index
        %swap3A_181 = tpu.vector_load %arg12[%swap3A_179, %swap3A_180] {strides = array<i32>} : memref<32x1024xf32, #tpu.memory_space<vmem>>, vector<1x16xf32>,
        %swap3A_182 = vector.shape_cast %swap3A_181 : vector<1x16xf32> to vector<16xf32>
        %swap3A_183 = vector.shape_cast %add3A_178 : vector<16xf32> to vector<1x16xf32>
        tpu.vector_store %arg12[%swap3A_179, %swap3A_180], %swap3A_183 {strides = array<i32>} : memref<32x1024xf32, #tpu.memory_space<vmem>>, vector<1x16xf32>,
        %scan3A_184 = arith.constant 6 : i32
        %scan3A_185 = arith.addi %scan3A_62, %scan3A_184 : i32
        %shift_left3A_186 = arith.constant 4 : i32
        %shift_left3A_187 = arith.shli %scan3A_185, %shift_left3A_186 : i32
        %multiple_of3A_188 = tpu.assume_multiple %shift_left3A_187, 16 : i32
        %get3A_189 = arith.index_cast %scan3A_48 : i32 to index
        %get3A_190 = arith.index_cast %multiple_of3A_188 : i32 to index
        %get3A_191 = tpu.vector_load %arg10[%get3A_189, %get3A_190] {strides = array<i32>} : memref<32x1024xf32, #tpu.memory_space<vmem>>, vector<1x16xf32>,
        %get3A_192 = vector.shape_cast %get3A_191 : vector<1x16xf32> to vector<16xf32>
        %mul3A_193 = arith.mulf %get3A_192, %get3A_51 : vector<16xf32>
        %get3A_194 = arith.index_cast %scan3A_48 : i32 to index
        %get3A_195 = arith.index_cast %multiple_of3A_188 : i32 to index
        %get3A_196 = tpu.vector_load %arg11[%get3A_194, %get3A_195] {strides = array<i32>} : memref<32x1024xf32, #tpu.memory_space<vmem>>, vector<1x16xf32>,
        %get3A_197 = vector.shape_cast %get3A_196 : vector<1x16xf32> to vector<16xf32>
        %mul3A_198 = arith.mulf %get3A_197, %get3A_55 : vector<16xf32>
        %add3A_199 = arith.addf %mul3A_193, %mul3A_198 : vector<16xf32>
        %swap3A_200 = arith.index_cast %scan3A_48 : i32 to index
        %swap3A_201 = arith.index_cast %multiple_of3A_188 : i32 to index
        %swap3A_202 = tpu.vector_load %arg12[%swap3A_200, %swap3A_201] {strides = array<i32>} : memref<32x1024xf32, #tpu.memory_space<vmem>>, vector<1x16xf32>,
        %swap3A_203 = vector.shape_cast %swap3A_202 : vector<1x16xf32> to vector<16xf32>
        %swap3A_204 = vector.shape_cast %add3A_199 : vector<16xf32> to vector<1x16xf32>
        tpu.vector_store %arg12[%swap3A_200, %swap3A_201], %swap3A_204 {strides = array<i32>} : memref<32x1024xf32, #tpu.memory_space<vmem>>, vector<1x16xf32>,
        %scan3A_205 = arith.constant 7 : i32
        %scan3A_206 = arith.addi %scan3A_62, %scan3A_205 : i32
        %shift_left3A_207 = arith.constant 4 : i32
        %shift_left3A_208 = arith.shli %scan3A_206, %shift_left3A_207 : i32
        %multiple_of3A_209 = tpu.assume_multiple %shift_left3A_208, 16 : i32
        %get3A_210 = arith.index_cast %scan3A_48 : i32 to index
        %get3A_211 = arith.index_cast %multiple_of3A_209 : i32 to index
        %get3A_212 = tpu.vector_load %arg10[%get3A_210, %get3A_211] {strides = array<i32>} : memref<32x1024xf32, #tpu.memory_space<vmem>>, vector<1x16xf32>,
        %get3A_213 = vector.shape_cast %get3A_212 : vector<1x16xf32> to vector<16xf32>
        %mul3A_214 = arith.mulf %get3A_213, %get3A_51 : vector<16xf32>
        %get3A_215 = arith.index_cast %scan3A_48 : i32 to index
        %get3A_216 = arith.index_cast %multiple_of3A_209 : i32 to index
        %get3A_217 = tpu.vector_load %arg11[%get3A_215, %get3A_216] {strides = array<i32>} : memref<32x1024xf32, #tpu.memory_space<vmem>>, vector<1x16xf32>,
        %get3A_218 = vector.shape_cast %get3A_217 : vector<1x16xf32> to vector<16xf32>
        %mul3A_219 = arith.mulf %get3A_218, %get3A_55 : vector<16xf32>
        %add3A_220 = arith.addf %mul3A_214, %mul3A_219 : vector<16xf32>
        %swap3A_221 = arith.index_cast %scan3A_48 : i32 to index
        %swap3A_222 = arith.index_cast %multiple_of3A_209 : i32 to index
        %swap3A_223 = tpu.vector_load %arg12[%swap3A_221, %swap3A_222] {strides = array<i32>} : memref<32x1024xf32, #tpu.memory_space<vmem>>, vector<1x16xf32>,
        %swap3A_224 = vector.shape_cast %swap3A_223 : vector<1x16xf32> to vector<16xf32>
        %swap3A_225 = vector.shape_cast %add3A_220 : vector<16xf32> to vector<1x16xf32>
        tpu.vector_store %arg12[%swap3A_221, %swap3A_222], %swap3A_225 {strides = array<i32>} : memref<32x1024xf32, #tpu.memory_space<vmem>>, vector<1x16xf32>,
      }
      %scan3A_61 = arith.constant 64 : i32
    }
    %scan3A_23 = arith.constant 32 : i32
    "tpu.region"() ({
      %run_scoped3A = tpu.sem_alloc : memref<!tpu.dma_semaphore, #tpu.memory_space<semaphore_mem>>
      %dma_start3A_48 = arith.constant 0 : i32
      %dma_start3A_49 = tpu.memref_slice %arg5[%add3A_4, %dma_start3A_48] : memref<2048x1024xf32, #tpu.memory_space<hbm>> -> memref<32x1024xf32, #tpu.memory_space<hbm>>
      %dma_start3A_50 = arith.constant 0 : i32
      %dma_start3A_51 = tpu.memref_slice %arg5[%add3A_4, %dma_start3A_50] : memref<2048x1024xf32, #tpu.memory_space<hbm>> -> memref<32x1024xf32, #tpu.memory_space<hbm>>
      tpu.enqueue_dma source(%arg12 : memref<32x1024xf32, #tpu.memory_space<vmem>>) target(%dma_start3A_51 : memref<32x1024xf32, #tpu.memory_space<hbm>>) target_semaphore(%run_scoped3A : memref<!tpu.dma_semaphore, #tpu.memory_space<semaphore_mem>>)
      %dma_wait3A_52 = arith.constant 0 : i32
      %dma_wait3A_53 = tpu.memref_slice %arg5[%add3A_4, %dma_wait3A_52] : memref<2048x1024xf32, #tpu.memory_space<hbm>> -> memref<32x1024xf32, #tpu.memory_space<hbm>>
      %dma_wait3A_54 = arith.constant 0 : i32
      %dma_wait3A_55 = tpu.memref_slice %arg5[%add3A_4, %dma_wait3A_54] : memref<2048x1024xf32, #tpu.memory_space<hbm>> -> memref<32x1024xf32, #tpu.memory_space<hbm>>
      tpu.wait_dma2 semaphore(%run_scoped3A : memref<!tpu.dma_semaphore, #tpu.memory_space<semaphore_mem>>) src(%arg12 : memref<32x1024xf32, #tpu.memory_space<vmem>>) dst(%dma_wait3A_55 : memref<32x1024xf32, #tpu.memory_space<hbm>>)
      tpu.yield
    }) : () -> ()
    %add3A_24 = arith.constant 32 : i32
    %add3A_25 = arith.addi %mul3A_2, %add3A_24 : i32
    "tpu.region"() ({
      %run_scoped3A = tpu.sem_alloc : memref<!tpu.dma_semaphore, #tpu.memory_space<semaphore_mem>>
      %dma_start3A_48 = tpu.memref_slice %arg3[%add3A_25] : memref<4096xi32, #tpu.memory_space<hbm>> -> memref<32xi32, #tpu.memory_space<hbm>>
      %dma_start3A_49 = tpu.memref_slice %arg3[%add3A_25] : memref<4096xi32, #tpu.memory_space<hbm>> -> memref<32xi32, #tpu.memory_space<hbm>>
      tpu.enqueue_dma source(%dma_start3A_49 : memref<32xi32, #tpu.memory_space<hbm>>) target(%arg6 : memref<32xi32, #tpu.memory_space<vmem>>) target_semaphore(%run_scoped3A : memref<!tpu.dma_semaphore, #tpu.memory_space<semaphore_mem>>)
      %dma_wait3A_50 = tpu.memref_slice %arg3[%add3A_25] : memref<4096xi32, #tpu.memory_space<hbm>> -> memref<32xi32, #tpu.memory_space<hbm>>
      %dma_wait3A_51 = tpu.memref_slice %arg3[%add3A_25] : memref<4096xi32, #tpu.memory_space<hbm>> -> memref<32xi32, #tpu.memory_space<hbm>>
      tpu.wait_dma2 semaphore(%run_scoped3A : memref<!tpu.dma_semaphore, #tpu.memory_space<semaphore_mem>>) src(%dma_wait3A_51 : memref<32xi32, #tpu.memory_space<hbm>>) dst(%arg6 : memref<32xi32, #tpu.memory_space<vmem>>)
      tpu.yield
    }) : () -> ()
    %add3A_26 = arith.constant 2048 : i32
    %add3A_27 = arith.addi %add3A_26, %add3A_25 : i32
    "tpu.region"() ({
      %run_scoped3A = tpu.sem_alloc : memref<!tpu.dma_semaphore, #tpu.memory_space<semaphore_mem>>
      %dma_start3A_48 = tpu.memref_slice %arg3[%add3A_27] : memref<4096xi32, #tpu.memory_space<hbm>> -> memref<32xi32, #tpu.memory_space<hbm>>
      %dma_start3A_49 = tpu.memref_slice %arg3[%add3A_27] : memref<4096xi32, #tpu.memory_space<hbm>> -> memref<32xi32, #tpu.memory_space<hbm>>
      tpu.enqueue_dma source(%dma_start3A_49 : memref<32xi32, #tpu.memory_space<hbm>>) target(%arg7 : memref<32xi32, #tpu.memory_space<vmem>>) target_semaphore(%run_scoped3A : memref<!tpu.dma_semaphore, #tpu.memory_space<semaphore_mem>>)
      %dma_wait3A_50 = tpu.memref_slice %arg3[%add3A_27] : memref<4096xi32, #tpu.memory_space<hbm>> -> memref<32xi32, #tpu.memory_space<hbm>>
      %dma_wait3A_51 = tpu.memref_slice %arg3[%add3A_27] : memref<4096xi32, #tpu.memory_space<hbm>> -> memref<32xi32, #tpu.memory_space<hbm>>
      tpu.wait_dma2 semaphore(%run_scoped3A : memref<!tpu.dma_semaphore, #tpu.memory_space<semaphore_mem>>) src(%dma_wait3A_51 : memref<32xi32, #tpu.memory_space<hbm>>) dst(%arg7 : memref<32xi32, #tpu.memory_space<vmem>>)
      tpu.yield
    }) : () -> ()
    "tpu.region"() ({
      %run_scoped3A = tpu.sem_alloc : memref<!tpu.dma_semaphore, #tpu.memory_space<semaphore_mem>>
      %dma_start3A_48 = arith.constant 0 : i32
      %dma_start3A_49 = tpu.memref_slice %arg4[%add3A_25, %dma_start3A_48] : memref<4096x16xf32, #tpu.memory_space<hbm>> -> memref<32x16xf32, #tpu.memory_space<hbm>>
      %dma_start3A_50 = arith.constant 0 : i32
      %dma_start3A_51 = tpu.memref_slice %arg4[%add3A_25, %dma_start3A_50] : memref<4096x16xf32, #tpu.memory_space<hbm>> -> memref<32x16xf32, #tpu.memory_space<hbm>>
      tpu.enqueue_dma source(%dma_start3A_51 : memref<32x16xf32, #tpu.memory_space<hbm>>) target(%arg8 : memref<32x16xf32, #tpu.memory_space<vmem>>) target_semaphore(%run_scoped3A : memref<!tpu.dma_semaphore, #tpu.memory_space<semaphore_mem>>)
      %dma_wait3A_52 = arith.constant 0 : i32
      %dma_wait3A_53 = tpu.memref_slice %arg4[%add3A_25, %dma_wait3A_52] : memref<4096x16xf32, #tpu.memory_space<hbm>> -> memref<32x16xf32, #tpu.memory_space<hbm>>
      %dma_wait3A_54 = arith.constant 0 : i32
      %dma_wait3A_55 = tpu.memref_slice %arg4[%add3A_25, %dma_wait3A_54] : memref<4096x16xf32, #tpu.memory_space<hbm>> -> memref<32x16xf32, #tpu.memory_space<hbm>>
      tpu.wait_dma2 semaphore(%run_scoped3A : memref<!tpu.dma_semaphore, #tpu.memory_space<semaphore_mem>>) src(%dma_wait3A_55 : memref<32x16xf32, #tpu.memory_space<hbm>>) dst(%arg8 : memref<32x16xf32, #tpu.memory_space<vmem>>)
      tpu.yield
    }) : () -> ()
    %add3A_28 = arith.constant 2048 : i32
    %add3A_29 = arith.addi %add3A_28, %add3A_25 : i32
    "tpu.region"() ({
      %run_scoped3A = tpu.sem_alloc : memref<!tpu.dma_semaphore, #tpu.memory_space<semaphore_mem>>
      %dma_start3A_48 = arith.constant 0 : i32
      %dma_start3A_49 = tpu.memref_slice %arg4[%add3A_29, %dma_start3A_48] : memref<4096x16xf32, #tpu.memory_space<hbm>> -> memref<32x16xf32, #tpu.memory_space<hbm>>
      %dma_start3A_50 = arith.constant 0 : i32
      %dma_start3A_51 = tpu.memref_slice %arg4[%add3A_29, %dma_start3A_50] : memref<4096x16xf32, #tpu.memory_space<hbm>> -> memref<32x16xf32, #tpu.memory_space<hbm>>
      tpu.enqueue_dma source(%dma_start3A_51 : memref<32x16xf32, #tpu.memory_space<hbm>>) target(%arg9 : memref<32x16xf32, #tpu.memory_space<vmem>>) target_semaphore(%run_scoped3A : memref<!tpu.dma_semaphore, #tpu.memory_space<semaphore_mem>>)
      %dma_wait3A_52 = arith.constant 0 : i32
      %dma_wait3A_53 = tpu.memref_slice %arg4[%add3A_29, %dma_wait3A_52] : memref<4096x16xf32, #tpu.memory_space<hbm>> -> memref<32x16xf32, #tpu.memory_space<hbm>>
      %dma_wait3A_54 = arith.constant 0 : i32
      %dma_wait3A_55 = tpu.memref_slice %arg4[%add3A_29, %dma_wait3A_54] : memref<4096x16xf32, #tpu.memory_space<hbm>> -> memref<32x16xf32, #tpu.memory_space<hbm>>
      tpu.wait_dma2 semaphore(%run_scoped3A : memref<!tpu.dma_semaphore, #tpu.memory_space<semaphore_mem>>) src(%dma_wait3A_55 : memref<32x16xf32, #tpu.memory_space<hbm>>) dst(%arg9 : memref<32x16xf32, #tpu.memory_space<vmem>>)
      tpu.yield
    }) : () -> ()
    %dma_start3A_30 = arith.constant 0 : i32
    %dma_start3A_31 = arith.constant 0 : i32
    %dma_start3A_32 = tpu.memref_slice %arg2[%dma_start3A_30, %dma_start3A_31] : memref<12288x1024xf32, #tpu.memory_space<hbm>> -> memref<12288x1024xf32, #tpu.memory_space<hbm>>
    tpu.enqueue_indirect_dma source(%dma_start3A_32 : memref<12288x1024xf32, #tpu.memory_space<hbm>>) target(%arg10 : memref<32x1024xf32, #tpu.memory_space<vmem>>) offsets(%arg6 : memref<32xi32, #tpu.memory_space<vmem>>) semaphore(%arg13 : memref<!tpu.dma_semaphore, #tpu.memory_space<semaphore_mem>>)
    %dma_wait3A_33 = arith.constant 0 : i32
    %dma_wait3A_34 = arith.constant 0 : i32
    %dma_wait3A_35 = tpu.memref_slice %arg2[%dma_wait3A_33, %dma_wait3A_34] : memref<12288x1024xf32, #tpu.memory_space<hbm>> -> memref<12288x1024xf32, #tpu.memory_space<hbm>>
    tpu.wait_indirect_dma semaphore(%arg13 : memref<!tpu.dma_semaphore, #tpu.memory_space<semaphore_mem>>) src(%dma_wait3A_35 : memref<12288x1024xf32, #tpu.memory_space<hbm>>) dst(%arg10 : memref<32x1024xf32, #tpu.memory_space<vmem>>)
    %dma_start3A_36 = arith.constant 0 : i32
    %dma_start3A_37 = arith.constant 0 : i32
    %dma_start3A_38 = tpu.memref_slice %arg2[%dma_start3A_36, %dma_start3A_37] : memref<12288x1024xf32, #tpu.memory_space<hbm>> -> memref<12288x1024xf32, #tpu.memory_space<hbm>>
    tpu.enqueue_indirect_dma source(%dma_start3A_38 : memref<12288x1024xf32, #tpu.memory_space<hbm>>) target(%arg11 : memref<32x1024xf32, #tpu.memory_space<vmem>>) offsets(%arg7 : memref<32xi32, #tpu.memory_space<vmem>>) semaphore(%arg13 : memref<!tpu.dma_semaphore, #tpu.memory_space<semaphore_mem>>)
    %dma_wait3A_39 = arith.constant 0 : i32
    %dma_wait3A_40 = arith.constant 0 : i32
    %dma_wait3A_41 = tpu.memref_slice %arg2[%dma_wait3A_39, %dma_wait3A_40] : memref<12288x1024xf32, #tpu.memory_space<hbm>> -> memref<12288x1024xf32, #tpu.memory_space<hbm>>
    tpu.wait_indirect_dma semaphore(%arg13 : memref<!tpu.dma_semaphore, #tpu.memory_space<semaphore_mem>>) src(%dma_wait3A_41 : memref<12288x1024xf32, #tpu.memory_space<hbm>>) dst(%arg11 : memref<32x1024xf32, #tpu.memory_space<vmem>>)
    %scan3A_42 = arith.constant 0 : i32
    %scan3A_43 = arith.constant 0 : i32
    %scan3A_44 = arith.constant 32 : i32
    %scan3A_45 = arith.addi %scan3A_43, %scan3A_44 : i32
    %scan3A_46 = arith.constant 1 : i32
    scf.for %scan3A_48 = %scan3A_43 to %scan3A_45 step %scan3A_46  : i32 {
      %get3A = arith.index_cast %scan3A_48 : i32 to index
      %get3A_49 = arith.constant 0 : index
      %get3A_50 = tpu.vector_load %arg8[%get3A, %get3A_49] {strides = array<i32>} : memref<32x16xf32, #tpu.memory_space<vmem>>, vector<1x16xf32>,
      %get3A_51 = vector.shape_cast %get3A_50 : vector<1x16xf32> to vector<16xf32>
      %get3A_52 = arith.index_cast %scan3A_48 : i32 to index
      %get3A_53 = arith.constant 0 : index
      %get3A_54 = tpu.vector_load %arg9[%get3A_52, %get3A_53] {strides = array<i32>} : memref<32x16xf32, #tpu.memory_space<vmem>>, vector<1x16xf32>,
      %get3A_55 = vector.shape_cast %get3A_54 : vector<1x16xf32> to vector<16xf32>
      %scan3A_56 = arith.constant 0 : i32
      %scan3A_57 = arith.constant 0 : i32
      %scan3A_58 = arith.constant 64 : i32
      %scan3A_59 = arith.addi %scan3A_57, %scan3A_58 : i32
      %scan3A_60 = arith.constant 8 : i32
      scf.for %scan3A_62 = %scan3A_57 to %scan3A_59 step %scan3A_60  : i32 {
        %shift_left3A = arith.constant 4 : i32
        %shift_left3A_63 = arith.shli %scan3A_62, %shift_left3A : i32
        %multiple_of3A = tpu.assume_multiple %shift_left3A_63, 16 : i32
        %get3A_64 = arith.index_cast %scan3A_48 : i32 to index
        %get3A_65 = arith.index_cast %multiple_of3A : i32 to index
        %get3A_66 = tpu.vector_load %arg10[%get3A_64, %get3A_65] {strides = array<i32>} : memref<32x1024xf32, #tpu.memory_space<vmem>>, vector<1x16xf32>,
        %get3A_67 = vector.shape_cast %get3A_66 : vector<1x16xf32> to vector<16xf32>
        %mul3A_68 = arith.mulf %get3A_67, %get3A_51 : vector<16xf32>
        %get3A_69 = arith.index_cast %scan3A_48 : i32 to index
        %get3A_70 = arith.index_cast %multiple_of3A : i32 to index
        %get3A_71 = tpu.vector_load %arg11[%get3A_69, %get3A_70] {strides = array<i32>} : memref<32x1024xf32, #tpu.memory_space<vmem>>, vector<1x16xf32>,
        %get3A_72 = vector.shape_cast %get3A_71 : vector<1x16xf32> to vector<16xf32>
        %mul3A_73 = arith.mulf %get3A_72, %get3A_55 : vector<16xf32>
        %add3A_74 = arith.addf %mul3A_68, %mul3A_73 : vector<16xf32>
        %swap3A = arith.index_cast %scan3A_48 : i32 to index
        %swap3A_75 = arith.index_cast %multiple_of3A : i32 to index
        %swap3A_76 = tpu.vector_load %arg12[%swap3A, %swap3A_75] {strides = array<i32>} : memref<32x1024xf32, #tpu.memory_space<vmem>>, vector<1x16xf32>,
        %swap3A_77 = vector.shape_cast %swap3A_76 : vector<1x16xf32> to vector<16xf32>
        %swap3A_78 = vector.shape_cast %add3A_74 : vector<16xf32> to vector<1x16xf32>
        tpu.vector_store %arg12[%swap3A, %swap3A_75], %swap3A_78 {strides = array<i32>} : memref<32x1024xf32, #tpu.memory_space<vmem>>, vector<1x16xf32>,
        %scan3A_79 = arith.constant 1 : i32
        %scan3A_80 = arith.addi %scan3A_62, %scan3A_79 : i32
        %shift_left3A_81 = arith.constant 4 : i32
        %shift_left3A_82 = arith.shli %scan3A_80, %shift_left3A_81 : i32
        %multiple_of3A_83 = tpu.assume_multiple %shift_left3A_82, 16 : i32
        %get3A_84 = arith.index_cast %scan3A_48 : i32 to index
        %get3A_85 = arith.index_cast %multiple_of3A_83 : i32 to index
        %get3A_86 = tpu.vector_load %arg10[%get3A_84, %get3A_85] {strides = array<i32>} : memref<32x1024xf32, #tpu.memory_space<vmem>>, vector<1x16xf32>,
        %get3A_87 = vector.shape_cast %get3A_86 : vector<1x16xf32> to vector<16xf32>
        %mul3A_88 = arith.mulf %get3A_87, %get3A_51 : vector<16xf32>
        %get3A_89 = arith.index_cast %scan3A_48 : i32 to index
        %get3A_90 = arith.index_cast %multiple_of3A_83 : i32 to index
        %get3A_91 = tpu.vector_load %arg11[%get3A_89, %get3A_90] {strides = array<i32>} : memref<32x1024xf32, #tpu.memory_space<vmem>>, vector<1x16xf32>,
        %get3A_92 = vector.shape_cast %get3A_91 : vector<1x16xf32> to vector<16xf32>
        %mul3A_93 = arith.mulf %get3A_92, %get3A_55 : vector<16xf32>
        %add3A_94 = arith.addf %mul3A_88, %mul3A_93 : vector<16xf32>
        %swap3A_95 = arith.index_cast %scan3A_48 : i32 to index
        %swap3A_96 = arith.index_cast %multiple_of3A_83 : i32 to index
        %swap3A_97 = tpu.vector_load %arg12[%swap3A_95, %swap3A_96] {strides = array<i32>} : memref<32x1024xf32, #tpu.memory_space<vmem>>, vector<1x16xf32>,
        %swap3A_98 = vector.shape_cast %swap3A_97 : vector<1x16xf32> to vector<16xf32>
        %swap3A_99 = vector.shape_cast %add3A_94 : vector<16xf32> to vector<1x16xf32>
        tpu.vector_store %arg12[%swap3A_95, %swap3A_96], %swap3A_99 {strides = array<i32>} : memref<32x1024xf32, #tpu.memory_space<vmem>>, vector<1x16xf32>,
        %scan3A_100 = arith.constant 2 : i32
        %scan3A_101 = arith.addi %scan3A_62, %scan3A_100 : i32
        %shift_left3A_102 = arith.constant 4 : i32
        %shift_left3A_103 = arith.shli %scan3A_101, %shift_left3A_102 : i32
        %multiple_of3A_104 = tpu.assume_multiple %shift_left3A_103, 16 : i32
        %get3A_105 = arith.index_cast %scan3A_48 : i32 to index
        %get3A_106 = arith.index_cast %multiple_of3A_104 : i32 to index
        %get3A_107 = tpu.vector_load %arg10[%get3A_105, %get3A_106] {strides = array<i32>} : memref<32x1024xf32, #tpu.memory_space<vmem>>, vector<1x16xf32>,
        %get3A_108 = vector.shape_cast %get3A_107 : vector<1x16xf32> to vector<16xf32>
        %mul3A_109 = arith.mulf %get3A_108, %get3A_51 : vector<16xf32>
        %get3A_110 = arith.index_cast %scan3A_48 : i32 to index
        %get3A_111 = arith.index_cast %multiple_of3A_104 : i32 to index
        %get3A_112 = tpu.vector_load %arg11[%get3A_110, %get3A_111] {strides = array<i32>} : memref<32x1024xf32, #tpu.memory_space<vmem>>, vector<1x16xf32>,
        %get3A_113 = vector.shape_cast %get3A_112 : vector<1x16xf32> to vector<16xf32>
        %mul3A_114 = arith.mulf %get3A_113, %get3A_55 : vector<16xf32>
        %add3A_115 = arith.addf %mul3A_109, %mul3A_114 : vector<16xf32>
        %swap3A_116 = arith.index_cast %scan3A_48 : i32 to index
        %swap3A_117 = arith.index_cast %multiple_of3A_104 : i32 to index
        %swap3A_118 = tpu.vector_load %arg12[%swap3A_116, %swap3A_117] {strides = array<i32>} : memref<32x1024xf32, #tpu.memory_space<vmem>>, vector<1x16xf32>,
        %swap3A_119 = vector.shape_cast %swap3A_118 : vector<1x16xf32> to vector<16xf32>
        %swap3A_120 = vector.shape_cast %add3A_115 : vector<16xf32> to vector<1x16xf32>
        tpu.vector_store %arg12[%swap3A_116, %swap3A_117], %swap3A_120 {strides = array<i32>} : memref<32x1024xf32, #tpu.memory_space<vmem>>, vector<1x16xf32>,
        %scan3A_121 = arith.constant 3 : i32
        %scan3A_122 = arith.addi %scan3A_62, %scan3A_121 : i32
        %shift_left3A_123 = arith.constant 4 : i32
        %shift_left3A_124 = arith.shli %scan3A_122, %shift_left3A_123 : i32
        %multiple_of3A_125 = tpu.assume_multiple %shift_left3A_124, 16 : i32
        %get3A_126 = arith.index_cast %scan3A_48 : i32 to index
        %get3A_127 = arith.index_cast %multiple_of3A_125 : i32 to index
        %get3A_128 = tpu.vector_load %arg10[%get3A_126, %get3A_127] {strides = array<i32>} : memref<32x1024xf32, #tpu.memory_space<vmem>>, vector<1x16xf32>,
        %get3A_129 = vector.shape_cast %get3A_128 : vector<1x16xf32> to vector<16xf32>
        %mul3A_130 = arith.mulf %get3A_129, %get3A_51 : vector<16xf32>
        %get3A_131 = arith.index_cast %scan3A_48 : i32 to index
        %get3A_132 = arith.index_cast %multiple_of3A_125 : i32 to index
        %get3A_133 = tpu.vector_load %arg11[%get3A_131, %get3A_132] {strides = array<i32>} : memref<32x1024xf32, #tpu.memory_space<vmem>>, vector<1x16xf32>,
        %get3A_134 = vector.shape_cast %get3A_133 : vector<1x16xf32> to vector<16xf32>
        %mul3A_135 = arith.mulf %get3A_134, %get3A_55 : vector<16xf32>
        %add3A_136 = arith.addf %mul3A_130, %mul3A_135 : vector<16xf32>
        %swap3A_137 = arith.index_cast %scan3A_48 : i32 to index
        %swap3A_138 = arith.index_cast %multiple_of3A_125 : i32 to index
        %swap3A_139 = tpu.vector_load %arg12[%swap3A_137, %swap3A_138] {strides = array<i32>} : memref<32x1024xf32, #tpu.memory_space<vmem>>, vector<1x16xf32>,
        %swap3A_140 = vector.shape_cast %swap3A_139 : vector<1x16xf32> to vector<16xf32>
        %swap3A_141 = vector.shape_cast %add3A_136 : vector<16xf32> to vector<1x16xf32>
        tpu.vector_store %arg12[%swap3A_137, %swap3A_138], %swap3A_141 {strides = array<i32>} : memref<32x1024xf32, #tpu.memory_space<vmem>>, vector<1x16xf32>,
        %scan3A_142 = arith.constant 4 : i32
        %scan3A_143 = arith.addi %scan3A_62, %scan3A_142 : i32
        %shift_left3A_144 = arith.constant 4 : i32
        %shift_left3A_145 = arith.shli %scan3A_143, %shift_left3A_144 : i32
        %multiple_of3A_146 = tpu.assume_multiple %shift_left3A_145, 16 : i32
        %get3A_147 = arith.index_cast %scan3A_48 : i32 to index
        %get3A_148 = arith.index_cast %multiple_of3A_146 : i32 to index
        %get3A_149 = tpu.vector_load %arg10[%get3A_147, %get3A_148] {strides = array<i32>} : memref<32x1024xf32, #tpu.memory_space<vmem>>, vector<1x16xf32>,
        %get3A_150 = vector.shape_cast %get3A_149 : vector<1x16xf32> to vector<16xf32>
        %mul3A_151 = arith.mulf %get3A_150, %get3A_51 : vector<16xf32>
        %get3A_152 = arith.index_cast %scan3A_48 : i32 to index
        %get3A_153 = arith.index_cast %multiple_of3A_146 : i32 to index
        %get3A_154 = tpu.vector_load %arg11[%get3A_152, %get3A_153] {strides = array<i32>} : memref<32x1024xf32, #tpu.memory_space<vmem>>, vector<1x16xf32>,
        %get3A_155 = vector.shape_cast %get3A_154 : vector<1x16xf32> to vector<16xf32>
        %mul3A_156 = arith.mulf %get3A_155, %get3A_55 : vector<16xf32>
        %add3A_157 = arith.addf %mul3A_151, %mul3A_156 : vector<16xf32>
        %swap3A_158 = arith.index_cast %scan3A_48 : i32 to index
        %swap3A_159 = arith.index_cast %multiple_of3A_146 : i32 to index
        %swap3A_160 = tpu.vector_load %arg12[%swap3A_158, %swap3A_159] {strides = array<i32>} : memref<32x1024xf32, #tpu.memory_space<vmem>>, vector<1x16xf32>,
        %swap3A_161 = vector.shape_cast %swap3A_160 : vector<1x16xf32> to vector<16xf32>
        %swap3A_162 = vector.shape_cast %add3A_157 : vector<16xf32> to vector<1x16xf32>
        tpu.vector_store %arg12[%swap3A_158, %swap3A_159], %swap3A_162 {strides = array<i32>} : memref<32x1024xf32, #tpu.memory_space<vmem>>, vector<1x16xf32>,
        %scan3A_163 = arith.constant 5 : i32
        %scan3A_164 = arith.addi %scan3A_62, %scan3A_163 : i32
        %shift_left3A_165 = arith.constant 4 : i32
        %shift_left3A_166 = arith.shli %scan3A_164, %shift_left3A_165 : i32
        %multiple_of3A_167 = tpu.assume_multiple %shift_left3A_166, 16 : i32
        %get3A_168 = arith.index_cast %scan3A_48 : i32 to index
        %get3A_169 = arith.index_cast %multiple_of3A_167 : i32 to index
        %get3A_170 = tpu.vector_load %arg10[%get3A_168, %get3A_169] {strides = array<i32>} : memref<32x1024xf32, #tpu.memory_space<vmem>>, vector<1x16xf32>,
        %get3A_171 = vector.shape_cast %get3A_170 : vector<1x16xf32> to vector<16xf32>
        %mul3A_172 = arith.mulf %get3A_171, %get3A_51 : vector<16xf32>
        %get3A_173 = arith.index_cast %scan3A_48 : i32 to index
        %get3A_174 = arith.index_cast %multiple_of3A_167 : i32 to index
        %get3A_175 = tpu.vector_load %arg11[%get3A_173, %get3A_174] {strides = array<i32>} : memref<32x1024xf32, #tpu.memory_space<vmem>>, vector<1x16xf32>,
        %get3A_176 = vector.shape_cast %get3A_175 : vector<1x16xf32> to vector<16xf32>
        %mul3A_177 = arith.mulf %get3A_176, %get3A_55 : vector<16xf32>
        %add3A_178 = arith.addf %mul3A_172, %mul3A_177 : vector<16xf32>
        %swap3A_179 = arith.index_cast %scan3A_48 : i32 to index
        %swap3A_180 = arith.index_cast %multiple_of3A_167 : i32 to index
        %swap3A_181 = tpu.vector_load %arg12[%swap3A_179, %swap3A_180] {strides = array<i32>} : memref<32x1024xf32, #tpu.memory_space<vmem>>, vector<1x16xf32>,
        %swap3A_182 = vector.shape_cast %swap3A_181 : vector<1x16xf32> to vector<16xf32>
        %swap3A_183 = vector.shape_cast %add3A_178 : vector<16xf32> to vector<1x16xf32>
        tpu.vector_store %arg12[%swap3A_179, %swap3A_180], %swap3A_183 {strides = array<i32>} : memref<32x1024xf32, #tpu.memory_space<vmem>>, vector<1x16xf32>,
        %scan3A_184 = arith.constant 6 : i32
        %scan3A_185 = arith.addi %scan3A_62, %scan3A_184 : i32
        %shift_left3A_186 = arith.constant 4 : i32
        %shift_left3A_187 = arith.shli %scan3A_185, %shift_left3A_186 : i32
        %multiple_of3A_188 = tpu.assume_multiple %shift_left3A_187, 16 : i32
        %get3A_189 = arith.index_cast %scan3A_48 : i32 to index
        %get3A_190 = arith.index_cast %multiple_of3A_188 : i32 to index
        %get3A_191 = tpu.vector_load %arg10[%get3A_189, %get3A_190] {strides = array<i32>} : memref<32x1024xf32, #tpu.memory_space<vmem>>, vector<1x16xf32>,
        %get3A_192 = vector.shape_cast %get3A_191 : vector<1x16xf32> to vector<16xf32>
        %mul3A_193 = arith.mulf %get3A_192, %get3A_51 : vector<16xf32>
        %get3A_194 = arith.index_cast %scan3A_48 : i32 to index
        %get3A_195 = arith.index_cast %multiple_of3A_188 : i32 to index
        %get3A_196 = tpu.vector_load %arg11[%get3A_194, %get3A_195] {strides = array<i32>} : memref<32x1024xf32, #tpu.memory_space<vmem>>, vector<1x16xf32>,
        %get3A_197 = vector.shape_cast %get3A_196 : vector<1x16xf32> to vector<16xf32>
        %mul3A_198 = arith.mulf %get3A_197, %get3A_55 : vector<16xf32>
        %add3A_199 = arith.addf %mul3A_193, %mul3A_198 : vector<16xf32>
        %swap3A_200 = arith.index_cast %scan3A_48 : i32 to index
        %swap3A_201 = arith.index_cast %multiple_of3A_188 : i32 to index
        %swap3A_202 = tpu.vector_load %arg12[%swap3A_200, %swap3A_201] {strides = array<i32>} : memref<32x1024xf32, #tpu.memory_space<vmem>>, vector<1x16xf32>,
        %swap3A_203 = vector.shape_cast %swap3A_202 : vector<1x16xf32> to vector<16xf32>
        %swap3A_204 = vector.shape_cast %add3A_199 : vector<16xf32> to vector<1x16xf32>
        tpu.vector_store %arg12[%swap3A_200, %swap3A_201], %swap3A_204 {strides = array<i32>} : memref<32x1024xf32, #tpu.memory_space<vmem>>, vector<1x16xf32>,
        %scan3A_205 = arith.constant 7 : i32
        %scan3A_206 = arith.addi %scan3A_62, %scan3A_205 : i32
        %shift_left3A_207 = arith.constant 4 : i32
        %shift_left3A_208 = arith.shli %scan3A_206, %shift_left3A_207 : i32
        %multiple_of3A_209 = tpu.assume_multiple %shift_left3A_208, 16 : i32
        %get3A_210 = arith.index_cast %scan3A_48 : i32 to index
        %get3A_211 = arith.index_cast %multiple_of3A_209 : i32 to index
        %get3A_212 = tpu.vector_load %arg10[%get3A_210, %get3A_211] {strides = array<i32>} : memref<32x1024xf32, #tpu.memory_space<vmem>>, vector<1x16xf32>,
        %get3A_213 = vector.shape_cast %get3A_212 : vector<1x16xf32> to vector<16xf32>
        %mul3A_214 = arith.mulf %get3A_213, %get3A_51 : vector<16xf32>
        %get3A_215 = arith.index_cast %scan3A_48 : i32 to index
        %get3A_216 = arith.index_cast %multiple_of3A_209 : i32 to index
        %get3A_217 = tpu.vector_load %arg11[%get3A_215, %get3A_216] {strides = array<i32>} : memref<32x1024xf32, #tpu.memory_space<vmem>>, vector<1x16xf32>,
        %get3A_218 = vector.shape_cast %get3A_217 : vector<1x16xf32> to vector<16xf32>
        %mul3A_219 = arith.mulf %get3A_218, %get3A_55 : vector<16xf32>
        %add3A_220 = arith.addf %mul3A_214, %mul3A_219 : vector<16xf32>
        %swap3A_221 = arith.index_cast %scan3A_48 : i32 to index
        %swap3A_222 = arith.index_cast %multiple_of3A_209 : i32 to index
        %swap3A_223 = tpu.vector_load %arg12[%swap3A_221, %swap3A_222] {strides = array<i32>} : memref<32x1024xf32, #tpu.memory_space<vmem>>, vector<1x16xf32>,
        %swap3A_224 = vector.shape_cast %swap3A_223 : vector<1x16xf32> to vector<16xf32>
        %swap3A_225 = vector.shape_cast %add3A_220 : vector<16xf32> to vector<1x16xf32>
        tpu.vector_store %arg12[%swap3A_221, %swap3A_222], %swap3A_225 {strides = array<i32>} : memref<32x1024xf32, #tpu.memory_space<vmem>>, vector<1x16xf32>,
      }
      %scan3A_61 = arith.constant 64 : i32
    }
    %scan3A_47 = arith.constant 32 : i32
    "tpu.region"() ({
      %run_scoped3A = tpu.sem_alloc : memref<!tpu.dma_semaphore, #tpu.memory_space<semaphore_mem>>
      %dma_start3A_48 = arith.constant 0 : i32
      %dma_start3A_49 = tpu.memref_slice %arg5[%add3A_25, %dma_start3A_48] : memref<2048x1024xf32, #tpu.memory_space<hbm>> -> memref<32x1024xf32, #tpu.memory_space<hbm>>
      %dma_start3A_50 = arith.constant 0 : i32
      %dma_start3A_51 = tpu.memref_slice %arg5[%add3A_25, %dma_start3A_50] : memref<2048x1024xf32, #tpu.memory_space<hbm>> -> memref<32x1024xf32, #tpu.memory_space<hbm>>
      tpu.enqueue_dma source(%arg12 : memref<32x1024xf32, #tpu.memory_space<vmem>>) target(%dma_start3A_51 : memref<32x1024xf32, #tpu.memory_space<hbm>>) target_semaphore(%run_scoped3A : memref<!tpu.dma_semaphore, #tpu.memory_space<semaphore_mem>>)
      %dma_wait3A_52 = arith.constant 0 : i32
      %dma_wait3A_53 = tpu.memref_slice %arg5[%add3A_25, %dma_wait3A_52] : memref<2048x1024xf32, #tpu.memory_space<hbm>> -> memref<32x1024xf32, #tpu.memory_space<hbm>>
      %dma_wait3A_54 = arith.constant 0 : i32
      %dma_wait3A_55 = tpu.memref_slice %arg5[%add3A_25, %dma_wait3A_54] : memref<2048x1024xf32, #tpu.memory_space<hbm>> -> memref<32x1024xf32, #tpu.memory_space<hbm>>
      tpu.wait_dma2 semaphore(%run_scoped3A : memref<!tpu.dma_semaphore, #tpu.memory_space<semaphore_mem>>) src(%arg12 : memref<32x1024xf32, #tpu.memory_space<vmem>>) dst(%dma_wait3A_55 : memref<32x1024xf32, #tpu.memory_space<hbm>>)
      tpu.yield
    }) : () -> ()
    return
  }
}

module attributes {stable_mosaic.version = 14 : i64} {
  func.func @_moe_body(%arg0: i32, %arg1: memref<96xi32, #tpu.memory_space<smem>>, %arg2: memref<1xi32, #tpu.memory_space<smem>>, %arg3: memref<128x1024xf32, #tpu.memory_space<vmem>>, %arg4: memref<1x1024x2048xf32, #tpu.memory_space<vmem>>, %arg5: memref<1x1024x1024xf32, #tpu.memory_space<vmem>>, %arg6: memref<128x1024xf32, #tpu.memory_space<vmem>>) attributes {dimension_semantics = [#tpu.dimension_semantics<arbitrary>], iteration_bounds = array<i64: 96>, scalar_prefetch = 2 : i64, scratch_operands = 0 : i64, tpu.core_type = #tpu.core_type<tc>, window_params = [{transform_indices = @transform_0, window_bounds = array<i64: 128, 1024>}, {transform_indices = @transform_1, window_bounds = array<i64: 1, 1024, 2048>}, {transform_indices = @transform_2, window_bounds = array<i64: 1, 1024, 1024>}, {transform_indices = @transform_3, window_bounds = array<i64: 128, 1024>}]} {
    %get3A = arith.constant 0 : index
    %get3A_0 = memref.load %arg2[%get3A] : memref<1xi32, #tpu.memory_space<smem>>
    %lt3A = arith.cmpi slt, %arg0, %get3A_0 : i32
    %convert_element_type3A = arith.extui %lt3A : i1 to i32
    %cond3A = arith.constant 0 : i32
    %cond3A_1 = arith.cmpi ne, %convert_element_type3A, %cond3A : i32
    scf.if %cond3A_1 {
      %get3A_2 = arith.constant 0 : index
      %get3A_3 = arith.constant 0 : index
      %get3A_4 = vector.load %arg3[%get3A_2, %get3A_3] : memref<128x1024xf32, #tpu.memory_space<vmem>>, vector<128x1024xf32>
      %get3A_5 = arith.constant 0 : index
      %get3A_6 = arith.constant 0 : index
      %get3A_7 = arith.constant 0 : index
      %get3A_8 = vector.load %arg4[%get3A_5, %get3A_6, %get3A_7] : memref<1x1024x2048xf32, #tpu.memory_space<vmem>>, vector<1x1024x2048xf32>
      %get3A_9 = vector.shape_cast %get3A_8 : vector<1x1024x2048xf32> to vector<1024x2048xf32>
      %dot_general3A = arith.constant dense<0.000000e+00> : vector<128x2048xf32>
      %dot_general3A_10 = tpu.matmul %get3A_4, %get3A_9, %dot_general3A {dimension_numbers = #tpu.dot_dimension_numbers<[1], [0], [0], [1], [0, 0, 1, 1], [], []>, transpose_lhs_hint = false} : vector<128x1024xf32>, vector<1024x2048xf32>, vector<128x2048xf32> -> vector<128x2048xf32>
      %slice3A = vector.extract_strided_slice %dot_general3A_10 {offsets = [0, 0], sizes = [128, 1024], strides = [1, 1]} : vector<128x2048xf32> to vector<128x1024xf32>
      %slice3A_11 = vector.extract_strided_slice %dot_general3A_10 {offsets = [0, 1024], sizes = [128, 1024], strides = [1, 1]} : vector<128x2048xf32> to vector<128x1024xf32>
      %logistic3A = arith.negf %slice3A : vector<128x1024xf32>
      %logistic3A_12 = math.exp %logistic3A : vector<128x1024xf32>
      %logistic3A_13 = arith.constant 1.000000e+00 : f32
      %logistic3A_14 = vector.broadcast %logistic3A_13 : f32 to vector<128x1024xf32>
      %logistic3A_15 = arith.addf %logistic3A_14, %logistic3A_12 : vector<128x1024xf32>
      %logistic3A_16 = arith.divf %logistic3A_14, %logistic3A_15 : vector<128x1024xf32>
      %mul3A = arith.mulf %slice3A, %logistic3A_16 : vector<128x1024xf32>
      %mul3A_17 = arith.mulf %mul3A, %slice3A_11 : vector<128x1024xf32>
      %get3A_18 = arith.constant 0 : index
      %get3A_19 = arith.constant 0 : index
      %get3A_20 = arith.constant 0 : index
      %get3A_21 = vector.load %arg5[%get3A_18, %get3A_19, %get3A_20] : memref<1x1024x1024xf32, #tpu.memory_space<vmem>>, vector<1x1024x1024xf32>
      %get3A_22 = vector.shape_cast %get3A_21 : vector<1x1024x1024xf32> to vector<1024x1024xf32>
      %dot_general3A_23 = arith.constant dense<0.000000e+00> : vector<128x1024xf32>
      %dot_general3A_24 = tpu.matmul %mul3A_17, %get3A_22, %dot_general3A_23 {dimension_numbers = #tpu.dot_dimension_numbers<[1], [0], [0], [1], [0, 0, 1, 1], [], []>, transpose_lhs_hint = false} : vector<128x1024xf32>, vector<1024x1024xf32>, vector<128x1024xf32> -> vector<128x1024xf32>
      %swap3A = arith.constant 0 : index
      %swap3A_25 = arith.constant 0 : index
      %swap3A_26 = vector.load %arg6[%swap3A, %swap3A_25] : memref<128x1024xf32, #tpu.memory_space<vmem>>, vector<128x1024xf32>
      tpu.vector_store %arg6[%swap3A, %swap3A_25], %dot_general3A_24 {strides = array<i32>} : memref<128x1024xf32, #tpu.memory_space<vmem>>, vector<128x1024xf32>,
    } else {
    }
    return
  }
  func.func @transform_0(%arg0: i32, %arg1: memref<96xi32, #tpu.memory_space<smem>>, %arg2: memref<1xi32, #tpu.memory_space<smem>>) -> (i32, i32) {
    %get3A = arith.constant 0 : index
    %get3A_0 = memref.load %arg2[%get3A] : memref<1xi32, #tpu.memory_space<smem>>
    %lt3A = arith.cmpi slt, %arg0, %get3A_0 : i32
    %jit3A = arith.constant 0 : i32
    %select_n3A = arith.select %lt3A, %arg0, %jit3A : i32
    %c0_i32 = arith.constant 0 : i32
    %c0_i32_1 = arith.constant 0 : i32
    return %select_n3A, %c0_i32 : i32, i32
  }
  func.func @transform_1(%arg0: i32, %arg1: memref<96xi32, #tpu.memory_space<smem>>, %arg2: memref<1xi32, #tpu.memory_space<smem>>) -> (i32, i32, i32) {
    %get3A = arith.index_cast %arg0 : i32 to index
    %get3A_0 = memref.load %arg1[%get3A] : memref<96xi32, #tpu.memory_space<smem>>
    %c0_i32 = arith.constant 0 : i32
    %c0_i32_1 = arith.constant 0 : i32
    %c0_i32_2 = arith.constant 0 : i32
    return %get3A_0, %c0_i32, %c0_i32_1 : i32, i32, i32
  }
  func.func @transform_2(%arg0: i32, %arg1: memref<96xi32, #tpu.memory_space<smem>>, %arg2: memref<1xi32, #tpu.memory_space<smem>>) -> (i32, i32, i32) {
    %get3A = arith.index_cast %arg0 : i32 to index
    %get3A_0 = memref.load %arg1[%get3A] : memref<96xi32, #tpu.memory_space<smem>>
    %c0_i32 = arith.constant 0 : i32
    %c0_i32_1 = arith.constant 0 : i32
    %c0_i32_2 = arith.constant 0 : i32
    return %get3A_0, %c0_i32, %c0_i32_1 : i32, i32, i32
  }
  func.func @transform_3(%arg0: i32, %arg1: memref<96xi32, #tpu.memory_space<smem>>, %arg2: memref<1xi32, #tpu.memory_space<smem>>) -> (i32, i32) {
    %c0_i32 = arith.constant 0 : i32
    %c0_i32_0 = arith.constant 0 : i32
    return %arg0, %c0_i32 : i32, i32
  }
}

module attributes {stable_mosaic.version = 14 : i64} {
  func.func @_router_body(%arg0: memref<2048x1024xf32, #tpu.memory_space<vmem>>, %arg1: memref<64x1024xf32, #tpu.memory_space<vmem>>, %arg2: memref<4096x16xf32, #tpu.memory_space<vmem>>, %arg3: memref<4096x1xi32, #tpu.memory_space<vmem>>, %arg4: memref<1x96xi32, #tpu.memory_space<vmem>>, %arg5: memref<1x1xi32, #tpu.memory_space<vmem>>) attributes {dimension_semantics = [], scalar_prefetch = 0 : i64, scratch_operands = 0 : i64, tpu.core_type = #tpu.core_type<tc>} {
    %get3A = arith.constant 0 : index
    %get3A_0 = arith.constant 0 : index
    %get3A_1 = vector.load %arg0[%get3A, %get3A_0] : memref<2048x1024xf32, #tpu.memory_space<vmem>>, vector<2048x1024xf32>
    %get3A_2 = arith.constant 0 : index
    %get3A_3 = arith.constant 0 : index
    %get3A_4 = vector.load %arg1[%get3A_2, %get3A_3] : memref<64x1024xf32, #tpu.memory_space<vmem>>, vector<64x1024xf32>
    %dot_general3A = arith.constant dense<0.000000e+00> : vector<2048x64xf32>
    %dot_general3A_5 = tpu.matmul %get3A_1, %get3A_4, %dot_general3A {dimension_numbers = #tpu.dot_dimension_numbers<[1], [1], [0], [0], [0, 0, 1, 0], [], []>, transpose_lhs_hint = false} : vector<2048x1024xf32>, vector<64x1024xf32>, vector<2048x64xf32> -> vector<2048x64xf32>
    %logistic3A = arith.negf %dot_general3A_5 : vector<2048x64xf32>
    %logistic3A_6 = math.exp %logistic3A : vector<2048x64xf32>
    %logistic3A_7 = arith.constant 1.000000e+00 : f32
    %logistic3A_8 = vector.broadcast %logistic3A_7 : f32 to vector<2048x64xf32>
    %logistic3A_9 = arith.addf %logistic3A_8, %logistic3A_6 : vector<2048x64xf32>
    %logistic3A_10 = arith.divf %logistic3A_8, %logistic3A_9 : vector<2048x64xf32>
    %iota3A = tpu.iota {dimensions = array<i32: 1>} : vector<2048x64xi32>
    %reduce_max3A = arith.constant dense<0xFF800000> : vector<2048xf32>
    %reduce_max3A_11 = vector.multi_reduction <maximumf>, %logistic3A_10, %reduce_max3A [1] : vector<2048x64xf32> to vector<2048xf32>
    %broadcast_in_dim3A = vector.shape_cast %reduce_max3A_11 : vector<2048xf32> to vector<2048x1xf32>
    %eq3A = vector.broadcast %broadcast_in_dim3A : vector<2048x1xf32> to vector<2048x64xf32>
    %eq3A_12 = arith.cmpf oeq, %logistic3A_10, %eq3A : vector<2048x64xf32>
    %jit3A = arith.constant 64 : i32
    %broadcast_in_dim3A_13 = vector.broadcast %jit3A : i32 to vector<2048x64xi32>
    %select_n3A = arith.select %eq3A_12, %iota3A, %broadcast_in_dim3A_13 : vector<2048x64xi1>, vector<2048x64xi32>
    %reduce_min3A = arith.constant dense<2147483647> : vector<2048xi32>
    %reduce_min3A_14 = vector.multi_reduction <minsi>, %select_n3A, %reduce_min3A [1] : vector<2048x64xi32> to vector<2048xi32>
    %broadcast_in_dim3A_15 = vector.shape_cast %reduce_min3A_14 : vector<2048xi32> to vector<2048x1xi32>
    %eq3A_16 = vector.broadcast %broadcast_in_dim3A_15 : vector<2048x1xi32> to vector<2048x64xi32>
    %eq3A_17 = arith.cmpi eq, %iota3A, %eq3A_16 : vector<2048x64xi32>
    %jit3A_18 = arith.constant 0xFF800000 : f32
    %broadcast_in_dim3A_19 = vector.broadcast %jit3A_18 : f32 to vector<2048x64xf32>
    %select_n3A_20 = arith.select %eq3A_17, %broadcast_in_dim3A_19, %logistic3A_10 : vector<2048x64xi1>, vector<2048x64xf32>
    %reduce_max3A_21 = arith.constant dense<0xFF800000> : vector<2048xf32>
    %reduce_max3A_22 = vector.multi_reduction <maximumf>, %select_n3A_20, %reduce_max3A_21 [1] : vector<2048x64xf32> to vector<2048xf32>
    %broadcast_in_dim3A_23 = vector.shape_cast %reduce_max3A_22 : vector<2048xf32> to vector<2048x1xf32>
    %eq3A_24 = vector.broadcast %broadcast_in_dim3A_23 : vector<2048x1xf32> to vector<2048x64xf32>
    %eq3A_25 = arith.cmpf oeq, %select_n3A_20, %eq3A_24 : vector<2048x64xf32>
    %jit3A_26 = arith.constant 64 : i32
    %broadcast_in_dim3A_27 = vector.broadcast %jit3A_26 : i32 to vector<2048x64xi32>
    %select_n3A_28 = arith.select %eq3A_25, %iota3A, %broadcast_in_dim3A_27 : vector<2048x64xi1>, vector<2048x64xi32>
    %reduce_min3A_29 = arith.constant dense<2147483647> : vector<2048xi32>
    %reduce_min3A_30 = vector.multi_reduction <minsi>, %select_n3A_28, %reduce_min3A_29 [1] : vector<2048x64xi32> to vector<2048xi32>
    %broadcast_in_dim3A_31 = vector.shape_cast %reduce_min3A_30 : vector<2048xi32> to vector<2048x1xi32>
    %add3A = arith.addf %broadcast_in_dim3A, %broadcast_in_dim3A_23 : vector<2048x1xf32>
    %div3A = arith.divf %broadcast_in_dim3A, %add3A : vector<2048x1xf32>
    %div3A_32 = arith.divf %broadcast_in_dim3A_23, %add3A : vector<2048x1xf32>
    %concatenate3A = tpu.concatenate %div3A, %div3A_32 in 0 : vector<2048x1xf32>, vector<2048x1xf32> -> vector<4096x1xf32>
    %broadcast_in_dim3A_33 = vector.shape_cast %concatenate3A : vector<4096x1xf32> to vector<4096x1xf32>
    %broadcast_in_dim3A_34 = vector.broadcast %broadcast_in_dim3A_33 : vector<4096x1xf32> to vector<4096x16xf32>
    %swap3A = arith.constant 0 : index
    %swap3A_35 = arith.constant 0 : index
    %swap3A_36 = vector.load %arg2[%swap3A, %swap3A_35] : memref<4096x16xf32, #tpu.memory_space<vmem>>, vector<4096x16xf32>
    tpu.vector_store %arg2[%swap3A, %swap3A_35], %broadcast_in_dim3A_34 {strides = array<i32>} : memref<4096x16xf32, #tpu.memory_space<vmem>>, vector<4096x16xf32>,
    %eq3A_37 = vector.broadcast %broadcast_in_dim3A_15 : vector<2048x1xi32> to vector<2048x64xi32>
    %eq3A_38 = arith.cmpi eq, %iota3A, %eq3A_37 : vector<2048x64xi32>
    %convert_element_type3A = arith.extui %eq3A_38 : vector<2048x64xi1> to vector<2048x64xi32>
    %convert_element_type3A_39 = arith.sitofp %convert_element_type3A : vector<2048x64xi32> to vector<2048x64xf32>
    %eq3A_40 = vector.broadcast %broadcast_in_dim3A_31 : vector<2048x1xi32> to vector<2048x64xi32>
    %eq3A_41 = arith.cmpi eq, %iota3A, %eq3A_40 : vector<2048x64xi32>
    %convert_element_type3A_42 = arith.extui %eq3A_41 : vector<2048x64xi1> to vector<2048x64xi32>
    %convert_element_type3A_43 = arith.sitofp %convert_element_type3A_42 : vector<2048x64xi32> to vector<2048x64xf32>
    %concatenate3A_44 = tpu.concatenate %convert_element_type3A_39, %convert_element_type3A_43 in 0 : vector<2048x64xf32>, vector<2048x64xf32> -> vector<4096x64xf32>
    %iota3A_45 = tpu.iota {dimensions = array<i32: 0>} : vector<256x256xi32>
    %iota3A_46 = tpu.iota {dimensions = array<i32: 1>} : vector<256x256xi32>
    %le3A = arith.cmpi sle, %iota3A_46, %iota3A_45 : vector<256x256xi32>
    %convert_element_type3A_47 = arith.extui %le3A : vector<256x256xi1> to vector<256x256xi32>
    %convert_element_type3A_48 = arith.sitofp %convert_element_type3A_47 : vector<256x256xi32> to vector<256x256xf32>
    %broadcast_in_dim3A_49 = arith.constant 0.000000e+00 : f32
    %broadcast_in_dim3A_50 = vector.broadcast %broadcast_in_dim3A_49 : f32 to vector<1x64xf32>
    %slice3A = vector.extract_strided_slice %concatenate3A_44 {offsets = [0, 0], sizes = [256, 64], strides = [1, 1]} : vector<4096x64xf32> to vector<256x64xf32>
    %dot_general3A_51 = arith.constant dense<0.000000e+00> : vector<256x64xf32>
    %dot_general3A_52 = tpu.matmul %convert_element_type3A_48, %slice3A, %dot_general3A_51 {dimension_numbers = #tpu.dot_dimension_numbers<[1], [0], [0], [1], [0, 0, 1, 1], [], []>, transpose_lhs_hint = false} : vector<256x256xf32>, vector<256x64xf32>, vector<256x64xf32> -> vector<256x64xf32>
    %add3A_53 = vector.broadcast %broadcast_in_dim3A_50 : vector<1x64xf32> to vector<256x64xf32>
    %add3A_54 = arith.addf %dot_general3A_52, %add3A_53 : vector<256x64xf32>
    %slice3A_55 = vector.extract_strided_slice %add3A_54 {offsets = [255, 0], sizes = [1, 64], strides = [1, 1]} : vector<256x64xf32> to vector<1x64xf32>
    %slice3A_56 = vector.extract_strided_slice %concatenate3A_44 {offsets = [256, 0], sizes = [256, 64], strides = [1, 1]} : vector<4096x64xf32> to vector<256x64xf32>
    %dot_general3A_57 = arith.constant dense<0.000000e+00> : vector<256x64xf32>
    %dot_general3A_58 = tpu.matmul %convert_element_type3A_48, %slice3A_56, %dot_general3A_57 {dimension_numbers = #tpu.dot_dimension_numbers<[1], [0], [0], [1], [0, 0, 1, 1], [], []>, transpose_lhs_hint = false} : vector<256x256xf32>, vector<256x64xf32>, vector<256x64xf32> -> vector<256x64xf32>
    %add3A_59 = vector.broadcast %slice3A_55 : vector<1x64xf32> to vector<256x64xf32>
    %add3A_60 = arith.addf %dot_general3A_58, %add3A_59 : vector<256x64xf32>
    %slice3A_61 = vector.extract_strided_slice %add3A_60 {offsets = [255, 0], sizes = [1, 64], strides = [1, 1]} : vector<256x64xf32> to vector<1x64xf32>
    %slice3A_62 = vector.extract_strided_slice %concatenate3A_44 {offsets = [512, 0], sizes = [256, 64], strides = [1, 1]} : vector<4096x64xf32> to vector<256x64xf32>
    %dot_general3A_63 = arith.constant dense<0.000000e+00> : vector<256x64xf32>
    %dot_general3A_64 = tpu.matmul %convert_element_type3A_48, %slice3A_62, %dot_general3A_63 {dimension_numbers = #tpu.dot_dimension_numbers<[1], [0], [0], [1], [0, 0, 1, 1], [], []>, transpose_lhs_hint = false} : vector<256x256xf32>, vector<256x64xf32>, vector<256x64xf32> -> vector<256x64xf32>
    %add3A_65 = vector.broadcast %slice3A_61 : vector<1x64xf32> to vector<256x64xf32>
    %add3A_66 = arith.addf %dot_general3A_64, %add3A_65 : vector<256x64xf32>
    %slice3A_67 = vector.extract_strided_slice %add3A_66 {offsets = [255, 0], sizes = [1, 64], strides = [1, 1]} : vector<256x64xf32> to vector<1x64xf32>
    %slice3A_68 = vector.extract_strided_slice %concatenate3A_44 {offsets = [768, 0], sizes = [256, 64], strides = [1, 1]} : vector<4096x64xf32> to vector<256x64xf32>
    %dot_general3A_69 = arith.constant dense<0.000000e+00> : vector<256x64xf32>
    %dot_general3A_70 = tpu.matmul %convert_element_type3A_48, %slice3A_68, %dot_general3A_69 {dimension_numbers = #tpu.dot_dimension_numbers<[1], [0], [0], [1], [0, 0, 1, 1], [], []>, transpose_lhs_hint = false} : vector<256x256xf32>, vector<256x64xf32>, vector<256x64xf32> -> vector<256x64xf32>
    %add3A_71 = vector.broadcast %slice3A_67 : vector<1x64xf32> to vector<256x64xf32>
    %add3A_72 = arith.addf %dot_general3A_70, %add3A_71 : vector<256x64xf32>
    %slice3A_73 = vector.extract_strided_slice %add3A_72 {offsets = [255, 0], sizes = [1, 64], strides = [1, 1]} : vector<256x64xf32> to vector<1x64xf32>
    %slice3A_74 = vector.extract_strided_slice %concatenate3A_44 {offsets = [1024, 0], sizes = [256, 64], strides = [1, 1]} : vector<4096x64xf32> to vector<256x64xf32>
    %dot_general3A_75 = arith.constant dense<0.000000e+00> : vector<256x64xf32>
    %dot_general3A_76 = tpu.matmul %convert_element_type3A_48, %slice3A_74, %dot_general3A_75 {dimension_numbers = #tpu.dot_dimension_numbers<[1], [0], [0], [1], [0, 0, 1, 1], [], []>, transpose_lhs_hint = false} : vector<256x256xf32>, vector<256x64xf32>, vector<256x64xf32> -> vector<256x64xf32>
    %add3A_77 = vector.broadcast %slice3A_73 : vector<1x64xf32> to vector<256x64xf32>
    %add3A_78 = arith.addf %dot_general3A_76, %add3A_77 : vector<256x64xf32>
    %slice3A_79 = vector.extract_strided_slice %add3A_78 {offsets = [255, 0], sizes = [1, 64], strides = [1, 1]} : vector<256x64xf32> to vector<1x64xf32>
    %slice3A_80 = vector.extract_strided_slice %concatenate3A_44 {offsets = [1280, 0], sizes = [256, 64], strides = [1, 1]} : vector<4096x64xf32> to vector<256x64xf32>
    %dot_general3A_81 = arith.constant dense<0.000000e+00> : vector<256x64xf32>
    %dot_general3A_82 = tpu.matmul %convert_element_type3A_48, %slice3A_80, %dot_general3A_81 {dimension_numbers = #tpu.dot_dimension_numbers<[1], [0], [0], [1], [0, 0, 1, 1], [], []>, transpose_lhs_hint = false} : vector<256x256xf32>, vector<256x64xf32>, vector<256x64xf32> -> vector<256x64xf32>
    %add3A_83 = vector.broadcast %slice3A_79 : vector<1x64xf32> to vector<256x64xf32>
    %add3A_84 = arith.addf %dot_general3A_82, %add3A_83 : vector<256x64xf32>
    %slice3A_85 = vector.extract_strided_slice %add3A_84 {offsets = [255, 0], sizes = [1, 64], strides = [1, 1]} : vector<256x64xf32> to vector<1x64xf32>
    %slice3A_86 = vector.extract_strided_slice %concatenate3A_44 {offsets = [1536, 0], sizes = [256, 64], strides = [1, 1]} : vector<4096x64xf32> to vector<256x64xf32>
    %dot_general3A_87 = arith.constant dense<0.000000e+00> : vector<256x64xf32>
    %dot_general3A_88 = tpu.matmul %convert_element_type3A_48, %slice3A_86, %dot_general3A_87 {dimension_numbers = #tpu.dot_dimension_numbers<[1], [0], [0], [1], [0, 0, 1, 1], [], []>, transpose_lhs_hint = false} : vector<256x256xf32>, vector<256x64xf32>, vector<256x64xf32> -> vector<256x64xf32>
    %add3A_89 = vector.broadcast %slice3A_85 : vector<1x64xf32> to vector<256x64xf32>
    %add3A_90 = arith.addf %dot_general3A_88, %add3A_89 : vector<256x64xf32>
    %slice3A_91 = vector.extract_strided_slice %add3A_90 {offsets = [255, 0], sizes = [1, 64], strides = [1, 1]} : vector<256x64xf32> to vector<1x64xf32>
    %slice3A_92 = vector.extract_strided_slice %concatenate3A_44 {offsets = [1792, 0], sizes = [256, 64], strides = [1, 1]} : vector<4096x64xf32> to vector<256x64xf32>
    %dot_general3A_93 = arith.constant dense<0.000000e+00> : vector<256x64xf32>
    %dot_general3A_94 = tpu.matmul %convert_element_type3A_48, %slice3A_92, %dot_general3A_93 {dimension_numbers = #tpu.dot_dimension_numbers<[1], [0], [0], [1], [0, 0, 1, 1], [], []>, transpose_lhs_hint = false} : vector<256x256xf32>, vector<256x64xf32>, vector<256x64xf32> -> vector<256x64xf32>
    %add3A_95 = vector.broadcast %slice3A_91 : vector<1x64xf32> to vector<256x64xf32>
    %add3A_96 = arith.addf %dot_general3A_94, %add3A_95 : vector<256x64xf32>
    %slice3A_97 = vector.extract_strided_slice %add3A_96 {offsets = [255, 0], sizes = [1, 64], strides = [1, 1]} : vector<256x64xf32> to vector<1x64xf32>
    %slice3A_98 = vector.extract_strided_slice %concatenate3A_44 {offsets = [2048, 0], sizes = [256, 64], strides = [1, 1]} : vector<4096x64xf32> to vector<256x64xf32>
    %dot_general3A_99 = arith.constant dense<0.000000e+00> : vector<256x64xf32>
    %dot_general3A_100 = tpu.matmul %convert_element_type3A_48, %slice3A_98, %dot_general3A_99 {dimension_numbers = #tpu.dot_dimension_numbers<[1], [0], [0], [1], [0, 0, 1, 1], [], []>, transpose_lhs_hint = false} : vector<256x256xf32>, vector<256x64xf32>, vector<256x64xf32> -> vector<256x64xf32>
    %add3A_101 = vector.broadcast %slice3A_97 : vector<1x64xf32> to vector<256x64xf32>
    %add3A_102 = arith.addf %dot_general3A_100, %add3A_101 : vector<256x64xf32>
    %slice3A_103 = vector.extract_strided_slice %add3A_102 {offsets = [255, 0], sizes = [1, 64], strides = [1, 1]} : vector<256x64xf32> to vector<1x64xf32>
    %slice3A_104 = vector.extract_strided_slice %concatenate3A_44 {offsets = [2304, 0], sizes = [256, 64], strides = [1, 1]} : vector<4096x64xf32> to vector<256x64xf32>
    %dot_general3A_105 = arith.constant dense<0.000000e+00> : vector<256x64xf32>
    %dot_general3A_106 = tpu.matmul %convert_element_type3A_48, %slice3A_104, %dot_general3A_105 {dimension_numbers = #tpu.dot_dimension_numbers<[1], [0], [0], [1], [0, 0, 1, 1], [], []>, transpose_lhs_hint = false} : vector<256x256xf32>, vector<256x64xf32>, vector<256x64xf32> -> vector<256x64xf32>
    %add3A_107 = vector.broadcast %slice3A_103 : vector<1x64xf32> to vector<256x64xf32>
    %add3A_108 = arith.addf %dot_general3A_106, %add3A_107 : vector<256x64xf32>
    %slice3A_109 = vector.extract_strided_slice %add3A_108 {offsets = [255, 0], sizes = [1, 64], strides = [1, 1]} : vector<256x64xf32> to vector<1x64xf32>
    %slice3A_110 = vector.extract_strided_slice %concatenate3A_44 {offsets = [2560, 0], sizes = [256, 64], strides = [1, 1]} : vector<4096x64xf32> to vector<256x64xf32>
    %dot_general3A_111 = arith.constant dense<0.000000e+00> : vector<256x64xf32>
    %dot_general3A_112 = tpu.matmul %convert_element_type3A_48, %slice3A_110, %dot_general3A_111 {dimension_numbers = #tpu.dot_dimension_numbers<[1], [0], [0], [1], [0, 0, 1, 1], [], []>, transpose_lhs_hint = false} : vector<256x256xf32>, vector<256x64xf32>, vector<256x64xf32> -> vector<256x64xf32>
    %add3A_113 = vector.broadcast %slice3A_109 : vector<1x64xf32> to vector<256x64xf32>
    %add3A_114 = arith.addf %dot_general3A_112, %add3A_113 : vector<256x64xf32>
    %slice3A_115 = vector.extract_strided_slice %add3A_114 {offsets = [255, 0], sizes = [1, 64], strides = [1, 1]} : vector<256x64xf32> to vector<1x64xf32>
    %slice3A_116 = vector.extract_strided_slice %concatenate3A_44 {offsets = [2816, 0], sizes = [256, 64], strides = [1, 1]} : vector<4096x64xf32> to vector<256x64xf32>
    %dot_general3A_117 = arith.constant dense<0.000000e+00> : vector<256x64xf32>
    %dot_general3A_118 = tpu.matmul %convert_element_type3A_48, %slice3A_116, %dot_general3A_117 {dimension_numbers = #tpu.dot_dimension_numbers<[1], [0], [0], [1], [0, 0, 1, 1], [], []>, transpose_lhs_hint = false} : vector<256x256xf32>, vector<256x64xf32>, vector<256x64xf32> -> vector<256x64xf32>
    %add3A_119 = vector.broadcast %slice3A_115 : vector<1x64xf32> to vector<256x64xf32>
    %add3A_120 = arith.addf %dot_general3A_118, %add3A_119 : vector<256x64xf32>
    %slice3A_121 = vector.extract_strided_slice %add3A_120 {offsets = [255, 0], sizes = [1, 64], strides = [1, 1]} : vector<256x64xf32> to vector<1x64xf32>
    %slice3A_122 = vector.extract_strided_slice %concatenate3A_44 {offsets = [3072, 0], sizes = [256, 64], strides = [1, 1]} : vector<4096x64xf32> to vector<256x64xf32>
    %dot_general3A_123 = arith.constant dense<0.000000e+00> : vector<256x64xf32>
    %dot_general3A_124 = tpu.matmul %convert_element_type3A_48, %slice3A_122, %dot_general3A_123 {dimension_numbers = #tpu.dot_dimension_numbers<[1], [0], [0], [1], [0, 0, 1, 1], [], []>, transpose_lhs_hint = false} : vector<256x256xf32>, vector<256x64xf32>, vector<256x64xf32> -> vector<256x64xf32>
    %add3A_125 = vector.broadcast %slice3A_121 : vector<1x64xf32> to vector<256x64xf32>
    %add3A_126 = arith.addf %dot_general3A_124, %add3A_125 : vector<256x64xf32>
    %slice3A_127 = vector.extract_strided_slice %add3A_126 {offsets = [255, 0], sizes = [1, 64], strides = [1, 1]} : vector<256x64xf32> to vector<1x64xf32>
    %slice3A_128 = vector.extract_strided_slice %concatenate3A_44 {offsets = [3328, 0], sizes = [256, 64], strides = [1, 1]} : vector<4096x64xf32> to vector<256x64xf32>
    %dot_general3A_129 = arith.constant dense<0.000000e+00> : vector<256x64xf32>
    %dot_general3A_130 = tpu.matmul %convert_element_type3A_48, %slice3A_128, %dot_general3A_129 {dimension_numbers = #tpu.dot_dimension_numbers<[1], [0], [0], [1], [0, 0, 1, 1], [], []>, transpose_lhs_hint = false} : vector<256x256xf32>, vector<256x64xf32>, vector<256x64xf32> -> vector<256x64xf32>
    %add3A_131 = vector.broadcast %slice3A_127 : vector<1x64xf32> to vector<256x64xf32>
    %add3A_132 = arith.addf %dot_general3A_130, %add3A_131 : vector<256x64xf32>
    %slice3A_133 = vector.extract_strided_slice %add3A_132 {offsets = [255, 0], sizes = [1, 64], strides = [1, 1]} : vector<256x64xf32> to vector<1x64xf32>
    %slice3A_134 = vector.extract_strided_slice %concatenate3A_44 {offsets = [3584, 0], sizes = [256, 64], strides = [1, 1]} : vector<4096x64xf32> to vector<256x64xf32>
    %dot_general3A_135 = arith.constant dense<0.000000e+00> : vector<256x64xf32>
    %dot_general3A_136 = tpu.matmul %convert_element_type3A_48, %slice3A_134, %dot_general3A_135 {dimension_numbers = #tpu.dot_dimension_numbers<[1], [0], [0], [1], [0, 0, 1, 1], [], []>, transpose_lhs_hint = false} : vector<256x256xf32>, vector<256x64xf32>, vector<256x64xf32> -> vector<256x64xf32>
    %add3A_137 = vector.broadcast %slice3A_133 : vector<1x64xf32> to vector<256x64xf32>
    %add3A_138 = arith.addf %dot_general3A_136, %add3A_137 : vector<256x64xf32>
    %slice3A_139 = vector.extract_strided_slice %add3A_138 {offsets = [255, 0], sizes = [1, 64], strides = [1, 1]} : vector<256x64xf32> to vector<1x64xf32>
    %slice3A_140 = vector.extract_strided_slice %concatenate3A_44 {offsets = [3840, 0], sizes = [256, 64], strides = [1, 1]} : vector<4096x64xf32> to vector<256x64xf32>
    %dot_general3A_141 = arith.constant dense<0.000000e+00> : vector<256x64xf32>
    %dot_general3A_142 = tpu.matmul %convert_element_type3A_48, %slice3A_140, %dot_general3A_141 {dimension_numbers = #tpu.dot_dimension_numbers<[1], [0], [0], [1], [0, 0, 1, 1], [], []>, transpose_lhs_hint = false} : vector<256x256xf32>, vector<256x64xf32>, vector<256x64xf32> -> vector<256x64xf32>
    %add3A_143 = vector.broadcast %slice3A_139 : vector<1x64xf32> to vector<256x64xf32>
    %add3A_144 = arith.addf %dot_general3A_142, %add3A_143 : vector<256x64xf32>
    %slice3A_145 = vector.extract_strided_slice %add3A_144 {offsets = [255, 0], sizes = [1, 64], strides = [1, 1]} : vector<256x64xf32> to vector<1x64xf32>
    %concatenate3A_146 = tpu.concatenate %add3A_54, %add3A_60, %add3A_66, %add3A_72, %add3A_78, %add3A_84, %add3A_90, %add3A_96, %add3A_102, %add3A_108, %add3A_114, %add3A_120, %add3A_126, %add3A_132, %add3A_138, %add3A_144 in 0 : vector<256x64xf32>, vector<256x64xf32>, vector<256x64xf32>, vector<256x64xf32>, vector<256x64xf32>, vector<256x64xf32>, vector<256x64xf32>, vector<256x64xf32>, vector<256x64xf32>, vector<256x64xf32>, vector<256x64xf32>, vector<256x64xf32>, vector<256x64xf32>, vector<256x64xf32>, vector<256x64xf32>, vector<256x64xf32> -> vector<4096x64xf32>
    %mul3A = arith.mulf %concatenate3A_146, %concatenate3A_44 : vector<4096x64xf32>
    %reduce_sum3A = arith.constant dense<0.000000e+00> : vector<4096xf32>
    %reduce_sum3A_147 = vector.multi_reduction <add>, %mul3A, %reduce_sum3A [1] : vector<4096x64xf32> to vector<4096xf32>
    %broadcast_in_dim3A_148 = vector.shape_cast %reduce_sum3A_147 : vector<4096xf32> to vector<4096x1xf32>
    %sub3A = arith.constant 1.000000e+00 : f32
    %sub3A_149 = vector.broadcast %sub3A : f32 to vector<4096x1xf32>
    %sub3A_150 = arith.subf %broadcast_in_dim3A_148, %sub3A_149 : vector<4096x1xf32>
    %add3A_151 = arith.constant 1.270000e+02 : f32
    %add3A_152 = vector.broadcast %add3A_151 : f32 to vector<1x64xf32>
    %add3A_153 = arith.addf %slice3A_145, %add3A_152 : vector<1x64xf32>
    %mul3A_154 = arith.constant 7.812500e-03 : f32
    %mul3A_155 = vector.broadcast %mul3A_154 : f32 to vector<1x64xf32>
    %mul3A_156 = arith.mulf %add3A_153, %mul3A_155 : vector<1x64xf32>
    %floor3A = math.floor %mul3A_156 : vector<1x64xf32>
    %iota3A_157 = tpu.iota {dimensions = array<i32: 0>} : vector<64x64xi32>
    %iota3A_158 = tpu.iota {dimensions = array<i32: 1>} : vector<64x64xi32>
    %lt3A = arith.cmpi slt, %iota3A_157, %iota3A_158 : vector<64x64xi32>
    %convert_element_type3A_159 = arith.extui %lt3A : vector<64x64xi1> to vector<64x64xi32>
    %convert_element_type3A_160 = arith.sitofp %convert_element_type3A_159 : vector<64x64xi32> to vector<64x64xf32>
    %dot_general3A_161 = arith.constant dense<0.000000e+00> : vector<1x64xf32>
    %dot_general3A_162 = tpu.matmul %floor3A, %convert_element_type3A_160, %dot_general3A_161 {dimension_numbers = #tpu.dot_dimension_numbers<[1], [0], [0], [1], [0, 0, 1, 1], [], []>, transpose_lhs_hint = false} : vector<1x64xf32>, vector<64x64xf32>, vector<1x64xf32> -> vector<1x64xf32>
    %mul3A_163 = arith.constant 1.280000e+02 : f32
    %mul3A_164 = vector.broadcast %mul3A_163 : f32 to vector<1x64xf32>
    %mul3A_165 = arith.mulf %dot_general3A_162, %mul3A_164 : vector<1x64xf32>
    %mul3A_166 = vector.broadcast %mul3A_165 : vector<1x64xf32> to vector<4096x64xf32>
    %mul3A_167 = arith.mulf %concatenate3A_44, %mul3A_166 : vector<4096x64xf32>
    %reduce_sum3A_168 = arith.constant dense<0.000000e+00> : vector<4096xf32>
    %reduce_sum3A_169 = vector.multi_reduction <add>, %mul3A_167, %reduce_sum3A_168 [1] : vector<4096x64xf32> to vector<4096xf32>
    %broadcast_in_dim3A_170 = vector.shape_cast %reduce_sum3A_169 : vector<4096xf32> to vector<4096x1xf32>
    %add3A_171 = arith.addf %broadcast_in_dim3A_170, %sub3A_150 : vector<4096x1xf32>
    %convert_element_type3A_172 = arith.fptosi %add3A_171 : vector<4096x1xf32> to vector<4096x1xi32>
    %swap3A_173 = arith.constant 0 : index
    %swap3A_174 = arith.constant 0 : index
    %swap3A_175 = vector.load %arg3[%swap3A_173, %swap3A_174] : memref<4096x1xi32, #tpu.memory_space<vmem>>, vector<4096x1xi32>
    tpu.vector_store %arg3[%swap3A_173, %swap3A_174], %convert_element_type3A_172 {strides = array<i32>} : memref<4096x1xi32, #tpu.memory_space<vmem>>, vector<4096x1xi32>,
    %eq3A_176 = arith.cmpi eq, %iota3A_157, %iota3A_158 : vector<64x64xi32>
    %convert_element_type3A_177 = arith.extui %eq3A_176 : vector<64x64xi1> to vector<64x64xi32>
    %convert_element_type3A_178 = arith.sitofp %convert_element_type3A_177 : vector<64x64xi32> to vector<64x64xf32>
    %dot_general3A_179 = arith.constant dense<0.000000e+00> : vector<64x1xf32>
    %dot_general3A_180 = tpu.matmul %convert_element_type3A_178, %dot_general3A_162, %dot_general3A_179 {dimension_numbers = #tpu.dot_dimension_numbers<[1], [1], [0], [0], [0, 0, 1, 0], [], []>, transpose_lhs_hint = false} : vector<64x64xf32>, vector<1x64xf32>, vector<64x1xf32> -> vector<64x1xf32>
    %iota3A_181 = tpu.iota {dimensions = array<i32: 1>} : vector<64x96xi32>
    %convert_element_type3A_182 = arith.fptosi %dot_general3A_180 : vector<64x1xf32> to vector<64x1xi32>
    %le3A_183 = vector.broadcast %convert_element_type3A_182 : vector<64x1xi32> to vector<64x96xi32>
    %le3A_184 = arith.cmpi sle, %le3A_183, %iota3A_181 : vector<64x96xi32>
    %convert_element_type3A_185 = arith.extui %le3A_184 : vector<64x96xi1> to vector<64x96xi32>
    %convert_element_type3A_186 = arith.sitofp %convert_element_type3A_185 : vector<64x96xi32> to vector<64x96xf32>
    %reduce_sum3A_187 = arith.constant dense<0.000000e+00> : vector<96xf32>
    %reduce_sum3A_188 = vector.multi_reduction <add>, %convert_element_type3A_186, %reduce_sum3A_187 [0] : vector<64x96xf32> to vector<96xf32>
    %broadcast_in_dim3A_189 = vector.shape_cast %reduce_sum3A_188 : vector<96xf32> to vector<1x96xf32>
    %sub3A_190 = arith.constant 1.000000e+00 : f32
    %sub3A_191 = vector.broadcast %sub3A_190 : f32 to vector<1x96xf32>
    %sub3A_192 = arith.subf %broadcast_in_dim3A_189, %sub3A_191 : vector<1x96xf32>
    %convert_element_type3A_193 = arith.fptosi %sub3A_192 : vector<1x96xf32> to vector<1x96xi32>
    %swap3A_194 = arith.constant 0 : index
    %swap3A_195 = arith.constant 0 : index
    %swap3A_196 = vector.load %arg4[%swap3A_194, %swap3A_195] : memref<1x96xi32, #tpu.memory_space<vmem>>, vector<1x96xi32>
    tpu.vector_store %arg4[%swap3A_194, %swap3A_195], %convert_element_type3A_193 {strides = array<i32>} : memref<1x96xi32, #tpu.memory_space<vmem>>, vector<1x96xi32>,
    %add3A_197 = arith.addf %dot_general3A_162, %floor3A : vector<1x64xf32>
    %slice3A_198 = vector.extract_strided_slice %add3A_197 {offsets = [0, 63], sizes = [1, 1], strides = [1, 1]} : vector<1x64xf32> to vector<1x1xf32>
    %convert_element_type3A_199 = arith.fptosi %slice3A_198 : vector<1x1xf32> to vector<1x1xi32>
    %swap3A_200 = arith.constant 0 : index
    %swap3A_201 = arith.constant 0 : index
    %swap3A_202 = vector.load %arg5[%swap3A_200, %swap3A_201] : memref<1x1xi32, #tpu.memory_space<vmem>>, vector<1x1xi32>
    tpu.vector_store %arg5[%swap3A_200, %swap3A_201], %convert_element_type3A_199 {strides = array<i32>} : memref<1x1xi32, #tpu.memory_space<vmem>>, vector<1x1xi32>,
    return
  }
}

</mosaic_0001>

<sc_bundles>
// kernel: kernel.6.cloned.1.call-start
scs
__scs_entry_jumppad:
0x0: {  	(pc) =	sbr.rel $0x88, $3  }
0x1: {  	(tag) =	ssettag $0x0;
	lr =	simm.s32 $0x1  }
0x2: {  	[smem:$0x3F9D] =	sst lr;
	_ =	strace $0xD0000000  }
0x3: {  	_ = 	snop  }
0x4: {  	_ = 	snop  }
0x5: {  	_ = 	snop  }
0x6: {  	_ = 	snop  }
0x7: {  	_ = 	snop  }
__scs_overlays_trampoline_lowered:
0x8: {  	[smem:$0x3FAC] =	sst s0  }
0x9: {  	[smem:$0x3FAD] =	sst s1  }
0xa: {  	[smem:$0x3FAE] =	sst s2  }
0xb: {  	[smem:$0x3FAF] =	sst s3  }
0xc: {  	[smem:$0x3FB0] =	sst s4  }
0xd: {  	[smem:$0x3FB1] =	sst s5  }
0xe: {  	[smem:$0x3FB2] =	sst s6  }
0xf: {  	[smem:$0x3FB3] =	sst s7  }
0x10: {  	[smem:$0x3FB4] =	sst s8  }
0x11: {  	[smem:$0x3FB5] =	sst s9;
	s0 =	simm.s32 @!p0 $0x0  }
0x12: {  	s1 =	sld [smem:$0x3F9B];
	s0 =	simm.s32 @p0 $0x1  }
0x13: {  	[smem:$0x3FB6] =	sst s0;
	s0 =	simm.s32 @!p1 $0x0  }
0x14: {  	s2 =	sld [smem:$0x3F9A];
	s0 =	simm.s32 @p1 $0x1  }
0x15: {  	[smem:$0x3FB7] =	sst s0;
	s0 =	simm.s32 @!p2 $0x0  }
0x16: {  	s3 =	sld [smem:$0x3FDB];
	s0 =	simm.s32 @p2 $0x1  }
0x17: {  	s4 =	simm.s32 $0x1BF5;
	[smem:$0x3FB9] =	sst s0  }
0x18: {  	s0 =	sld [smem:$0x3F9C];
	_ =	swait.ge [sflag:s4], $0x0  }
0x19: {  	s7 =	sld [smem:$0x3F9D]  }
0x1a: {  	s8 =	sadd.s32 $0xFFFFE003, lr  }
0x1b: {  	s9 =	sadd.s32 $0xFFFFFEF7, lr;
	s5 =	simm.s32 $0xFFFFFFFF;
	p2 =	slt.u32 s8, $0xFFFFF086  }
0x1c: {  	p1 =	slt.u32 s9, $0xF7A;
	s5 =	simm.s32 @!p2 $0x0  }
0x1d: {  	s5 =	simm.s32 @p1 $0x1;
	p0 =	seq.s32 s7, s2  }
0x1e: {  	s7 =	smul.u32 @!p0 $0xF7A, s2;
	p2 =	seq.s32 @!p0 s5, $0x0  }
0x1f: {  	s9 =	smul.u32 $0xF7A, s1;
	s8 =	simm.s32 @!p0 $0x1BF5;
	p2 =	por !p2, p0  }
0x20: {  	[sflag:s8] =	ssyncset.s32 @!p0 $0xFFFFF086;
	s6 =	sadd.s32 @!p0 s3, s7;
	s7 =	simm.s32 @!p0 $0x108  }
0x21: {  	s3 =	sadd.s32 s3, s9;
	s6 =	sadd.s32 @!p0 $0x88, s6;
	s7 =	simm.s32 @p2 $0x1082  }
0x22: {  	[simem:s7], [sflag:s8] =	dma.local @!p0 [hbm:s6], $0xF7A  }
0x23: {  	s9 =	sor.u32 $0xD0000000, s2;
	s6 =	simm.s32 $0x108;
	_ =	swait.ge @!p0 [sflag:s8], $0x0  }
0x24: {  	s3 =	sadd.s32 $0x88, s3;
	s6 =	simm.s32 @!p1 $0x1082;
	[sflag:s4] =	ssyncset.s32 $0xFFFFF086  }
0x25: {  	[simem:s6], [sflag:s4] =	dma.local [hbm:s3], $0xF7A  }
0x26: {  	[smem:$0x3F9D] =	sst s1;
	(tag) =	ssettag s2;
	_ =	strace s9  }
0x27: {  	s1 =	sld [smem:$0x3FAD]  }
0x28: {  	s2 =	sld [smem:$0x3FAE]  }
0x29: {  	s4 =	sld [smem:$0x3FB0]  }
0x2a: {  	p0 =	seq.s32 s5, $0x0;
	s5 =	sld [smem:$0x3FB1]  }
0x2b: {  	s6 =	sld [smem:$0x3FB2]  }
0x2c: {  	s7 =	sld [smem:$0x3FB3]  }
0x2d: {  	s3 =	simm.s32 $0x108;
	s8 =	sld [smem:$0x3FB4]  }
0x2e: {  	s3 =	simm.s32 @!p0 $0x1082;
	s9 =	sld [smem:$0x3FB5]  }
0x2f: {  	lr =	sadd.s32 s0, s3;
	s0 =	sld [smem:$0x3FAC]  }
0x30: {  	s3 =	sld [smem:$0x3FAF]  }
0x31: {  	[smem:$0x3FB8] =	sst s10  }
0x32: {  	s10 =	sld [smem:$0x3FB6];
	_ =	sdelay $0x3  }
0x33: {  	p0 =	seq.s32 s10, $0x1;
	s10 =	sld [smem:$0x3FB8];
	_ =	sdelay $0x3  }
0x34: {  	[smem:$0x3FB8] =	sst s10  }
0x35: {  	s10 =	sld [smem:$0x3FB7];
	_ =	sdelay $0x3  }
0x36: {  	p1 =	seq.s32 s10, $0x1;
	s10 =	sld [smem:$0x3FB8];
	_ =	sdelay $0x3  }
0x37: {  	[smem:$0x3FB8] =	sst s10  }
0x38: {  	s10 =	sld [smem:$0x3FB9]  }
0x39: {  	_ = 	snop;
	(pc) =	sbr.ind lr, $3  }
0x3a: {  	_ = 	snop  }
0x3b: {  	_ = 	snop  }
0x3c: {  	p2 =	seq.s32 s10, $0x1;
	s10 =	sld [smem:$0x3FB8]  }
0x3d: {  	_ =	shalt  }
0x3e: {  	_ =	shalt  }
0x3f: {  	_ =	shalt  }
0x40: {  	_ =	shalt  }
0x41: {  	_ =	shalt  }
0x42: {  	_ =	shalt  }
0x43: {  	_ =	shalt  }
0x44: {  	_ =	shalt  }
0x45: {  	_ =	shalt  }
0x46: {  	_ =	shalt  }
0x47: {  	_ =	shalt  }
0x48: {  	_ =	shalt  }
0x49: {  	_ =	shalt  }
0x4a: {  	_ =	shalt  }
0x4b: {  	_ =	shalt  }
0x4c: {  	_ =	shalt  }
0x4d: {  	_ =	shalt  }
0x4e: {  	_ =	shalt  }
0x4f: {  	_ =	shalt  }
0x50: {  	_ =	shalt  }
0x51: {  	_ =	shalt  }
0x52: {  	_ =	shalt  }
0x53: {  	_ =	shalt  }
0x54: {  	_ =	shalt  }
0x55: {  	_ =	shalt  }
0x56: {  	_ =	shalt  }
0x57: {  	_ =	shalt  }
0x58: {  	_ =	shalt  }
0x59: {  	_ =	shalt  }
0x5a: {  	_ =	shalt  }
0x5b: {  	_ =	shalt  }
0x5c: {  	_ =	shalt  }
0x5d: {  	_ =	shalt  }
0x5e: {  	_ =	shalt  }
0x5f: {  	_ =	shalt  }
0x60: {  	_ =	shalt  }
0x61: {  	_ =	shalt  }
0x62: {  	_ =	shalt  }
0x63: {  	_ =	shalt  }
0x64: {  	_ =	shalt  }
0x65: {  	_ =	shalt  }
0x66: {  	_ =	shalt  }
0x67: {  	_ =	shalt  }
0x68: {  	_ =	shalt  }
0x69: {  	_ =	shalt  }
0x6a: {  	_ =	shalt  }
0x6b: {  	_ =	shalt  }
0x6c: {  	_ =	shalt  }
0x6d: {  	_ =	shalt  }
0x6e: {  	_ =	shalt  }
0x6f: {  	_ =	shalt  }
0x70: {  	_ =	shalt  }
0x71: {  	_ =	shalt  }
0x72: {  	_ =	shalt  }
0x73: {  	_ =	shalt  }
0x74: {  	_ =	shalt  }
0x75: {  	_ =	shalt  }
0x76: {  	_ =	shalt  }
0x77: {  	_ =	shalt  }
0x78: {  	_ =	shalt  }
0x79: {  	_ =	shalt  }
0x7a: {  	_ =	shalt  }
0x7b: {  	_ =	shalt  }
0x7c: {  	_ =	shalt  }
0x7d: {  	_ =	shalt  }
0x7e: {  	_ =	shalt  }
0x7f: {  	_ =	shalt  }
0x80: {  	_ =	shalt  }
0x81: {  	_ =	shalt  }
0x82: {  	_ =	shalt  }
0x83: {  	_ =	shalt  }
0x84: {  	_ =	shalt  }
0x85: {  	_ =	shalt  }
0x86: {  	_ =	shalt  }
0x87: {  	_ =	shalt  }
.Lfunc_end0:
.L_simem_size_0:
called_computation_lowered:
.L_overlay_start_0:
0x88: {  	s2 =	sld [smem:$0x3FD9]  }
0x89: {  	s3 =	sld [smem:$0x3FFE];
	_ =	sdelay $0x1  }
0x8a: {  	s1 =	srdreg.scid  }
0x8b: {  	s0 =	sand.u32 $0x1, s1  }
0x8c: {  	s17 =	sshll.u32 s0, $0xA;
	s2 =	sadd.s32 s3, s2  }
0x8d: {  	s2 =	sadd.s32 s2, s17  }
0x8e: {  	[smem:$0x3FC4] =	sst s2  }
0x8f: {  	_ = 	snop  }
0x90: {  	s2 =	sld [smem:$0x3FC9];
	(tm) =	ssettm $0x1  }
0x91: {  	s18 =	sld [smem:$0x3FFB];
	_ =	sdelay $0x3  }
0x92: {  	_ =	strace s18  }
0x93: {  	s3 =	sld [smem:$0x3FFC];
	_ =	sdelay $0x3  }
0x94: {  	_ =	strace s3  }
0x95: {  	s3 =	sld [smem:$0x3FFD];
	_ =	sdelay $0x3  }
0x96: {  	_ =	strace s3  }
0x97: {  	_ =	strace $0x8FFFFFFF  }
0x98: {  	s19 =	sld [smem:$0x3FDB];
	_ =	sdelay $0x1  }
0x99: {  	s4 =	simm.s32 $_scs_section_size  }
0x9a: {  	s5 =	simm.s32 $_size__tile_overlayer_lowered;
	s6 =	simm.s32 $_tile_overlayer_lowered  }
0x9b: {  	s22 =	simm.s32 $0x1BFF;
	s21 =	sshll.u32 s6, $0x1;
	s3 =	sadd.s32 s4, s19  }
0x9c: {  	s7 =	simm.s32 $0x0;
	s20 =	sshll.u32 s5, $0x1;
	s5 =	sadd.s32 s21, s3  }
0x9d: {  	[timem:s7], [sflag:s22] =	dma.local [hbm:s5], s20  }
0x9e: {  	_ =	swait.ge [sflag:s22], s20  }
0x9f: {  	s4 =	ssub.s32 $0x0, s20;
	[sflag:s22] =	ssyncset.done $0x0  }
0xa0: {  	[sflag:s22] =	ssyncadd.s32 s4;
	_ =	sdelay $0x1  }
0xa1: {  	s23 =	simm.s32 $0x1B8B  }
0xa2: {  	_ =	swait.ge [sflag:s23], $0x1  }
0xa3: {  	[sflag:s23] =	ssyncset.done $0x0  }
0xa4: {  	s25 =	simm.s32 $0x1B8E;
	s24 =	sld [smem:$0x3FFE];
	[sflag:s23] =	ssyncadd.s32 $0xFFFFFFFF  }
0xa5: {  	s26 =	simm.s32 $execute0_lowered;
	[smem:$0x3FD2] =	sst s25  }
0xa6: {  	s5 =	sshll.u32 s26, $0x1;
	_ =	strace $0x80000046;
	[dreg:$0x1] =	wrdreg $0xFFFFFFFF  }
0xa7: {  	s28 =	simm.s32 $_size_execute0_lowered;
	s3 =	sadd.s32 s3, s5;
	[dreg:$0x0] =	wrdreg $0x0  }
0xa8: {  	s5 =	sshll.u32 s28, $0x1;
	[dreg:$0x2] =	wrdreg s3  }
0xa9: {  	[dreg:$0x3] =	wrdreg s5  }
0xaa: {  	[dreg:$0x4] =	wrdreg $0xC0  }
0xab: {  	_ =	task [dreg:s7], $0x5FFFF  }
0xac: {  	[dreg:$0x1] =	wrdreg $0xFFFFFFFF  }
0xad: {  	[dreg:$0x0] =	wrdreg $0x60  }
0xae: {  	[dreg:$0x2] =	wrdreg s2  }
0xaf: {  	[dreg:$0x3] =	wrdreg s24  }
0xb0: {  	[dreg:$0x4] =	wrdreg $0x9  }
0xb1: {  	_ =	task.clear_ibuf [dreg:s7], $0x5FFFF;
	_ =	strace $0x90000046  }
0xb2: {  	s29 =	simm.s32 $0x9;
	_ =	strace $0x80000048  }
0xb3: {  	_ =	swait.ge [sflag:s29], $0x1  }
0xb4: {  	[sflag:s29] =	ssyncadd.s32 $0xFFFFFFFF  }
0xb5: {  	_ =	strace $0x90000048  }
0xb6: {  	_ =	sfence  }
0xb7: {  	s30 =	sld [smem:$0x0];
	_ =	sdelay $0x2  }
0xb8: {  	s31 =	sshll.u32 s1, $0xD;
	s1 =	sshrl.u32 s1, $0x2  }
0xb9: {  	s3 =	sand.u32 $0x4000, s31;
	s1 =	sadd.s32 s1, s30  }
0xba: {  	s0 =	sor.u32 s3, s0;
	s1 =	sshll.u32 s1, $0x11  }
0xbb: {  	s0 =	sor.u32 s1, s0  }
0xbc: {  	s0 =	sadd.s32 $0x8F2B, s0  }
0xbd: {  	[sflag:s0] =	ssyncadd.remote.s32 $0x1  }
0xbe: {  	_ =	sfence.sel $0xFFFF  }
0xbf: {  	[dreg:$0x0] =	wrdreg $0xFFFFFFFF;
	(pc) =	sbr.abs _section_cstart, $3  }
0xc0: {  	[dreg:$0x1] =	wrdreg $0xFFFFFFFF  }
0xc1: {  	_ =	task.clear_ibuf [dreg:s7], $0x2FFFF;
	_ =	strace $0x9FFFFFFF  }
0xc2: {  	(tm) =	ssettm $0x7FFFFFFF  }
0xc3: {  	_ =	shalt  }
tec
execute0_lowered:
.L_overlay_start_1:
0x0: {  	(tag) =	ssettag $0x1  }
0x1: {  	s1 =	srdreg.scid  }
0x2: {  	s4 =	stileid.u32;
	s1 =	sand.u32 $0x1, s1  }
0x3: {  	s4 =	sshll.u32 s4, $0x8;
	s5 =	sshll.u32 s1, $0x7  }
0x4: {  	v8 =	vlaneseq.u32;
	s11 =	sor.u32 s5, s4  }
0x5: {  	v6 =	vor.u32 $0xFFFFF800, v8;
	v0 =	vmov s11  }
0x6: {  	v1 =	vor.u32 s11, v8;
	s5 =	sor.u32 $0x10, s11;
	s8 =	sor.u32 $0x20, s11;
	vm0 =	vgt.u32 v0, $0x7FF;
	v0 =	vadd.s32 s11, v6  }
0x7: {  	s12 =	sor.u32 $0x40, s11;
	s26 =	sor.u32 $0x50, s11;
	s28 =	sor.u32 $0x60, s11;
	v2 =	vor.u32 s5, v8;
	v3 =	vmov s8;
	v4 =	vor.u32 s8, v8  }
0x8: {  	s14 =	sor.u32 $0x70, s11;
	v5 =	vor.u32 s12, v8;
	v10 =	vor.u32 s26, v8;
	v11 =	vor.u32 s28, v8  }
0x9: {  	v12 =	vadd.s32 s28, v6;
	v13 =	vmov s14;
	v14 =	vor.u32 s14, v8  }
0xa: {  	v15 =	vadd.s32 s14, v6;
	v0 =	vsel vm0, v0, v1;
	v1 =	vmov s5  }
0xb: {  	vm1 =	vgt.u32 v3, $0x7FF;
	v3 =	vadd.s32 s8, v6;
	vm0 =	vgt.u32 v1, $0x7FF  }
0xc: {  	s25 =	sor.u32 $0x30, s11;
	v1 =	vadd.s32 s5, v6;
	v7 =	vand.u32 $0x7, v0;
	v9 =	vshll.u32 v0, $0x3  }
0xd: {  	s2 =	rddreg [dreg:$0x0];
	v1 =	vsel vm0, v1, v2;
	v2 =	vsel vm1, v3, v4;
	v3 =	vmov s25  }
0xe: {  	s0 =	rddreg [dreg:$0x1];
	s3 =	simm.s32 $0x0;
	v4 =	vor.u32 s25, v8;
	vm0 =	vgt.u32 v3, $0x7FF;
	v3 =	vadd.s32 s25, v6  }
0xf: {  	s30 =	simm.s32 $0x100;
	s31 =	simm.s32 $0x900;
	s29 =	simm.s32 $0x1100;
	v9 =	vand.u32 $0xFFFFFFC0, v9;
	v3 =	vsel vm0, v3, v4;
	v4 =	vmov s12  }
0x10: {  	s17 =	simm.s32 $0x4100;
	s18 =	simm.s32 $0x4900;
	s19 =	simm.s32 $0x5100;
	v17 =	vor.u32 v7, v9;
	vm0 =	vgt.u32 v4, $0x7FF;
	v4 =	vadd.s32 s12, v6  }
0x11: {  	s20 =	simm.s32 $0x5900;
	s21 =	simm.s32 $0x6100;
	s22 =	simm.s32 $0x6900;
	v7 =	vand.u32 $0x7, v8;
	v4 =	vsel vm0, v4, v5;
	v5 =	vmov s26  }
0x12: {  	s23 =	simm.s32 $0x7100;
	[smem:$0x7FF] =	sst s3;
	s1 =	ssub.s32 $0x2, s1;
	v9 =	vshrl.u32 v8, $0x3;
	vm0 =	vgt.u32 v5, $0x7FF;
	v5 =	vadd.s32 s26, v6  }
0x13: {  	s9 =	sadd.s32 $0x10C00, s0;
	_ =	strace $0x80000047;
	s6 =	sshrl.u32 s1, $0x1;
	v8 =	vor.u32 $0x8, v8;
	v5 =	vsel vm0, v5, v10;
	v10 =	vmov s28  }
0x14: {  	s4 =	sadd.s32 $0x10E00, s0;
	s7 =	sshrl.u32 s11, $0x3;
	s1 =	ssub.s32 s1, s6;
	v9 =	vmul.u32 $0x8, v9;
	v6 =	vshll.u32 v4, $0x3;
	vm0 =	vgt.u32 v10, $0x7FF  }
0x15: {  	s6 =	sadd.s32 $0x200, s2;
	s24 =	sadd.s32 s9, s7;
	s10 =	sshrl.u32 s12, $0x3;
	v16 =	vand.u32 $0xFFFFFFC0, v6;
	v10 =	vand.u32 $0x7, v4;
	v6 =	vsel vm0, v12, v11  }
0x16: {  	s7 =	sadd.s32 $0x300, s2;
	s11 =	smax.u32 s1, $0x1;
	[dreg:$0x3] =	wrdreg s24;
	v10 =	vor.u32 v10, v16;
	v11 =	vperm.xlane v17, v7;
	v12 =	vperm.xlane v17, v8  }
0x17: {  	s8 =	sadd.s32 $0x10F00, s0;
	s13 =	sadd.s32 s9, s10;
	s9 =	sadd.s32 $0x11000, s0;
	vm0 =	vgt.u32 v13, $0x7FF;
	v13 =	vperm.xlane v10, v7;
	v16 =	vperm.xlane v10, v8  }
0x18: {  	s10 =	sadd.s32 $0x11100, s0;
	s24 =	simm.s32 $0x7900;
	s5 =	sadd.s32 $0x100, s2;
	v10 =	vsel vm0, v15, v14;
	vm0 =	vmmov $0xffff;
	v11 =	vadd.s32 v9, v11  }
0x19: {  	[dreg:$0x4] =	wrdreg s13;
	s25 =	simm.s32 $0x8100;
	s26 =	simm.s32 $0x1;
	v12 =	vadd.s32 v9, v12;
	v13 =	vadd.s32 v9, v13;
	v14 =	vadd.s32 v9, v16  }
.LBB2_1:
0x1a: {  	s28 =	rddreg [dreg:$0x3];
	s0 =	simm.s32 $0x80  }
0x1b: {  	[tilespmem:s0], [sflag:$0x2] =	stream.linear.gather [hbm4b:s28+s3], $0x40, $0x38;
	[tilespmem:$0x10100] =	vst v63  }
0x1c: {  	s0 =	simm.s32 $0x2  }
0x1d: {  	_ =	swait.ge [sflag:s0], $0x40  }
0x1e: {  	[sflag:s0] =	ssyncset.done $0x0  }
0x1f: {  	[sflag:s0] =	ssyncadd.s32 $0xFFFFFFC0  }
0x20: {  	[tilespmem:$0x0] =	vst v0  }
0x21: {  	[tilespmem:$0x10] =	vst v1  }
0x22: {  	[tilespmem:$0x20] =	vst v2  }
0x23: {  	[tilespmem:$0x30] =	vst v3  }
0x24: {  	[tilespmem:s30], [sflag:$0x1] =	stream.indirect_vreg.gather [hbm4b:s2+s3], $0x80, v11, vm0, $0xb8;
	[tilespmem:$0x10100] =	vst v63  }
0x25: {  	_ = 	snop  }
0x26: {  	[tilespmem:s31], [sflag:$0x1] =	stream.indirect_vreg.gather [hbm4b:s5+s3], $0x80, v11, vm0, $0xb8;
	[tilespmem:$0x10100] =	vst v63  }
0x27: {  	_ = 	snop  }
0x28: {  	[tilespmem:s29], [sflag:$0x1] =	stream.indirect_vreg.gather [hbm4b:s6+s3], $0x80, v11, vm0, $0xb8;
	[tilespmem:$0x10100] =	vst v63  }
0x29: {  	s1 =	simm.s32 $0x1900  }
0x2a: {  	[tilespmem:s1], [sflag:$0x1] =	stream.indirect_vreg.gather [hbm4b:s7+s3], $0x80, v11, vm0, $0xb8;
	[tilespmem:$0x10100] =	vst v63  }
0x2b: {  	s12 =	simm.s32 $0x2100  }
0x2c: {  	[tilespmem:s12], [sflag:$0x1] =	stream.indirect_vreg.gather [hbm4b:s2+s3], $0x80, v12, vm0, $0xb8;
	[tilespmem:$0x10100] =	vst v63  }
0x2d: {  	s13 =	simm.s32 $0x2900  }
0x2e: {  	[tilespmem:s13], [sflag:$0x1] =	stream.indirect_vreg.gather [hbm4b:s5+s3], $0x80, v12, vm0, $0xb8;
	[tilespmem:$0x10100] =	vst v63  }
0x2f: {  	s15 =	simm.s32 $0x3100  }
0x30: {  	[tilespmem:s15], [sflag:$0x1] =	stream.indirect_vreg.gather [hbm4b:s6+s3], $0x80, v12, vm0, $0xb8;
	[tilespmem:$0x10100] =	vst v63  }
0x31: {  	s16 =	simm.s32 $0x3900  }
0x32: {  	[tilespmem:s16], [sflag:$0x1] =	stream.indirect_vreg.gather [hbm4b:s7+s3], $0x80, v12, vm0, $0xb8;
	[tilespmem:$0x10100] =	vst v63  }
0x33: {  	v15 =	vld [tilespmem:$0x10];
	_ =	sdelay $0x4  }
0x34: {  	v16 =	vshll.u32 v15, $0x3  }
0x35: {  	v15 =	vand.u32 $0x7, v15;
	v16 =	vand.u32 $0xFFFFFFC0, v16  }
0x36: {  	v15 =	vor.u32 v15, v16  }
0x37: {  	v16 =	vperm.xlane v15, v7;
	_ =	sdelay $0x1  }
0x38: {  	v16 =	vadd.s32 v9, v16;
	_ =	sdelay $0x4  }
0x39: {  	[tilespmem:s17], [sflag:$0x1] =	stream.indirect_vreg.gather [hbm4b:s2+s3], $0x80, v16, vm0, $0xb8;
	[tilespmem:$0x10100] =	vst v63  }
0x3a: {  	v15 =	vperm.xlane v15, v8  }
0x3b: {  	[tilespmem:s18], [sflag:$0x1] =	stream.indirect_vreg.gather [hbm4b:s5+s3], $0x80, v16, vm0, $0xb8;
	[tilespmem:$0x10100] =	vst v63  }
0x3c: {  	v15 =	vadd.s32 v9, v15  }
0x3d: {  	[tilespmem:s19], [sflag:$0x1] =	stream.indirect_vreg.gather [hbm4b:s6+s3], $0x80, v16, vm0, $0xb8;
	[tilespmem:$0x10100] =	vst v63  }
0x3e: {  	_ = 	snop  }
0x3f: {  	[tilespmem:s20], [sflag:$0x1] =	stream.indirect_vreg.gather [hbm4b:s7+s3], $0x80, v16, vm0, $0xb8;
	[tilespmem:$0x10100] =	vst v63  }
0x40: {  	_ = 	snop  }
0x41: {  	[tilespmem:s21], [sflag:$0x1] =	stream.indirect_vreg.gather [hbm4b:s2+s3], $0x80, v15, vm0, $0xb8;
	[tilespmem:$0x10100] =	vst v63  }
0x42: {  	_ = 	snop  }
0x43: {  	[tilespmem:s22], [sflag:$0x1] =	stream.indirect_vreg.gather [hbm4b:s5+s3], $0x80, v15, vm0, $0xb8;
	[tilespmem:$0x10100] =	vst v63  }
0x44: {  	_ = 	snop  }
0x45: {  	[tilespmem:s23], [sflag:$0x1] =	stream.indirect_vreg.gather [hbm4b:s6+s3], $0x80, v15, vm0, $0xb8;
	[tilespmem:$0x10100] =	vst v63  }
0x46: {  	_ = 	snop  }
0x47: {  	[tilespmem:s24], [sflag:$0x1] =	stream.indirect_vreg.gather [hbm4b:s7+s3], $0x80, v15, vm0, $0xb8;
	[tilespmem:$0x10100] =	vst v63  }
0x48: {  	v15 =	vld [tilespmem:$0x20];
	_ =	sdelay $0x4  }
0x49: {  	v51 =	vshll.u32 v15, $0x3  }
0x4a: {  	v15 =	vand.u32 $0x7, v15;
	v16 =	vand.u32 $0xFFFFFFC0, v51  }
0x4b: {  	v15 =	vor.u32 v15, v16  }
0x4c: {  	v16 =	vperm.xlane v15, v7;
	_ =	sdelay $0x1  }
0x4d: {  	v16 =	vadd.s32 v9, v16;
	_ =	sdelay $0x4  }
0x4e: {  	[tilespmem:s25], [sflag:$0x1] =	stream.indirect_vreg.gather [hbm4b:s2+s3], $0x80, v16, vm0, $0xb8;
	[tilespmem:$0x10100] =	vst v63  }
0x4f: {  	s28 =	simm.s32 $0x8900;
	v15 =	vperm.xlane v15, v8  }
0x50: {  	[tilespmem:s28], [sflag:$0x1] =	stream.indirect_vreg.gather [hbm4b:s5+s3], $0x80, v16, vm0, $0xb8;
	[tilespmem:$0x10100] =	vst v63  }
0x51: {  	v15 =	vadd.s32 v9, v15;
	s28 =	simm.s32 $0x9100  }
0x52: {  	[tilespmem:s28], [sflag:$0x1] =	stream.indirect_vreg.gather [hbm4b:s6+s3], $0x80, v16, vm0, $0xb8;
	[tilespmem:$0x10100] =	vst v63  }
0x53: {  	s28 =	simm.s32 $0x9900  }
0x54: {  	[tilespmem:s28], [sflag:$0x1] =	stream.indirect_vreg.gather [hbm4b:s7+s3], $0x80, v16, vm0, $0xb8;
	[tilespmem:$0x10100] =	vst v63  }
0x55: {  	s28 =	simm.s32 $0xA100  }
0x56: {  	[tilespmem:s28], [sflag:$0x1] =	stream.indirect_vreg.gather [hbm4b:s2+s3], $0x80, v15, vm0, $0xb8;
	[tilespmem:$0x10100] =	vst v63  }
0x57: {  	s28 =	simm.s32 $0xA900  }
0x58: {  	[tilespmem:s28], [sflag:$0x1] =	stream.indirect_vreg.gather [hbm4b:s5+s3], $0x80, v15, vm0, $0xb8;
	[tilespmem:$0x10100] =	vst v63  }
0x59: {  	s28 =	simm.s32 $0xB100  }
0x5a: {  	[tilespmem:s28], [sflag:$0x1] =	stream.indirect_vreg.gather [hbm4b:s6+s3], $0x80, v15, vm0, $0xb8;
	[tilespmem:$0x10100] =	vst v63  }
0x5b: {  	s28 =	simm.s32 $0xB900  }
0x5c: {  	[tilespmem:s28], [sflag:$0x1] =	stream.indirect_vreg.gather [hbm4b:s7+s3], $0x80, v15, vm0, $0xb8;
	[tilespmem:$0x10100] =	vst v63  }
0x5d: {  	v15 =	vld [tilespmem:$0x30];
	_ =	sdelay $0x4  }
0x5e: {  	v52 =	vshll.u32 v15, $0x3  }
0x5f: {  	v15 =	vand.u32 $0x7, v15;
	v16 =	vand.u32 $0xFFFFFFC0, v52  }
0x60: {  	v15 =	vor.u32 v15, v16  }
0x61: {  	v16 =	vperm.xlane v15, v7;
	_ =	sdelay $0x1  }
0x62: {  	v16 =	vadd.s32 v9, v16;
	_ =	sdelay $0x3  }
0x63: {  	s28 =	simm.s32 $0xC100  }
0x64: {  	[tilespmem:s28], [sflag:$0x1] =	stream.indirect_vreg.gather [hbm4b:s2+s3], $0x80, v16, vm0, $0xb8;
	[tilespmem:$0x10100] =	vst v63  }
0x65: {  	v15 =	vperm.xlane v15, v8;
	s28 =	simm.s32 $0xC900  }
0x66: {  	[tilespmem:s28], [sflag:$0x1] =	stream.indirect_vreg.gather [hbm4b:s5+s3], $0x80, v16, vm0, $0xb8;
	[tilespmem:$0x10100] =	vst v63  }
0x67: {  	v15 =	vadd.s32 v9, v15;
	s28 =	simm.s32 $0xD100  }
0x68: {  	[tilespmem:s28], [sflag:$0x1] =	stream.indirect_vreg.gather [hbm4b:s6+s3], $0x80, v16, vm0, $0xb8;
	[tilespmem:$0x10100] =	vst v63  }
0x69: {  	s28 =	simm.s32 $0xD900  }
0x6a: {  	[tilespmem:s28], [sflag:$0x1] =	stream.indirect_vreg.gather [hbm4b:s7+s3], $0x80, v16, vm0, $0xb8;
	[tilespmem:$0x10100] =	vst v63  }
0x6b: {  	s28 =	simm.s32 $0xE100  }
0x6c: {  	[tilespmem:s28], [sflag:$0x1] =	stream.indirect_vreg.gather [hbm4b:s2+s3], $0x80, v15, vm0, $0xb8;
	[tilespmem:$0x10100] =	vst v63  }
0x6d: {  	s28 =	simm.s32 $0xE900  }
0x6e: {  	[tilespmem:s28], [sflag:$0x1] =	stream.indirect_vreg.gather [hbm4b:s5+s3], $0x80, v15, vm0, $0xb8;
	[tilespmem:$0x10100] =	vst v63  }
0x6f: {  	s28 =	simm.s32 $0xF100  }
0x70: {  	[tilespmem:s28], [sflag:$0x1] =	stream.indirect_vreg.gather [hbm4b:s6+s3], $0x80, v15, vm0, $0xb8;
	[tilespmem:$0x10100] =	vst v63  }
0x71: {  	s28 =	simm.s32 $0xF900  }
0x72: {  	[tilespmem:s28], [sflag:$0x1] =	stream.indirect_vreg.gather [hbm4b:s7+s3], $0x80, v15, vm0, $0xb8;
	[tilespmem:$0x10100] =	vst v63  }
0x73: {  	_ =	swait.ge [sflag:s26], $0x10000  }
0x74: {  	[sflag:s26] =	ssyncset.done $0x0  }
0x75: {  	[sflag:s26] =	ssyncadd.s32 $0xFFFF0000  }
0x76: {  	v15 =	vld [tilespmem:$0x80];
	_ =	sdelay $0x4  }
0x77: {  	v53 =	vshll.u32 v15, $0x3  }
0x78: {  	v15 =	vand.u32 $0x7, v15;
	v16 =	vand.u32 $0xFFFFFFC0, v53  }
0x79: {  	v15 =	vor.u32 v15, v16  }
0x7a: {  	v16 =	vperm.xlane v15, v7;
	_ =	sdelay $0x1  }
0x7b: {  	v16 =	vadd.s32 v9, v16;
	_ =	sdelay $0x4  }
0x7c: {  	[hbm4b:s4+s3] =	stream.indirect_vreg.scatter [tilespmem:s30], [sflag:$0x1], $0x80, v16, vm0, $0xb8;
	[tilespmem:$0x10100] =	vst v63  }
0x7d: {  	v15 =	vperm.xlane v15, v8  }
0x7e: {  	[hbm4b:s8+s3] =	stream.indirect_vreg.scatter [tilespmem:s31], [sflag:$0x1], $0x80, v16, vm0, $0xb8;
	[tilespmem:$0x10100] =	vst v63  }
0x7f: {  	v15 =	vadd.s32 v9, v15  }
0x80: {  	[hbm4b:s9+s3] =	stream.indirect_vreg.scatter [tilespmem:s29], [sflag:$0x1], $0x80, v16, vm0, $0xb8;
	[tilespmem:$0x10100] =	vst v63  }
0x81: {  	s1 =	simm.s32 $0x1900  }
0x82: {  	[hbm4b:s10+s3] =	stream.indirect_vreg.scatter [tilespmem:s1], [sflag:$0x1], $0x80, v16, vm0, $0xb8;
	[tilespmem:$0x10100] =	vst v63  }
0x83: {  	s12 =	simm.s32 $0x2100  }
0x84: {  	[hbm4b:s4+s3] =	stream.indirect_vreg.scatter [tilespmem:s12], [sflag:$0x1], $0x80, v15, vm0, $0xb8;
	[tilespmem:$0x10100] =	vst v63  }
0x85: {  	s14 =	simm.s32 $0x2900  }
0x86: {  	[hbm4b:s8+s3] =	stream.indirect_vreg.scatter [tilespmem:s14], [sflag:$0x1], $0x80, v15, vm0, $0xb8;
	[tilespmem:$0x10100] =	vst v63  }
0x87: {  	s15 =	simm.s32 $0x3100  }
0x88: {  	[hbm4b:s9+s3] =	stream.indirect_vreg.scatter [tilespmem:s15], [sflag:$0x1], $0x80, v15, vm0, $0xb8;
	[tilespmem:$0x10100] =	vst v63  }
0x89: {  	s16 =	simm.s32 $0x3900  }
0x8a: {  	[hbm4b:s10+s3] =	stream.indirect_vreg.scatter [tilespmem:s16], [sflag:$0x1], $0x80, v15, vm0, $0xb8;
	[tilespmem:$0x10100] =	vst v63  }
0x8b: {  	v15 =	vld [tilespmem:$0x90];
	_ =	sdelay $0x4  }
0x8c: {  	v54 =	vshll.u32 v15, $0x3  }
0x8d: {  	v15 =	vand.u32 $0x7, v15;
	v16 =	vand.u32 $0xFFFFFFC0, v54  }
0x8e: {  	v15 =	vor.u32 v15, v16  }
0x8f: {  	v16 =	vperm.xlane v15, v7;
	_ =	sdelay $0x1  }
0x90: {  	v16 =	vadd.s32 v9, v16;
	_ =	sdelay $0x4  }
0x91: {  	[hbm4b:s4+s3] =	stream.indirect_vreg.scatter [tilespmem:s17], [sflag:$0x1], $0x80, v16, vm0, $0xb8;
	[tilespmem:$0x10100] =	vst v63  }
0x92: {  	v15 =	vperm.xlane v15, v8  }
0x93: {  	[hbm4b:s8+s3] =	stream.indirect_vreg.scatter [tilespmem:s18], [sflag:$0x1], $0x80, v16, vm0, $0xb8;
	[tilespmem:$0x10100] =	vst v63  }
0x94: {  	v15 =	vadd.s32 v9, v15  }
0x95: {  	[hbm4b:s9+s3] =	stream.indirect_vreg.scatter [tilespmem:s19], [sflag:$0x1], $0x80, v16, vm0, $0xb8;
	[tilespmem:$0x10100] =	vst v63  }
0x96: {  	_ = 	snop  }
0x97: {  	[hbm4b:s10+s3] =	stream.indirect_vreg.scatter [tilespmem:s20], [sflag:$0x1], $0x80, v16, vm0, $0xb8;
	[tilespmem:$0x10100] =	vst v63  }
0x98: {  	_ = 	snop  }
0x99: {  	[hbm4b:s4+s3] =	stream.indirect_vreg.scatter [tilespmem:s21], [sflag:$0x1], $0x80, v15, vm0, $0xb8;
	[tilespmem:$0x10100] =	vst v63  }
0x9a: {  	_ = 	snop  }
0x9b: {  	[hbm4b:s8+s3] =	stream.indirect_vreg.scatter [tilespmem:s22], [sflag:$0x1], $0x80, v15, vm0, $0xb8;
	[tilespmem:$0x10100] =	vst v63  }
0x9c: {  	_ = 	snop  }
0x9d: {  	[hbm4b:s9+s3] =	stream.indirect_vreg.scatter [tilespmem:s23], [sflag:$0x1], $0x80, v15, vm0, $0xb8;
	[tilespmem:$0x10100] =	vst v63  }
0x9e: {  	_ = 	snop  }
0x9f: {  	[hbm4b:s10+s3] =	stream.indirect_vreg.scatter [tilespmem:s24], [sflag:$0x1], $0x80, v15, vm0, $0xb8;
	[tilespmem:$0x10100] =	vst v63  }
0xa0: {  	v15 =	vld [tilespmem:$0xA0];
	_ =	sdelay $0x4  }
0xa1: {  	v55 =	vshll.u32 v15, $0x3  }
0xa2: {  	v15 =	vand.u32 $0x7, v15;
	v16 =	vand.u32 $0xFFFFFFC0, v55  }
0xa3: {  	v15 =	vor.u32 v15, v16  }
0xa4: {  	v16 =	vperm.xlane v15, v7;
	_ =	sdelay $0x1  }
0xa5: {  	v16 =	vadd.s32 v9, v16;
	_ =	sdelay $0x4  }
0xa6: {  	[hbm4b:s4+s3] =	stream.indirect_vreg.scatter [tilespmem:s25], [sflag:$0x1], $0x80, v16, vm0, $0xb8;
	[tilespmem:$0x10100] =	vst v63  }
0xa7: {  	s13 =	simm.s32 $0x8900;
	v15 =	vperm.xlane v15, v8  }
0xa8: {  	[hbm4b:s8+s3] =	stream.indirect_vreg.scatter [tilespmem:s13], [sflag:$0x1], $0x80, v16, vm0, $0xb8;
	[tilespmem:$0x10100] =	vst v63  }
0xa9: {  	s15 =	simm.s32 $0x9100;
	v15 =	vadd.s32 v9, v15  }
0xaa: {  	[hbm4b:s9+s3] =	stream.indirect_vreg.scatter [tilespmem:s15], [sflag:$0x1], $0x80, v16, vm0, $0xb8;
	[tilespmem:$0x10100] =	vst v63  }
0xab: {  	s14 =	simm.s32 $0x9900  }
0xac: {  	[hbm4b:s10+s3] =	stream.indirect_vreg.scatter [tilespmem:s14], [sflag:$0x1], $0x80, v16, vm0, $0xb8;
	[tilespmem:$0x10100] =	vst v63  }
0xad: {  	s15 =	simm.s32 $0xA100  }
0xae: {  	[hbm4b:s4+s3] =	stream.indirect_vreg.scatter [tilespmem:s15], [sflag:$0x1], $0x80, v15, vm0, $0xb8;
	[tilespmem:$0x10100] =	vst v63  }
0xaf: {  	s14 =	simm.s32 $0xA900  }
0xb0: {  	[hbm4b:s8+s3] =	stream.indirect_vreg.scatter [tilespmem:s14], [sflag:$0x1], $0x80, v15, vm0, $0xb8;
	[tilespmem:$0x10100] =	vst v63  }
0xb1: {  	s15 =	simm.s32 $0xB100  }
0xb2: {  	[hbm4b:s9+s3] =	stream.indirect_vreg.scatter [tilespmem:s15], [sflag:$0x1], $0x80, v15, vm0, $0xb8;
	[tilespmem:$0x10100] =	vst v63  }
0xb3: {  	s14 =	simm.s32 $0xB900  }
0xb4: {  	[hbm4b:s10+s3] =	stream.indirect_vreg.scatter [tilespmem:s14], [sflag:$0x1], $0x80, v15, vm0, $0xb8;
	[tilespmem:$0x10100] =	vst v63  }
0xb5: {  	v15 =	vld [tilespmem:$0xB0];
	_ =	sdelay $0x4  }
0xb6: {  	v56 =	vshll.u32 v15, $0x3  }
0xb7: {  	v15 =	vand.u32 $0x7, v15;
	v16 =	vand.u32 $0xFFFFFFC0, v56  }
0xb8: {  	v15 =	vor.u32 v15, v16  }
0xb9: {  	v16 =	vperm.xlane v15, v7;
	_ =	sdelay $0x1  }
0xba: {  	v16 =	vadd.s32 v9, v16;
	_ =	sdelay $0x3  }
0xbb: {  	s15 =	simm.s32 $0xC100  }
0xbc: {  	[hbm4b:s4+s3] =	stream.indirect_vreg.scatter [tilespmem:s15], [sflag:$0x1], $0x80, v16, vm0, $0xb8;
	[tilespmem:$0x10100] =	vst v63  }
0xbd: {  	s1 =	simm.s32 $0xC900;
	v15 =	vperm.xlane v15, v8  }
0xbe: {  	[hbm4b:s8+s3] =	stream.indirect_vreg.scatter [tilespmem:s1], [sflag:$0x1], $0x80, v16, vm0, $0xb8;
	[tilespmem:$0x10100] =	vst v63  }
0xbf: {  	v15 =	vadd.s32 v9, v15;
	s1 =	simm.s32 $0xD100  }
0xc0: {  	[hbm4b:s9+s3] =	stream.indirect_vreg.scatter [tilespmem:s1], [sflag:$0x1], $0x80, v16, vm0, $0xb8;
	[tilespmem:$0x10100] =	vst v63  }
0xc1: {  	s1 =	simm.s32 $0xD900  }
0xc2: {  	[hbm4b:s10+s3] =	stream.indirect_vreg.scatter [tilespmem:s1], [sflag:$0x1], $0x80, v16, vm0, $0xb8;
	[tilespmem:$0x10100] =	vst v63  }
0xc3: {  	s1 =	simm.s32 $0xE100  }
0xc4: {  	[hbm4b:s4+s3] =	stream.indirect_vreg.scatter [tilespmem:s1], [sflag:$0x1], $0x80, v15, vm0, $0xb8;
	[tilespmem:$0x10100] =	vst v63  }
0xc5: {  	s1 =	simm.s32 $0xE900  }
0xc6: {  	[hbm4b:s8+s3] =	stream.indirect_vreg.scatter [tilespmem:s1], [sflag:$0x1], $0x80, v15, vm0, $0xb8;
	[tilespmem:$0x10100] =	vst v63  }
0xc7: {  	s1 =	simm.s32 $0xF100  }
0xc8: {  	[hbm4b:s9+s3] =	stream.indirect_vreg.scatter [tilespmem:s1], [sflag:$0x1], $0x80, v15, vm0, $0xb8;
	[tilespmem:$0x10100] =	vst v63  }
0xc9: {  	s28 =	simm.s32 $0xF900  }
0xca: {  	[hbm4b:s10+s3] =	stream.indirect_vreg.scatter [tilespmem:s28], [sflag:$0x1], $0x80, v15, vm0, $0xb8;
	[tilespmem:$0x10100] =	vst v63  }
0xcb: {  	_ =	swait.ge [sflag:s26], $0x10000  }
0xcc: {  	[sflag:s26] =	ssyncset.done $0x0  }
0xcd: {  	s1 =	simm.s32 $0x80;
	s28 =	rddreg [dreg:$0x4];
	[sflag:s26] =	ssyncadd.s32 $0xFFFF0000  }
0xce: {  	[tilespmem:s1], [sflag:$0x2] =	stream.linear.gather [hbm4b:s28+s3], $0x40, $0x38;
	[tilespmem:$0x10100] =	vst v63  }
0xcf: {  	_ =	swait.ge [sflag:s0], $0x40  }
0xd0: {  	[sflag:s0] =	ssyncset.done $0x0  }
0xd1: {  	[sflag:s0] =	ssyncadd.s32 $0xFFFFFFC0  }
0xd2: {  	[tilespmem:$0x0] =	vst v4  }
0xd3: {  	[tilespmem:$0x10] =	vst v5  }
0xd4: {  	[tilespmem:$0x20] =	vst v6  }
0xd5: {  	[tilespmem:$0x30] =	vst v10  }
0xd6: {  	[tilespmem:s30], [sflag:$0x1] =	stream.indirect_vreg.gather [hbm4b:s2+s3], $0x80, v13, vm0, $0xb8;
	[tilespmem:$0x10100] =	vst v63  }
0xd7: {  	_ = 	snop  }
0xd8: {  	[tilespmem:s31], [sflag:$0x1] =	stream.indirect_vreg.gather [hbm4b:s5+s3], $0x80, v13, vm0, $0xb8;
	[tilespmem:$0x10100] =	vst v63  }
0xd9: {  	_ = 	snop  }
0xda: {  	[tilespmem:s29], [sflag:$0x1] =	stream.indirect_vreg.gather [hbm4b:s6+s3], $0x80, v13, vm0, $0xb8;
	[tilespmem:$0x10100] =	vst v63  }
0xdb: {  	s1 =	simm.s32 $0x1900  }
0xdc: {  	[tilespmem:s1], [sflag:$0x1] =	stream.indirect_vreg.gather [hbm4b:s7+s3], $0x80, v13, vm0, $0xb8;
	[tilespmem:$0x10100] =	vst v63  }
0xdd: {  	s12 =	simm.s32 $0x2100  }
0xde: {  	[tilespmem:s12], [sflag:$0x1] =	stream.indirect_vreg.gather [hbm4b:s2+s3], $0x80, v14, vm0, $0xb8;
	[tilespmem:$0x10100] =	vst v63  }
0xdf: {  	s28 =	simm.s32 $0x2900  }
0xe0: {  	[tilespmem:s28], [sflag:$0x1] =	stream.indirect_vreg.gather [hbm4b:s5+s3], $0x80, v14, vm0, $0xb8;
	[tilespmem:$0x10100] =	vst v63  }
0xe1: {  	s12 =	simm.s32 $0x3100  }
0xe2: {  	[tilespmem:s12], [sflag:$0x1] =	stream.indirect_vreg.gather [hbm4b:s6+s3], $0x80, v14, vm0, $0xb8;
	[tilespmem:$0x10100] =	vst v63  }
0xe3: {  	s16 =	simm.s32 $0x3900  }
0xe4: {  	[tilespmem:s16], [sflag:$0x1] =	stream.indirect_vreg.gather [hbm4b:s7+s3], $0x80, v14, vm0, $0xb8;
	[tilespmem:$0x10100] =	vst v63  }
0xe5: {  	v15 =	vld [tilespmem:$0x10];
	_ =	sdelay $0x4  }
0xe6: {  	v57 =	vshll.u32 v15, $0x3  }
0xe7: {  	v15 =	vand.u32 $0x7, v15;
	v16 =	vand.u32 $0xFFFFFFC0, v57  }
0xe8: {  	v15 =	vor.u32 v15, v16  }
0xe9: {  	v16 =	vperm.xlane v15, v7;
	_ =	sdelay $0x1  }
0xea: {  	v16 =	vadd.s32 v9, v16;
	_ =	sdelay $0x4  }
0xeb: {  	[tilespmem:s17], [sflag:$0x1] =	stream.indirect_vreg.gather [hbm4b:s2+s3], $0x80, v16, vm0, $0xb8;
	[tilespmem:$0x10100] =	vst v63  }
0xec: {  	v15 =	vperm.xlane v15, v8  }
0xed: {  	[tilespmem:s18], [sflag:$0x1] =	stream.indirect_vreg.gather [hbm4b:s5+s3], $0x80, v16, vm0, $0xb8;
	[tilespmem:$0x10100] =	vst v63  }
0xee: {  	v15 =	vadd.s32 v9, v15  }
0xef: {  	[tilespmem:s19], [sflag:$0x1] =	stream.indirect_vreg.gather [hbm4b:s6+s3], $0x80, v16, vm0, $0xb8;
	[tilespmem:$0x10100] =	vst v63  }
0xf0: {  	_ = 	snop  }
0xf1: {  	[tilespmem:s20], [sflag:$0x1] =	stream.indirect_vreg.gather [hbm4b:s7+s3], $0x80, v16, vm0, $0xb8;
	[tilespmem:$0x10100] =	vst v63  }
0xf2: {  	_ = 	snop  }
0xf3: {  	[tilespmem:s21], [sflag:$0x1] =	stream.indirect_vreg.gather [hbm4b:s2+s3], $0x80, v15, vm0, $0xb8;
	[tilespmem:$0x10100] =	vst v63  }
0xf4: {  	_ = 	snop  }
0xf5: {  	[tilespmem:s22], [sflag:$0x1] =	stream.indirect_vreg.gather [hbm4b:s5+s3], $0x80, v15, vm0, $0xb8;
	[tilespmem:$0x10100] =	vst v63  }
0xf6: {  	_ = 	snop  }
0xf7: {  	[tilespmem:s23], [sflag:$0x1] =	stream.indirect_vreg.gather [hbm4b:s6+s3], $0x80, v15, vm0, $0xb8;
	[tilespmem:$0x10100] =	vst v63  }
0xf8: {  	_ = 	snop  }
0xf9: {  	[tilespmem:s24], [sflag:$0x1] =	stream.indirect_vreg.gather [hbm4b:s7+s3], $0x80, v15, vm0, $0xb8;
	[tilespmem:$0x10100] =	vst v63  }
0xfa: {  	v15 =	vld [tilespmem:$0x20];
	_ =	sdelay $0x4  }
0xfb: {  	v58 =	vshll.u32 v15, $0x3  }
0xfc: {  	v15 =	vand.u32 $0x7, v15;
	v16 =	vand.u32 $0xFFFFFFC0, v58  }
0xfd: {  	v15 =	vor.u32 v15, v16  }
0xfe: {  	v16 =	vperm.xlane v15, v7;
	_ =	sdelay $0x1  }
0xff: {  	v16 =	vadd.s32 v9, v16;
	_ =	sdelay $0x4  }
0x100: {  	[tilespmem:s25], [sflag:$0x1] =	stream.indirect_vreg.gather [hbm4b:s2+s3], $0x80, v16, vm0, $0xb8;
	[tilespmem:$0x10100] =	vst v63  }
0x101: {  	s13 =	simm.s32 $0x8900;
	v15 =	vperm.xlane v15, v8  }
0x102: {  	[tilespmem:s13], [sflag:$0x1] =	stream.indirect_vreg.gather [hbm4b:s5+s3], $0x80, v16, vm0, $0xb8;
	[tilespmem:$0x10100] =	vst v63  }
0x103: {  	s0 =	simm.s32 $0x9100;
	v15 =	vadd.s32 v9, v15  }
0x104: {  	[tilespmem:s0], [sflag:$0x1] =	stream.indirect_vreg.gather [hbm4b:s6+s3], $0x80, v16, vm0, $0xb8;
	[tilespmem:$0x10100] =	vst v63  }
0x105: {  	s28 =	simm.s32 $0x9900  }
0x106: {  	[tilespmem:s28], [sflag:$0x1] =	stream.indirect_vreg.gather [hbm4b:s7+s3], $0x80, v16, vm0, $0xb8;
	[tilespmem:$0x10100] =	vst v63  }
0x107: {  	s13 =	simm.s32 $0xA100  }
0x108: {  	[tilespmem:s13], [sflag:$0x1] =	stream.indirect_vreg.gather [hbm4b:s2+s3], $0x80, v15, vm0, $0xb8;
	[tilespmem:$0x10100] =	vst v63  }
0x109: {  	s12 =	simm.s32 $0xA900  }
0x10a: {  	[tilespmem:s12], [sflag:$0x1] =	stream.indirect_vreg.gather [hbm4b:s5+s3], $0x80, v15, vm0, $0xb8;
	[tilespmem:$0x10100] =	vst v63  }
0x10b: {  	s16 =	simm.s32 $0xB100  }
0x10c: {  	[tilespmem:s16], [sflag:$0x1] =	stream.indirect_vreg.gather [hbm4b:s6+s3], $0x80, v15, vm0, $0xb8;
	[tilespmem:$0x10100] =	vst v63  }
0x10d: {  	s14 =	simm.s32 $0xB900  }
0x10e: {  	[tilespmem:s14], [sflag:$0x1] =	stream.indirect_vreg.gather [hbm4b:s7+s3], $0x80, v15, vm0, $0xb8;
	[tilespmem:$0x10100] =	vst v63  }
0x10f: {  	v15 =	vld [tilespmem:$0x30];
	_ =	sdelay $0x4  }
0x110: {  	v59 =	vshll.u32 v15, $0x3  }
0x111: {  	v15 =	vand.u32 $0x7, v15;
	v16 =	vand.u32 $0xFFFFFFC0, v59  }
0x112: {  	v15 =	vor.u32 v15, v16  }
0x113: {  	v16 =	vperm.xlane v15, v7;
	_ =	sdelay $0x1  }
0x114: {  	v16 =	vadd.s32 v9, v16;
	_ =	sdelay $0x3  }
0x115: {  	s15 =	simm.s32 $0xC100  }
0x116: {  	[tilespmem:s15], [sflag:$0x1] =	stream.indirect_vreg.gather [hbm4b:s2+s3], $0x80, v16, vm0, $0xb8;
	[tilespmem:$0x10100] =	vst v63  }
0x117: {  	s14 =	simm.s32 $0xC900;
	v15 =	vperm.xlane v15, v8  }
0x118: {  	[tilespmem:s14], [sflag:$0x1] =	stream.indirect_vreg.gather [hbm4b:s5+s3], $0x80, v16, vm0, $0xb8;
	[tilespmem:$0x10100] =	vst v63  }
0x119: {  	s13 =	simm.s32 $0xD100;
	v15 =	vadd.s32 v9, v15  }
0x11a: {  	[tilespmem:s13], [sflag:$0x1] =	stream.indirect_vreg.gather [hbm4b:s6+s3], $0x80, v16, vm0, $0xb8;
	[tilespmem:$0x10100] =	vst v63  }
0x11b: {  	s15 =	simm.s32 $0xD900  }
0x11c: {  	[tilespmem:s15], [sflag:$0x1] =	stream.indirect_vreg.gather [hbm4b:s7+s3], $0x80, v16, vm0, $0xb8;
	[tilespmem:$0x10100] =	vst v63  }
0x11d: {  	s14 =	simm.s32 $0xE100  }
0x11e: {  	[tilespmem:s14], [sflag:$0x1] =	stream.indirect_vreg.gather [hbm4b:s2+s3], $0x80, v15, vm0, $0xb8;
	[tilespmem:$0x10100] =	vst v63  }
0x11f: {  	s16 =	simm.s32 $0xE900  }
0x120: {  	[tilespmem:s16], [sflag:$0x1] =	stream.indirect_vreg.gather [hbm4b:s5+s3], $0x80, v15, vm0, $0xb8;
	[tilespmem:$0x10100] =	vst v63  }
0x121: {  	s15 =	simm.s32 $0xF100  }
0x122: {  	[tilespmem:s15], [sflag:$0x1] =	stream.indirect_vreg.gather [hbm4b:s6+s3], $0x80, v15, vm0, $0xb8;
	[tilespmem:$0x10100] =	vst v63  }
0x123: {  	s16 =	simm.s32 $0xF900  }
0x124: {  	[tilespmem:s16], [sflag:$0x1] =	stream.indirect_vreg.gather [hbm4b:s7+s3], $0x80, v15, vm0, $0xb8;
	[tilespmem:$0x10100] =	vst v63  }
0x125: {  	_ =	swait.ge [sflag:s26], $0x10000  }
0x126: {  	[sflag:s26] =	ssyncset.done $0x0  }
0x127: {  	[sflag:s26] =	ssyncadd.s32 $0xFFFF0000  }
0x128: {  	v15 =	vld [tilespmem:$0x80];
	_ =	sdelay $0x4  }
0x129: {  	v60 =	vshll.u32 v15, $0x3  }
0x12a: {  	v15 =	vand.u32 $0x7, v15;
	v16 =	vand.u32 $0xFFFFFFC0, v60  }
0x12b: {  	v15 =	vor.u32 v15, v16  }
0x12c: {  	v16 =	vperm.xlane v15, v7;
	_ =	sdelay $0x1  }
0x12d: {  	v16 =	vadd.s32 v9, v16;
	_ =	sdelay $0x4  }
0x12e: {  	[hbm4b:s4+s3] =	stream.indirect_vreg.scatter [tilespmem:s30], [sflag:$0x1], $0x80, v16, vm0, $0xb8;
	[tilespmem:$0x10100] =	vst v63  }
0x12f: {  	v15 =	vperm.xlane v15, v8  }
0x130: {  	[hbm4b:s8+s3] =	stream.indirect_vreg.scatter [tilespmem:s31], [sflag:$0x1], $0x80, v16, vm0, $0xb8;
	[tilespmem:$0x10100] =	vst v63  }
0x131: {  	v15 =	vadd.s32 v9, v15  }
0x132: {  	[hbm4b:s9+s3] =	stream.indirect_vreg.scatter [tilespmem:s29], [sflag:$0x1], $0x80, v16, vm0, $0xb8;
	[tilespmem:$0x10100] =	vst v63  }
0x133: {  	_ = 	snop  }
0x134: {  	[hbm4b:s10+s3] =	stream.indirect_vreg.scatter [tilespmem:s1], [sflag:$0x1], $0x80, v16, vm0, $0xb8;
	[tilespmem:$0x10100] =	vst v63  }
0x135: {  	s1 =	simm.s32 $0x2100  }
0x136: {  	[hbm4b:s4+s3] =	stream.indirect_vreg.scatter [tilespmem:s1], [sflag:$0x1], $0x80, v15, vm0, $0xb8;
	[tilespmem:$0x10100] =	vst v63  }
0x137: {  	s1 =	simm.s32 $0x2900  }
0x138: {  	[hbm4b:s8+s3] =	stream.indirect_vreg.scatter [tilespmem:s1], [sflag:$0x1], $0x80, v15, vm0, $0xb8;
	[tilespmem:$0x10100] =	vst v63  }
0x139: {  	s1 =	simm.s32 $0x3100  }
0x13a: {  	[hbm4b:s9+s3] =	stream.indirect_vreg.scatter [tilespmem:s1], [sflag:$0x1], $0x80, v15, vm0, $0xb8;
	[tilespmem:$0x10100] =	vst v63  }
0x13b: {  	s1 =	simm.s32 $0x3900  }
0x13c: {  	[hbm4b:s10+s3] =	stream.indirect_vreg.scatter [tilespmem:s1], [sflag:$0x1], $0x80, v15, vm0, $0xb8;
	[tilespmem:$0x10100] =	vst v63  }
0x13d: {  	v15 =	vld [tilespmem:$0x90];
	_ =	sdelay $0x4  }
0x13e: {  	v61 =	vshll.u32 v15, $0x3  }
0x13f: {  	v15 =	vand.u32 $0x7, v15;
	v16 =	vand.u32 $0xFFFFFFC0, v61  }
0x140: {  	v15 =	vor.u32 v15, v16  }
0x141: {  	v16 =	vperm.xlane v15, v7;
	_ =	sdelay $0x1  }
0x142: {  	v16 =	vadd.s32 v9, v16;
	_ =	sdelay $0x4  }
0x143: {  	[hbm4b:s4+s3] =	stream.indirect_vreg.scatter [tilespmem:s17], [sflag:$0x1], $0x80, v16, vm0, $0xb8;
	[tilespmem:$0x10100] =	vst v63  }
0x144: {  	v15 =	vperm.xlane v15, v8  }
0x145: {  	[hbm4b:s8+s3] =	stream.indirect_vreg.scatter [tilespmem:s18], [sflag:$0x1], $0x80, v16, vm0, $0xb8;
	[tilespmem:$0x10100] =	vst v63  }
0x146: {  	v15 =	vadd.s32 v9, v15  }
0x147: {  	[hbm4b:s9+s3] =	stream.indirect_vreg.scatter [tilespmem:s19], [sflag:$0x1], $0x80, v16, vm0, $0xb8;
	[tilespmem:$0x10100] =	vst v63  }
0x148: {  	_ = 	snop  }
0x149: {  	[hbm4b:s10+s3] =	stream.indirect_vreg.scatter [tilespmem:s20], [sflag:$0x1], $0x80, v16, vm0, $0xb8;
	[tilespmem:$0x10100] =	vst v63  }
0x14a: {  	_ = 	snop  }
0x14b: {  	[hbm4b:s4+s3] =	stream.indirect_vreg.scatter [tilespmem:s21], [sflag:$0x1], $0x80, v15, vm0, $0xb8;
	[tilespmem:$0x10100] =	vst v63  }
0x14c: {  	_ = 	snop  }
0x14d: {  	[hbm4b:s8+s3] =	stream.indirect_vreg.scatter [tilespmem:s22], [sflag:$0x1], $0x80, v15, vm0, $0xb8;
	[tilespmem:$0x10100] =	vst v63  }
0x14e: {  	_ = 	snop  }
0x14f: {  	[hbm4b:s9+s3] =	stream.indirect_vreg.scatter [tilespmem:s23], [sflag:$0x1], $0x80, v15, vm0, $0xb8;
	[tilespmem:$0x10100] =	vst v63  }
0x150: {  	_ = 	snop  }
0x151: {  	[hbm4b:s10+s3] =	stream.indirect_vreg.scatter [tilespmem:s24], [sflag:$0x1], $0x80, v15, vm0, $0xb8;
	[tilespmem:$0x10100] =	vst v63  }
0x152: {  	v15 =	vld [tilespmem:$0xA0];
	_ =	sdelay $0x4  }
0x153: {  	v62 =	vshll.u32 v15, $0x3  }
0x154: {  	v15 =	vand.u32 $0x7, v15;
	v16 =	vand.u32 $0xFFFFFFC0, v62  }
0x155: {  	v15 =	vor.u32 v15, v16  }
0x156: {  	v16 =	vperm.xlane v15, v7;
	_ =	sdelay $0x1  }
0x157: {  	v16 =	vadd.s32 v9, v16;
	_ =	sdelay $0x4  }
0x158: {  	[hbm4b:s4+s3] =	stream.indirect_vreg.scatter [tilespmem:s25], [sflag:$0x1], $0x80, v16, vm0, $0xb8;
	[tilespmem:$0x10100] =	vst v63  }
0x159: {  	s1 =	simm.s32 $0x8900;
	v15 =	vperm.xlane v15, v8  }
0x15a: {  	[hbm4b:s8+s3] =	stream.indirect_vreg.scatter [tilespmem:s1], [sflag:$0x1], $0x80, v16, vm0, $0xb8;
	[tilespmem:$0x10100] =	vst v63  }
0x15b: {  	v15 =	vadd.s32 v9, v15  }
0x15c: {  	[hbm4b:s9+s3] =	stream.indirect_vreg.scatter [tilespmem:s0], [sflag:$0x1], $0x80, v16, vm0, $0xb8;
	[tilespmem:$0x10100] =	vst v63  }
0x15d: {  	_ = 	snop  }
0x15e: {  	[hbm4b:s10+s3] =	stream.indirect_vreg.scatter [tilespmem:s28], [sflag:$0x1], $0x80, v16, vm0, $0xb8;
	[tilespmem:$0x10100] =	vst v63  }
0x15f: {  	s1 =	simm.s32 $0xA100  }
0x160: {  	[hbm4b:s4+s3] =	stream.indirect_vreg.scatter [tilespmem:s1], [sflag:$0x1], $0x80, v15, vm0, $0xb8;
	[tilespmem:$0x10100] =	vst v63  }
0x161: {  	_ = 	snop  }
0x162: {  	[hbm4b:s8+s3] =	stream.indirect_vreg.scatter [tilespmem:s12], [sflag:$0x1], $0x80, v15, vm0, $0xb8;
	[tilespmem:$0x10100] =	vst v63  }
0x163: {  	s12 =	simm.s32 $0xB100  }
0x164: {  	[hbm4b:s9+s3] =	stream.indirect_vreg.scatter [tilespmem:s12], [sflag:$0x1], $0x80, v15, vm0, $0xb8;
	[tilespmem:$0x10100] =	vst v63  }
0x165: {  	s28 =	simm.s32 $0xB900  }
0x166: {  	[hbm4b:s10+s3] =	stream.indirect_vreg.scatter [tilespmem:s28], [sflag:$0x1], $0x80, v15, vm0, $0xb8;
	[tilespmem:$0x10100] =	vst v63  }
0x167: {  	v15 =	vld [tilespmem:$0xB0];
	_ =	sdelay $0x4  }
0x168: {  	v63 =	vshll.u32 v15, $0x3  }
0x169: {  	v15 =	vand.u32 $0x7, v15;
	v16 =	vand.u32 $0xFFFFFFC0, v63  }
0x16a: {  	v15 =	vor.u32 v15, v16  }
0x16b: {  	v16 =	vperm.xlane v15, v7;
	_ =	sdelay $0x1  }
0x16c: {  	v16 =	vadd.s32 v9, v16;
	_ =	sdelay $0x3  }
0x16d: {  	s1 =	simm.s32 $0xC100  }
0x16e: {  	[hbm4b:s4+s3] =	stream.indirect_vreg.scatter [tilespmem:s1], [sflag:$0x1], $0x80, v16, vm0, $0xb8;
	[tilespmem:$0x10100] =	vst v63  }
0x16f: {  	s12 =	simm.s32 $0xC900;
	v15 =	vperm.xlane v15, v8  }
0x170: {  	[hbm4b:s8+s3] =	stream.indirect_vreg.scatter [tilespmem:s12], [sflag:$0x1], $0x80, v16, vm0, $0xb8;
	[tilespmem:$0x10100] =	vst v63  }
0x171: {  	v15 =	vadd.s32 v9, v15  }
0x172: {  	[hbm4b:s9+s3] =	stream.indirect_vreg.scatter [tilespmem:s13], [sflag:$0x1], $0x80, v16, vm0, $0xb8;
	[tilespmem:$0x10100] =	vst v63  }
0x173: {  	s13 =	simm.s32 $0xD900  }
0x174: {  	[hbm4b:s10+s3] =	stream.indirect_vreg.scatter [tilespmem:s13], [sflag:$0x1], $0x80, v16, vm0, $0xb8;
	[tilespmem:$0x10100] =	vst v63  }
0x175: {  	_ = 	snop  }
0x176: {  	[hbm4b:s4+s3] =	stream.indirect_vreg.scatter [tilespmem:s14], [sflag:$0x1], $0x80, v15, vm0, $0xb8;
	[tilespmem:$0x10100] =	vst v63  }
0x177: {  	s28 =	simm.s32 $0xE900  }
0x178: {  	[hbm4b:s8+s3] =	stream.indirect_vreg.scatter [tilespmem:s28], [sflag:$0x1], $0x80, v15, vm0, $0xb8;
	[tilespmem:$0x10100] =	vst v63  }
0x179: {  	p0 =	sne.s32 s11, $0x1  }
0x17a: {  	[hbm4b:s9+s3] =	stream.indirect_vreg.scatter [tilespmem:s15], [sflag:$0x1], $0x80, v15, vm0, $0xb8;
	[tilespmem:$0x10100] =	vst v63  }
.Ltmp0:
0x17b: {  	s16 =	simm.s32 $0xF900;
	(pc) =	sbr.rel @p0 .LBB2_1-.Ltmp0, $4  }
0x17c: {  	[hbm4b:s10+s3] =	stream.indirect_vreg.scatter [tilespmem:s16], [sflag:$0x1], $0x80, v15, vm0, $0xb8;
	[tilespmem:$0x10100] =	vst v63  }
0x17d: {  	_ =	swait.ge [sflag:s26], $0x10000  }
0x17e: {  	[sflag:s26] =	ssyncset.done $0x0  }
0x17f: {  	s11 =	sadd.s32 $0xFFFFFFFF, s11;
	[sflag:s26] =	ssyncadd.s32 $0xFFFF0000  }
0x180: {  	_ =	sfence.sel $0x180000  }
0x181: {  	[bflag:$0x0] =	sbarrier.arrive $0xFFFF  }
0x182: {  	_ =	strace $0x90000047  }
0x183: {  	s0 =	stileid.u32;
	[bflag:$0x2] =	sbarrier.arrive $0xFFFF  }
0x184: {  	p0 =	sne.s32 s0, $0x0;
	s0 =	rddreg [dreg:$0x2]  }
0x185: {  	s0 =	sadd.s32 @!p0 $0x100000, s0  }
0x186: {  	[sflag:s0] =	ssyncadd.tile.s32 @!p0 $0x1;
	_ =	shalt  }
.Lfunc_end2:
_tile_overlayer_lowered:
.L_overlay_start_2:
0x187: {  	(tag) =	ssettag $0x2  }
0x188: {  	s0 =	rddreg [dreg:$0x0];
	s2 =	stileid.u32  }
0x189: {  	s1 =	rddreg [dreg:$0x1];
	p0 =	sne.s32 s2, $0x0  }
0x18a: {  	s3 =	rddreg [dreg:$0x2];
	[bflag:$0x3] =	sbarrier.arrive $0xFFFF;
	s2 =	simm.s32 @!p0 $0x1C02  }
0x18b: {  	[timem:s3], [sflag:s2] =	dma.local @!p0 [hbm:s0], s1  }
0x18c: {  	s0 =	simm.s32 @!p0 $0x2  }
0x18d: {  	_ =	swait.ge @!p0 [sflag:s0], s1  }
0x18e: {  	s1 =	ssub.s32 @!p0 $0x0, s1;
	[sflag:s0] =	ssyncset.done @!p0 $0x0  }
0x18f: {  	[sflag:s0] =	ssyncadd.s32 @!p0 s1  }
0x190: {  	[bflag:$0x3] =	sbarrier.arrive $0xFFFF  }
0x191: {  	_ =	shalt  }

// kernel: kernel.9.cloned.1.call-start
scs
__scs_entry_jumppad:
0x0: {  	(pc) =	sbr.rel $0x88, $3  }
0x1: {  	(tag) =	ssettag $0x0;
	lr =	simm.s32 $0x1  }
0x2: {  	[smem:$0x3F9D] =	sst lr;
	_ =	strace $0xD0000000  }
0x3: {  	_ = 	snop  }
0x4: {  	_ = 	snop  }
0x5: {  	_ = 	snop  }
0x6: {  	_ = 	snop  }
0x7: {  	_ = 	snop  }
__scs_overlays_trampoline_lowered:
0x8: {  	[smem:$0x3FAC] =	sst s0  }
0x9: {  	[smem:$0x3FAD] =	sst s1  }
0xa: {  	[smem:$0x3FAE] =	sst s2  }
0xb: {  	[smem:$0x3FAF] =	sst s3  }
0xc: {  	[smem:$0x3FB0] =	sst s4  }
0xd: {  	[smem:$0x3FB1] =	sst s5  }
0xe: {  	[smem:$0x3FB2] =	sst s6  }
0xf: {  	[smem:$0x3FB3] =	sst s7  }
0x10: {  	[smem:$0x3FB4] =	sst s8  }
0x11: {  	[smem:$0x3FB5] =	sst s9;
	s0 =	simm.s32 @!p0 $0x0  }
0x12: {  	s1 =	sld [smem:$0x3F9B];
	s0 =	simm.s32 @p0 $0x1  }
0x13: {  	[smem:$0x3FB6] =	sst s0;
	s0 =	simm.s32 @!p1 $0x0  }
0x14: {  	s2 =	sld [smem:$0x3F9A];
	s0 =	simm.s32 @p1 $0x1  }
0x15: {  	[smem:$0x3FB7] =	sst s0;
	s0 =	simm.s32 @!p2 $0x0  }
0x16: {  	s3 =	sld [smem:$0x3FDB];
	s0 =	simm.s32 @p2 $0x1  }
0x17: {  	s4 =	simm.s32 $0x1BF5;
	[smem:$0x3FB9] =	sst s0  }
0x18: {  	s0 =	sld [smem:$0x3F9C];
	_ =	swait.ge [sflag:s4], $0x0  }
0x19: {  	s7 =	sld [smem:$0x3F9D]  }
0x1a: {  	s8 =	sadd.s32 $0xFFFFE003, lr  }
0x1b: {  	s9 =	sadd.s32 $0xFFFFFEF7, lr;
	s5 =	simm.s32 $0xFFFFFFFF;
	p2 =	slt.u32 s8, $0xFFFFF086  }
0x1c: {  	p1 =	slt.u32 s9, $0xF7A;
	s5 =	simm.s32 @!p2 $0x0  }
0x1d: {  	s5 =	simm.s32 @p1 $0x1;
	p0 =	seq.s32 s7, s2  }
0x1e: {  	s7 =	smul.u32 @!p0 $0xF7A, s2;
	p2 =	seq.s32 @!p0 s5, $0x0  }
0x1f: {  	s9 =	smul.u32 $0xF7A, s1;
	s8 =	simm.s32 @!p0 $0x1BF5;
	p2 =	por !p2, p0  }
0x20: {  	[sflag:s8] =	ssyncset.s32 @!p0 $0xFFFFF086;
	s6 =	sadd.s32 @!p0 s3, s7;
	s7 =	simm.s32 @!p0 $0x108  }
0x21: {  	s3 =	sadd.s32 s3, s9;
	s6 =	sadd.s32 @!p0 $0x88, s6;
	s7 =	simm.s32 @p2 $0x1082  }
0x22: {  	[simem:s7], [sflag:s8] =	dma.local @!p0 [hbm:s6], $0xF7A  }
0x23: {  	s9 =	sor.u32 $0xD0000000, s2;
	s6 =	simm.s32 $0x108;
	_ =	swait.ge @!p0 [sflag:s8], $0x0  }
0x24: {  	s3 =	sadd.s32 $0x88, s3;
	s6 =	simm.s32 @!p1 $0x1082;
	[sflag:s4] =	ssyncset.s32 $0xFFFFF086  }
0x25: {  	[simem:s6], [sflag:s4] =	dma.local [hbm:s3], $0xF7A  }
0x26: {  	[smem:$0x3F9D] =	sst s1;
	(tag) =	ssettag s2;
	_ =	strace s9  }
0x27: {  	s1 =	sld [smem:$0x3FAD]  }
0x28: {  	s2 =	sld [smem:$0x3FAE]  }
0x29: {  	s4 =	sld [smem:$0x3FB0]  }
0x2a: {  	p0 =	seq.s32 s5, $0x0;
	s5 =	sld [smem:$0x3FB1]  }
0x2b: {  	s6 =	sld [smem:$0x3FB2]  }
0x2c: {  	s7 =	sld [smem:$0x3FB3]  }
0x2d: {  	s3 =	simm.s32 $0x108;
	s8 =	sld [smem:$0x3FB4]  }
0x2e: {  	s3 =	simm.s32 @!p0 $0x1082;
	s9 =	sld [smem:$0x3FB5]  }
0x2f: {  	lr =	sadd.s32 s0, s3;
	s0 =	sld [smem:$0x3FAC]  }
0x30: {  	s3 =	sld [smem:$0x3FAF]  }
0x31: {  	[smem:$0x3FB8] =	sst s10  }
0x32: {  	s10 =	sld [smem:$0x3FB6];
	_ =	sdelay $0x3  }
0x33: {  	p0 =	seq.s32 s10, $0x1;
	s10 =	sld [smem:$0x3FB8];
	_ =	sdelay $0x3  }
0x34: {  	[smem:$0x3FB8] =	sst s10  }
0x35: {  	s10 =	sld [smem:$0x3FB7];
	_ =	sdelay $0x3  }
0x36: {  	p1 =	seq.s32 s10, $0x1;
	s10 =	sld [smem:$0x3FB8];
	_ =	sdelay $0x3  }
0x37: {  	[smem:$0x3FB8] =	sst s10  }
0x38: {  	s10 =	sld [smem:$0x3FB9]  }
0x39: {  	_ = 	snop;
	(pc) =	sbr.ind lr, $3  }
0x3a: {  	_ = 	snop  }
0x3b: {  	_ = 	snop  }
0x3c: {  	p2 =	seq.s32 s10, $0x1;
	s10 =	sld [smem:$0x3FB8]  }
0x3d: {  	_ =	shalt  }
0x3e: {  	_ =	shalt  }
0x3f: {  	_ =	shalt  }
0x40: {  	_ =	shalt  }
0x41: {  	_ =	shalt  }
0x42: {  	_ =	shalt  }
0x43: {  	_ =	shalt  }
0x44: {  	_ =	shalt  }
0x45: {  	_ =	shalt  }
0x46: {  	_ =	shalt  }
0x47: {  	_ =	shalt  }
0x48: {  	_ =	shalt  }
0x49: {  	_ =	shalt  }
0x4a: {  	_ =	shalt  }
0x4b: {  	_ =	shalt  }
0x4c: {  	_ =	shalt  }
0x4d: {  	_ =	shalt  }
0x4e: {  	_ =	shalt  }
0x4f: {  	_ =	shalt  }
0x50: {  	_ =	shalt  }
0x51: {  	_ =	shalt  }
0x52: {  	_ =	shalt  }
0x53: {  	_ =	shalt  }
0x54: {  	_ =	shalt  }
0x55: {  	_ =	shalt  }
0x56: {  	_ =	shalt  }
0x57: {  	_ =	shalt  }
0x58: {  	_ =	shalt  }
0x59: {  	_ =	shalt  }
0x5a: {  	_ =	shalt  }
0x5b: {  	_ =	shalt  }
0x5c: {  	_ =	shalt  }
0x5d: {  	_ =	shalt  }
0x5e: {  	_ =	shalt  }
0x5f: {  	_ =	shalt  }
0x60: {  	_ =	shalt  }
0x61: {  	_ =	shalt  }
0x62: {  	_ =	shalt  }
0x63: {  	_ =	shalt  }
0x64: {  	_ =	shalt  }
0x65: {  	_ =	shalt  }
0x66: {  	_ =	shalt  }
0x67: {  	_ =	shalt  }
0x68: {  	_ =	shalt  }
0x69: {  	_ =	shalt  }
0x6a: {  	_ =	shalt  }
0x6b: {  	_ =	shalt  }
0x6c: {  	_ =	shalt  }
0x6d: {  	_ =	shalt  }
0x6e: {  	_ =	shalt  }
0x6f: {  	_ =	shalt  }
0x70: {  	_ =	shalt  }
0x71: {  	_ =	shalt  }
0x72: {  	_ =	shalt  }
0x73: {  	_ =	shalt  }
0x74: {  	_ =	shalt  }
0x75: {  	_ =	shalt  }
0x76: {  	_ =	shalt  }
0x77: {  	_ =	shalt  }
0x78: {  	_ =	shalt  }
0x79: {  	_ =	shalt  }
0x7a: {  	_ =	shalt  }
0x7b: {  	_ =	shalt  }
0x7c: {  	_ =	shalt  }
0x7d: {  	_ =	shalt  }
0x7e: {  	_ =	shalt  }
0x7f: {  	_ =	shalt  }
0x80: {  	_ =	shalt  }
0x81: {  	_ =	shalt  }
0x82: {  	_ =	shalt  }
0x83: {  	_ =	shalt  }
0x84: {  	_ =	shalt  }
0x85: {  	_ =	shalt  }
0x86: {  	_ =	shalt  }
0x87: {  	_ =	shalt  }
.Lfunc_end0:
.L_simem_size_0:
called_computation.1_lowered:
.L_overlay_start_0:
0x88: {  	s2 =	sld [smem:$0x3FD9]  }
0x89: {  	s3 =	sld [smem:$0x3FFE];
	_ =	sdelay $0x1  }
0x8a: {  	s1 =	srdreg.scid  }
0x8b: {  	s0 =	sand.u32 $0x1, s1  }
0x8c: {  	s17 =	sshll.u32 s0, $0xA;
	s2 =	sadd.s32 s3, s2  }
0x8d: {  	s2 =	sadd.s32 s2, s17  }
0x8e: {  	[smem:$0x3FC4] =	sst s2  }
0x8f: {  	_ = 	snop  }
0x90: {  	s2 =	sld [smem:$0x3FD0];
	(tm) =	ssettm $0x1  }
0x91: {  	s18 =	sld [smem:$0x3FFB];
	_ =	sdelay $0x3  }
0x92: {  	_ =	strace s18  }
0x93: {  	s3 =	sld [smem:$0x3FFC];
	_ =	sdelay $0x3  }
0x94: {  	_ =	strace s3  }
0x95: {  	s3 =	sld [smem:$0x3FFD];
	_ =	sdelay $0x3  }
0x96: {  	_ =	strace s3  }
0x97: {  	_ =	strace $0x8FFFFFFF  }
0x98: {  	s19 =	sld [smem:$0x3FDB];
	_ =	sdelay $0x1  }
0x99: {  	s4 =	simm.s32 $_scs_section_size  }
0x9a: {  	s5 =	simm.s32 $_size__tile_overlayer_lowered;
	s6 =	simm.s32 $_tile_overlayer_lowered  }
0x9b: {  	s22 =	simm.s32 $0x1BFF;
	s21 =	sshll.u32 s6, $0x1;
	s3 =	sadd.s32 s4, s19  }
0x9c: {  	s7 =	simm.s32 $0x0;
	s20 =	sshll.u32 s5, $0x1;
	s5 =	sadd.s32 s21, s3  }
0x9d: {  	[timem:s7], [sflag:s22] =	dma.local [hbm:s5], s20  }
0x9e: {  	_ =	swait.ge [sflag:s22], s20  }
0x9f: {  	s4 =	ssub.s32 $0x0, s20;
	[sflag:s22] =	ssyncset.done $0x0  }
0xa0: {  	[sflag:s22] =	ssyncadd.s32 s4;
	_ =	sdelay $0x1  }
0xa1: {  	s23 =	simm.s32 $0x1B8B  }
0xa2: {  	_ =	swait.ge [sflag:s23], $0x1  }
0xa3: {  	[sflag:s23] =	ssyncset.done $0x0  }
0xa4: {  	s25 =	simm.s32 $0x1B8E;
	s24 =	sld [smem:$0x3FFE];
	[sflag:s23] =	ssyncadd.s32 $0xFFFFFFFF  }
0xa5: {  	s26 =	simm.s32 $execute0_lowered;
	[smem:$0x3FD2] =	sst s25  }
0xa6: {  	s5 =	sshll.u32 s26, $0x1;
	_ =	strace $0x80000049;
	[dreg:$0x1] =	wrdreg $0xFFFFFFFF  }
0xa7: {  	s28 =	simm.s32 $_size_execute0_lowered;
	s3 =	sadd.s32 s3, s5;
	[dreg:$0x0] =	wrdreg $0x0  }
0xa8: {  	s5 =	sshll.u32 s28, $0x1;
	[dreg:$0x2] =	wrdreg s3  }
0xa9: {  	[dreg:$0x3] =	wrdreg s5  }
0xaa: {  	[dreg:$0x4] =	wrdreg $0xC0  }
0xab: {  	_ =	task [dreg:s7], $0x5FFFF  }
0xac: {  	[dreg:$0x1] =	wrdreg $0xFFFFFFFF  }
0xad: {  	[dreg:$0x0] =	wrdreg $0x60  }
0xae: {  	[dreg:$0x2] =	wrdreg s24  }
0xaf: {  	[dreg:$0x3] =	wrdreg s2  }
0xb0: {  	[dreg:$0x4] =	wrdreg $0x9  }
0xb1: {  	_ =	task.clear_ibuf [dreg:s7], $0x5FFFF;
	_ =	strace $0x90000049  }
0xb2: {  	s29 =	simm.s32 $0x9;
	_ =	strace $0x8000004B  }
0xb3: {  	_ =	swait.ge [sflag:s29], $0x1  }
0xb4: {  	[sflag:s29] =	ssyncadd.s32 $0xFFFFFFFF  }
0xb5: {  	_ =	strace $0x9000004B  }
0xb6: {  	_ =	sfence  }
0xb7: {  	s30 =	sld [smem:$0x0];
	_ =	sdelay $0x2  }
0xb8: {  	s31 =	sshll.u32 s1, $0xD;
	s1 =	sshrl.u32 s1, $0x2  }
0xb9: {  	s3 =	sand.u32 $0x4000, s31;
	s1 =	sadd.s32 s1, s30  }
0xba: {  	s0 =	sor.u32 s3, s0;
	s1 =	sshll.u32 s1, $0x11  }
0xbb: {  	s0 =	sor.u32 s1, s0  }
0xbc: {  	s0 =	sadd.s32 $0x8F2B, s0  }
0xbd: {  	[sflag:s0] =	ssyncadd.remote.s32 $0x1  }
0xbe: {  	_ =	sfence.sel $0xFFFF  }
0xbf: {  	[dreg:$0x0] =	wrdreg $0xFFFFFFFF;
	(pc) =	sbr.abs _section_cstart, $3  }
0xc0: {  	[dreg:$0x1] =	wrdreg $0xFFFFFFFF  }
0xc1: {  	_ =	task.clear_ibuf [dreg:s7], $0x2FFFF;
	_ =	strace $0x9FFFFFFF  }
0xc2: {  	(tm) =	ssettm $0x7FFFFFFF  }
0xc3: {  	_ =	shalt  }
tec
execute0_lowered:
.L_overlay_start_1:
0x0: {  	(tag) =	ssettag $0x1  }
0x1: {  	s0 =	rddreg [dreg:$0x0]  }
0x2: {  	s1 =	rddreg [dreg:$0x1];
	s2 =	simm.s32 $0x0;
	s3 =	srdreg.scid  }
0x3: {  	s5 =	stileid.u32;
	s13 =	simm.s32 $0xB100;
	s14 =	simm.s32 $0xC900  }
0x4: {  	s28 =	simm.s32 $0x10100;
	s29 =	simm.s32 $0x11100;
	s30 =	simm.s32 $0x11900  }
0x5: {  	s31 =	simm.s32 $0x12100;
	[smem:$0x7FF] =	sst s2;
	s4 =	sand.u32 $0x1, s3  }
0x6: {  	s3 =	sadd.s32 $0x190E00, s0;
	s5 =	sshll.u32 s5, $0x7;
	s8 =	sadd.s32 $0x10C00, s0  }
0x7: {  	s15 =	sadd.s32 $0xC00, s0;
	s6 =	sshll.u32 s4, $0x6;
	s4 =	ssub.s32 $0x2, s4  }
0x8: {  	_ =	strace $0x8000004A;
	s5 =	sor.u32 s6, s5;
	s7 =	sshrl.u32 s4, $0x1  }
0x9: {  	s9 =	sor.u32 $0x800, s5;
	s4 =	ssub.s32 s4, s7;
	s16 =	sshrl.u32 s5, $0x3  }
0xa: {  	s18 =	sshll.u32 s5, $0x4;
	s19 =	sshll.u32 s5, $0x7;
	s11 =	sor.u32 $0x20, s5  }
0xb: {  	s5 =	sor.u32 $0x820, s5;
	s10 =	sshrl.u32 s9, $0x3;
	s7 =	sadd.s32 s8, s16  }
0xc: {  	s9 =	sshll.u32 s9, $0x4;
	s20 =	sshrl.u32 s11, $0x3;
	s12 =	sshrl.u32 s5, $0x3  }
0xd: {  	s22 =	sshll.u32 s11, $0x4;
	s23 =	sshll.u32 s5, $0x4;
	s24 =	sshll.u32 s11, $0x7  }
0xe: {  	s26 =	smax.u32 s4, $0x1;
	s16 =	simm.s32 $0xF900;
	[dreg:$0x3] =	wrdreg s7  }
0xf: {  	s17 =	sadd.s32 s8, s10;
	s7 =	sadd.s32 s15, s18;
	[dreg:$0xd] =	wrdreg s26  }
0x10: {  	s9 =	sadd.s32 s15, s9;
	s10 =	sadd.s32 $0x191100, s0;
	[dreg:$0x4] =	wrdreg s17  }
0x11: {  	s21 =	sadd.s32 s8, s12;
	s25 =	sadd.s32 s1, s24;
	[dreg:$0x5] =	wrdreg s7  }
0x12: {  	s18 =	simm.s32 $0x2;
	s24 =	simm.s32 $0xD900;
	[dreg:$0x6] =	wrdreg s9  }
0x13: {  	s26 =	simm.s32 $0xF100;
	s7 =	sadd.s32 $0x190F00, s0;
	[dreg:$0x9] =	wrdreg s21  }
0x14: {  	s9 =	sadd.s32 $0x191000, s0;
	s0 =	sadd.s32 s1, s19;
	[dreg:$0xc] =	wrdreg s25  }
0x15: {  	s19 =	simm.s32 $0x1;
	s21 =	simm.s32 $0xB900;
	s25 =	simm.s32 $0xE100  }
0x16: {  	s17 =	simm.s32 $0x10900;
	[dreg:$0x7] =	wrdreg s0;
	s0 =	sadd.s32 s8, s20  }
0x17: {  	v2 =	vlaneseq.u32;
	[dreg:$0x8] =	wrdreg s0;
	s0 =	sadd.s32 s15, s22;
	s22 =	simm.s32 $0xC100  }
0x18: {  	vm0 =	vmmov $0xffff;
	v1 =	vshrl.u32 v2, $0x3;
	[dreg:$0xa] =	wrdreg s0;
	s0 =	sadd.s32 s15, s23;
	s23 =	simm.s32 $0xD100  }
0x19: {  	v0 =	vand.u32 $0x7, v2;
	v2 =	vor.u32 $0x8, v2;
	v1 =	vmul.u32 $0x8, v1;
	s15 =	simm.s32 $0xE900;
	[dreg:$0xb] =	wrdreg s0;
	s0 =	simm.s32 $0x0  }
.LBB2_1:
0x1a: {  	s1 =	rddreg [dreg:$0x3]  }
0x1b: {  	[tilespmem:s2], [sflag:$0x2] =	stream.linear.gather [hbm4b:s1+s2], $0x20, $0x38;
	[tilespmem:$0x1A100] =	vst v63  }
0x1c: {  	_ =	swait.ge [sflag:s18], $0x20  }
0x1d: {  	[sflag:s18] =	ssyncset.done $0x0  }
0x1e: {  	s4 =	simm.s32 $0x80;
	s11 =	rddreg [dreg:$0x4];
	[sflag:s18] =	ssyncadd.s32 $0xFFFFFFE0  }
0x1f: {  	[tilespmem:s4], [sflag:$0x2] =	stream.linear.gather [hbm4b:s11+s2], $0x20, $0x38;
	[tilespmem:$0x1A100] =	vst v63  }
0x20: {  	_ =	swait.ge [sflag:s18], $0x20  }
0x21: {  	[sflag:s18] =	ssyncset.done $0x0  }
0x22: {  	s20 =	simm.s32 $0x100;
	s12 =	rddreg [dreg:$0x5];
	[sflag:s18] =	ssyncadd.s32 $0xFFFFFFE0  }
0x23: {  	[tilespmem:s20], [sflag:$0x2] =	stream.linear.gather [hbm4b:s12+s2], $0x1000, $0x38;
	[tilespmem:$0x1A100] =	vst v63  }
0x24: {  	_ =	swait.ge [sflag:s18], $0x1000  }
0x25: {  	[sflag:s18] =	ssyncset.done $0x0  }
0x26: {  	s6 =	simm.s32 $0x1100;
	s5 =	rddreg [dreg:$0x6];
	[sflag:s18] =	ssyncadd.s32 $0xFFFFF000  }
0x27: {  	[tilespmem:s6], [sflag:$0x2] =	stream.linear.gather [hbm4b:s5+s2], $0x1000, $0x38;
	[tilespmem:$0x1A100] =	vst v63  }
0x28: {  	_ =	swait.ge [sflag:s18], $0x1000  }
0x29: {  	[sflag:s18] =	ssyncset.done $0x0  }
0x2a: {  	[sflag:s18] =	ssyncadd.s32 $0xFFFFF000  }
0x2b: {  	v3 =	vld [tilespmem:$0x0];
	_ =	sdelay $0x4  }
0x2c: {  	v4 =	vshll.u32 v3, $0x3  }
0x2d: {  	v3 =	vand.u32 $0x7, v3;
	v4 =	vand.u32 $0xFFFFFFC0, v4  }
0x2e: {  	v3 =	vor.u32 v3, v4  }
0x2f: {  	v4 =	vperm.xlane v3, v0;
	_ =	sdelay $0x1  }
0x30: {  	v4 =	vadd.s32 v1, v4;
	_ =	sdelay $0x3  }
0x31: {  	s8 =	simm.s32 $0x2100  }
0x32: {  	[tilespmem:s8], [sflag:$0x1] =	stream.indirect_vreg.gather [hbm4b:s3+s2], $0x80, v4, vm0, $0xb8;
	[tilespmem:$0x1A100] =	vst v63  }
0x33: {  	s11 =	simm.s32 $0x2900;
	v3 =	vperm.xlane v3, v2  }
0x34: {  	[tilespmem:s11], [sflag:$0x1] =	stream.indirect_vreg.gather [hbm4b:s7+s2], $0x80, v4, vm0, $0xb8;
	[tilespmem:$0x1A100] =	vst v63  }
0x35: {  	s12 =	simm.s32 $0x3100;
	v3 =	vadd.s32 v1, v3  }
0x36: {  	[tilespmem:s12], [sflag:$0x1] =	stream.indirect_vreg.gather [hbm4b:s9+s2], $0x80, v4, vm0, $0xb8;
	[tilespmem:$0x1A100] =	vst v63  }
0x37: {  	s20 =	simm.s32 $0x3900  }
0x38: {  	[tilespmem:s20], [sflag:$0x1] =	stream.indirect_vreg.gather [hbm4b:s10+s2], $0x80, v4, vm0, $0xb8;
	[tilespmem:$0x1A100] =	vst v63  }
0x39: {  	s4 =	simm.s32 $0x4100  }
0x3a: {  	[tilespmem:s4], [sflag:$0x1] =	stream.indirect_vreg.gather [hbm4b:s3+s2], $0x80, v3, vm0, $0xb8;
	[tilespmem:$0x1A100] =	vst v63  }
0x3b: {  	s5 =	simm.s32 $0x4900  }
0x3c: {  	[tilespmem:s5], [sflag:$0x1] =	stream.indirect_vreg.gather [hbm4b:s7+s2], $0x80, v3, vm0, $0xb8;
	[tilespmem:$0x1A100] =	vst v63  }
0x3d: {  	s6 =	simm.s32 $0x5100  }
0x3e: {  	[tilespmem:s6], [sflag:$0x1] =	stream.indirect_vreg.gather [hbm4b:s9+s2], $0x80, v3, vm0, $0xb8;
	[tilespmem:$0x1A100] =	vst v63  }
0x3f: {  	s8 =	simm.s32 $0x5900  }
0x40: {  	[tilespmem:s8], [sflag:$0x1] =	stream.indirect_vreg.gather [hbm4b:s10+s2], $0x80, v3, vm0, $0xb8;
	[tilespmem:$0x1A100] =	vst v63  }
0x41: {  	v3 =	vld [tilespmem:$0x10];
	_ =	sdelay $0x4  }
0x42: {  	v61 =	vshll.u32 v3, $0x3  }
0x43: {  	v3 =	vand.u32 $0x7, v3;
	v4 =	vand.u32 $0xFFFFFFC0, v61  }
0x44: {  	v3 =	vor.u32 v3, v4  }
0x45: {  	v4 =	vperm.xlane v3, v0;
	_ =	sdelay $0x1  }
0x46: {  	v4 =	vadd.s32 v1, v4;
	_ =	sdelay $0x3  }
0x47: {  	s11 =	simm.s32 $0x6100  }
0x48: {  	[tilespmem:s11], [sflag:$0x1] =	stream.indirect_vreg.gather [hbm4b:s3+s2], $0x80, v4, vm0, $0xb8;
	[tilespmem:$0x1A100] =	vst v63  }
0x49: {  	s12 =	simm.s32 $0x6900;
	v3 =	vperm.xlane v3, v2  }
0x4a: {  	[tilespmem:s12], [sflag:$0x1] =	stream.indirect_vreg.gather [hbm4b:s7+s2], $0x80, v4, vm0, $0xb8;
	[tilespmem:$0x1A100] =	vst v63  }
0x4b: {  	s20 =	simm.s32 $0x7100;
	v3 =	vadd.s32 v1, v3  }
0x4c: {  	[tilespmem:s20], [sflag:$0x1] =	stream.indirect_vreg.gather [hbm4b:s9+s2], $0x80, v4, vm0, $0xb8;
	[tilespmem:$0x1A100] =	vst v63  }
0x4d: {  	s4 =	simm.s32 $0x7900  }
0x4e: {  	[tilespmem:s4], [sflag:$0x1] =	stream.indirect_vreg.gather [hbm4b:s10+s2], $0x80, v4, vm0, $0xb8;
	[tilespmem:$0x1A100] =	vst v63  }
0x4f: {  	s5 =	simm.s32 $0x8100  }
0x50: {  	[tilespmem:s5], [sflag:$0x1] =	stream.indirect_vreg.gather [hbm4b:s3+s2], $0x80, v3, vm0, $0xb8;
	[tilespmem:$0x1A100] =	vst v63  }
0x51: {  	s6 =	simm.s32 $0x8900  }
0x52: {  	[tilespmem:s6], [sflag:$0x1] =	stream.indirect_vreg.gather [hbm4b:s7+s2], $0x80, v3, vm0, $0xb8;
	[tilespmem:$0x1A100] =	vst v63  }
0x53: {  	s8 =	simm.s32 $0x9100  }
0x54: {  	[tilespmem:s8], [sflag:$0x1] =	stream.indirect_vreg.gather [hbm4b:s9+s2], $0x80, v3, vm0, $0xb8;
	[tilespmem:$0x1A100] =	vst v63  }
0x55: {  	s11 =	simm.s32 $0x9900  }
0x56: {  	[tilespmem:s11], [sflag:$0x1] =	stream.indirect_vreg.gather [hbm4b:s10+s2], $0x80, v3, vm0, $0xb8;
	[tilespmem:$0x1A100] =	vst v63  }
0x57: {  	_ =	swait.ge [sflag:s19], $0x8000  }
0x58: {  	[sflag:s19] =	ssyncset.done $0x0  }
0x59: {  	[sflag:s19] =	ssyncadd.s32 $0xFFFF8000  }
0x5a: {  	v3 =	vld [tilespmem:$0x80];
	_ =	sdelay $0x4  }
0x5b: {  	v62 =	vshll.u32 v3, $0x3  }
0x5c: {  	v3 =	vand.u32 $0x7, v3;
	v4 =	vand.u32 $0xFFFFFFC0, v62  }
0x5d: {  	v3 =	vor.u32 v3, v4  }
0x5e: {  	v4 =	vperm.xlane v3, v0;
	_ =	sdelay $0x1  }
0x5f: {  	v4 =	vadd.s32 v1, v4;
	_ =	sdelay $0x3  }
0x60: {  	s12 =	simm.s32 $0xA100  }
0x61: {  	[tilespmem:s12], [sflag:$0x1] =	stream.indirect_vreg.gather [hbm4b:s3+s2], $0x80, v4, vm0, $0xb8;
	[tilespmem:$0x1A100] =	vst v63  }
0x62: {  	s20 =	simm.s32 $0xA900;
	v3 =	vperm.xlane v3, v2  }
0x63: {  	[tilespmem:s20], [sflag:$0x1] =	stream.indirect_vreg.gather [hbm4b:s7+s2], $0x80, v4, vm0, $0xb8;
	[tilespmem:$0x1A100] =	vst v63  }
0x64: {  	v3 =	vadd.s32 v1, v3  }
0x65: {  	[tilespmem:s13], [sflag:$0x1] =	stream.indirect_vreg.gather [hbm4b:s9+s2], $0x80, v4, vm0, $0xb8;
	[tilespmem:$0x1A100] =	vst v63  }
0x66: {  	_ = 	snop  }
0x67: {  	[tilespmem:s21], [sflag:$0x1] =	stream.indirect_vreg.gather [hbm4b:s10+s2], $0x80, v4, vm0, $0xb8;
	[tilespmem:$0x1A100] =	vst v63  }
0x68: {  	_ = 	snop  }
0x69: {  	[tilespmem:s22], [sflag:$0x1] =	stream.indirect_vreg.gather [hbm4b:s3+s2], $0x80, v3, vm0, $0xb8;
	[tilespmem:$0x1A100] =	vst v63  }
0x6a: {  	_ = 	snop  }
0x6b: {  	[tilespmem:s14], [sflag:$0x1] =	stream.indirect_vreg.gather [hbm4b:s7+s2], $0x80, v3, vm0, $0xb8;
	[tilespmem:$0x1A100] =	vst v63  }
0x6c: {  	_ = 	snop  }
0x6d: {  	[tilespmem:s23], [sflag:$0x1] =	stream.indirect_vreg.gather [hbm4b:s9+s2], $0x80, v3, vm0, $0xb8;
	[tilespmem:$0x1A100] =	vst v63  }
0x6e: {  	_ = 	snop  }
0x6f: {  	[tilespmem:s24], [sflag:$0x1] =	stream.indirect_vreg.gather [hbm4b:s10+s2], $0x80, v3, vm0, $0xb8;
	[tilespmem:$0x1A100] =	vst v63  }
0x70: {  	v3 =	vld [tilespmem:$0x90];
	_ =	sdelay $0x4  }
0x71: {  	v63 =	vshll.u32 v3, $0x3  }
0x72: {  	v3 =	vand.u32 $0x7, v3;
	v4 =	vand.u32 $0xFFFFFFC0, v63  }
0x73: {  	v3 =	vor.u32 v3, v4  }
0x74: {  	v4 =	vperm.xlane v3, v0;
	_ =	sdelay $0x1  }
0x75: {  	v4 =	vadd.s32 v1, v4;
	_ =	sdelay $0x4  }
0x76: {  	[tilespmem:s25], [sflag:$0x1] =	stream.indirect_vreg.gather [hbm4b:s3+s2], $0x80, v4, vm0, $0xb8;
	[tilespmem:$0x1A100] =	vst v63  }
0x77: {  	v3 =	vperm.xlane v3, v2  }
0x78: {  	[tilespmem:s15], [sflag:$0x1] =	stream.indirect_vreg.gather [hbm4b:s7+s2], $0x80, v4, vm0, $0xb8;
	[tilespmem:$0x1A100] =	vst v63  }
0x79: {  	v3 =	vadd.s32 v1, v3  }
0x7a: {  	[tilespmem:s26], [sflag:$0x1] =	stream.indirect_vreg.gather [hbm4b:s9+s2], $0x80, v4, vm0, $0xb8;
	[tilespmem:$0x1A100] =	vst v63  }
0x7b: {  	_ = 	snop  }
0x7c: {  	[tilespmem:s16], [sflag:$0x1] =	stream.indirect_vreg.gather [hbm4b:s10+s2], $0x80, v4, vm0, $0xb8;
	[tilespmem:$0x1A100] =	vst v63  }
0x7d: {  	_ = 	snop  }
0x7e: {  	[tilespmem:s28], [sflag:$0x1] =	stream.indirect_vreg.gather [hbm4b:s3+s2], $0x80, v3, vm0, $0xb8;
	[tilespmem:$0x1A100] =	vst v63  }
0x7f: {  	_ = 	snop  }
0x80: {  	[tilespmem:s17], [sflag:$0x1] =	stream.indirect_vreg.gather [hbm4b:s7+s2], $0x80, v3, vm0, $0xb8;
	[tilespmem:$0x1A100] =	vst v63  }
0x81: {  	_ = 	snop  }
0x82: {  	[tilespmem:s29], [sflag:$0x1] =	stream.indirect_vreg.gather [hbm4b:s9+s2], $0x80, v3, vm0, $0xb8;
	[tilespmem:$0x1A100] =	vst v63  }
0x83: {  	_ = 	snop  }
0x84: {  	[tilespmem:s30], [sflag:$0x1] =	stream.indirect_vreg.gather [hbm4b:s10+s2], $0x80, v3, vm0, $0xb8;
	[tilespmem:$0x1A100] =	vst v63  }
0x85: {  	_ =	swait.ge [sflag:s19], $0x8000  }
0x86: {  	s1 =	simm.s32 $0x0;
	[sflag:s19] =	ssyncset.done $0x0  }
0x87: {  	s4 =	simm.s32 $0x0;
	s5 =	simm.s32 $0x0;
	[sflag:s19] =	ssyncadd.s32 $0xFFFF8000  }
.LBB2_2:
0x88: {  	s6 =	sshll.u32 s4, $0x2;
	s8 =	sand.u32 $0x7, s1  }
0x89: {  	s6 =	sand.u32 $0xFFFF8000, s6;
	s8 =	sshll.u32 s8, $0x9  }
0x8a: {  	s20 =	sshll.u32 s5, $0x7;
	s6 =	sor.u32 s8, s6  }
0x8b: {  	v3 =	vld [tilespmem:s20+$0x100];
	s11 =	sshrl.u32 s6, $0x2  }
0x8c: {  	v4 =	vld [tilespmem:s20+$0x1100];
	s6 =	sadd.s32 $0x2140, s11  }
0x8d: {  	s8 =	sadd.s32 $0xA140, s11;
	v5 =	vld [tilespmem:s6+$0xFFFFFFC0]  }
0x8e: {  	v6 =	vld [tilespmem:s8+$0xFFFFFFC0];
	_ =	sdelay $0x4  }
0x8f: {  	v5 =	vmul.f32 v5, v3;
	v6 =	vmul.f32 v6, v4;
	_ =	sdelay $0x1  }
0x90: {  	v5 =	vadd.f32 v6, v5  }
0x91: {  	s11 =	sadd.s32 $0x12140, s11  }
0x92: {  	[tilespmem:s11+$0xFFFFFFC0] =	vst v5  }
0x93: {  	v5 =	vld [tilespmem:s6+$0xFFFFFFD0]  }
0x94: {  	v6 =	vld [tilespmem:s8+$0xFFFFFFD0];
	_ =	sdelay $0x4  }
0x95: {  	v5 =	vmul.f32 v5, v3;
	v6 =	vmul.f32 v6, v4;
	_ =	sdelay $0x1  }
0x96: {  	v5 =	vadd.f32 v6, v5;
	_ =	sdelay $0x1  }
0x97: {  	[tilespmem:s11+$0xFFFFFFD0] =	vst v5  }
0x98: {  	v5 =	vld [tilespmem:s6+$0xFFFFFFE0]  }
0x99: {  	v6 =	vld [tilespmem:s8+$0xFFFFFFE0];
	_ =	sdelay $0x4  }
0x9a: {  	v5 =	vmul.f32 v5, v3;
	v6 =	vmul.f32 v6, v4;
	_ =	sdelay $0x1  }
0x9b: {  	v5 =	vadd.f32 v6, v5;
	_ =	sdelay $0x1  }
0x9c: {  	[tilespmem:s11+$0xFFFFFFE0] =	vst v5  }
0x9d: {  	v5 =	vld [tilespmem:s6+$0xFFFFFFF0]  }
0x9e: {  	v6 =	vld [tilespmem:s8+$0xFFFFFFF0];
	_ =	sdelay $0x4  }
0x9f: {  	v5 =	vmul.f32 v5, v3;
	v6 =	vmul.f32 v6, v4;
	_ =	sdelay $0x1  }
0xa0: {  	v5 =	vadd.f32 v6, v5;
	_ =	sdelay $0x1  }
0xa1: {  	[tilespmem:s11+$0xFFFFFFF0] =	vst v5  }
0xa2: {  	v5 =	vld [tilespmem:s6+$0x0]  }
0xa3: {  	v6 =	vld [tilespmem:s8+$0x0];
	_ =	sdelay $0x4  }
0xa4: {  	v5 =	vmul.f32 v5, v3;
	v6 =	vmul.f32 v6, v4;
	_ =	sdelay $0x1  }
0xa5: {  	v5 =	vadd.f32 v6, v5;
	_ =	sdelay $0x1  }
0xa6: {  	[tilespmem:s11+$0x0] =	vst v5  }
0xa7: {  	v5 =	vld [tilespmem:s6+$0x10]  }
0xa8: {  	v6 =	vld [tilespmem:s8+$0x10];
	_ =	sdelay $0x4  }
0xa9: {  	v5 =	vmul.f32 v5, v3;
	v6 =	vmul.f32 v6, v4;
	_ =	sdelay $0x1  }
0xaa: {  	v5 =	vadd.f32 v6, v5;
	_ =	sdelay $0x1  }
0xab: {  	[tilespmem:s11+$0x10] =	vst v5  }
0xac: {  	v5 =	vld [tilespmem:s6+$0x20]  }
0xad: {  	v6 =	vld [tilespmem:s8+$0x20];
	_ =	sdelay $0x4  }
0xae: {  	v5 =	vmul.f32 v5, v3;
	v6 =	vmul.f32 v6, v4;
	_ =	sdelay $0x1  }
0xaf: {  	v5 =	vadd.f32 v6, v5;
	_ =	sdelay $0x1  }
0xb0: {  	[tilespmem:s11+$0x20] =	vst v5  }
0xb1: {  	v5 =	vld [tilespmem:s6+$0x30]  }
0xb2: {  	v6 =	vld [tilespmem:s8+$0x30]  }
0xb3: {  	s12 =	simm.s32 $0x0;
	s20 =	sadd.s32 $0x400, s11  }
.LBB2_3:
0xb4: {  	s12 =	sadd.s32 $0x8, s12;
	s6 =	sadd.s32 $0x400, s6;
	s8 =	sadd.s32 $0x400, s8  }
0xb5: {  	p0 =	slt.u32 s12, $0x38  }
0xb6: {  	v5 =	vmul.f32 v5, v3  }
0xb7: {  	v6 =	vmul.f32 v6, v4;
	_ =	sdelay $0x1  }
0xb8: {  	v5 =	vadd.f32 v6, v5;
	_ =	sdelay $0x1  }
0xb9: {  	[tilespmem:s11+$0x30] =	vst v5;
	s11 =	smov.u32 s20  }
0xba: {  	v5 =	vld [tilespmem:s6+$0xFFFFFFC0]  }
0xbb: {  	v6 =	vld [tilespmem:s8+$0xFFFFFFC0];
	_ =	sdelay $0x4  }
0xbc: {  	v5 =	vmul.f32 v5, v3;
	v6 =	vmul.f32 v6, v4;
	_ =	sdelay $0x1  }
0xbd: {  	v5 =	vadd.f32 v6, v5;
	_ =	sdelay $0x1  }
0xbe: {  	[tilespmem:s20+$0xFFFFFFC0] =	vst v5  }
0xbf: {  	v5 =	vld [tilespmem:s6+$0xFFFFFFD0]  }
0xc0: {  	v6 =	vld [tilespmem:s8+$0xFFFFFFD0];
	_ =	sdelay $0x3  }
0xc1: {  	v5 =	vmul.f32 v5, v3  }
0xc2: {  	v6 =	vmul.f32 v6, v4;
	_ =	sdelay $0x1  }
0xc3: {  	v5 =	vadd.f32 v6, v5;
	_ =	sdelay $0x1  }
0xc4: {  	[tilespmem:s20+$0xFFFFFFD0] =	vst v5  }
0xc5: {  	v5 =	vld [tilespmem:s6+$0xFFFFFFE0]  }
0xc6: {  	v6 =	vld [tilespmem:s8+$0xFFFFFFE0];
	_ =	sdelay $0x3  }
0xc7: {  	v5 =	vmul.f32 v5, v3  }
0xc8: {  	v6 =	vmul.f32 v6, v4;
	_ =	sdelay $0x1  }
0xc9: {  	v5 =	vadd.f32 v6, v5;
	_ =	sdelay $0x1  }
0xca: {  	[tilespmem:s20+$0xFFFFFFE0] =	vst v5  }
0xcb: {  	v5 =	vld [tilespmem:s6+$0xFFFFFFF0]  }
0xcc: {  	v6 =	vld [tilespmem:s8+$0xFFFFFFF0];
	_ =	sdelay $0x3  }
0xcd: {  	v5 =	vmul.f32 v5, v3  }
0xce: {  	v6 =	vmul.f32 v6, v4;
	_ =	sdelay $0x1  }
0xcf: {  	v5 =	vadd.f32 v6, v5;
	_ =	sdelay $0x1  }
0xd0: {  	[tilespmem:s20+$0xFFFFFFF0] =	vst v5  }
0xd1: {  	v5 =	vld [tilespmem:s6+$0x0]  }
0xd2: {  	v6 =	vld [tilespmem:s8+$0x0];
	_ =	sdelay $0x3  }
0xd3: {  	v5 =	vmul.f32 v5, v3  }
0xd4: {  	v6 =	vmul.f32 v6, v4;
	_ =	sdelay $0x1  }
0xd5: {  	v5 =	vadd.f32 v6, v5;
	_ =	sdelay $0x1  }
0xd6: {  	[tilespmem:s20+$0x0] =	vst v5  }
0xd7: {  	v5 =	vld [tilespmem:s6+$0x10]  }
0xd8: {  	v6 =	vld [tilespmem:s8+$0x10];
	_ =	sdelay $0x3  }
0xd9: {  	v5 =	vmul.f32 v5, v3  }
0xda: {  	v6 =	vmul.f32 v6, v4;
	_ =	sdelay $0x1  }
0xdb: {  	v5 =	vadd.f32 v6, v5;
	_ =	sdelay $0x1  }
0xdc: {  	[tilespmem:s20+$0x10] =	vst v5  }
0xdd: {  	v5 =	vld [tilespmem:s6+$0x20]  }
0xde: {  	v6 =	vld [tilespmem:s8+$0x20];
	_ =	sdelay $0x3  }
0xdf: {  	v5 =	vmul.f32 v5, v3  }
0xe0: {  	v6 =	vmul.f32 v6, v4;
	_ =	sdelay $0x1  }
0xe1: {  	v5 =	vadd.f32 v6, v5  }
.Ltmp0:
0xe2: {  	(pc) =	sbr.rel @p0 .LBB2_3-.Ltmp0, $4  }
0xe3: {  	[tilespmem:s20+$0x20] =	vst v5  }
0xe4: {  	v5 =	vld [tilespmem:s6+$0x30]  }
0xe5: {  	v6 =	vld [tilespmem:s8+$0x30]  }
0xe6: {  	s20 =	sadd.s32 $0x400, s20  }
0xe7: {  	_ = 	snop  }
0xe8: {  	s5 =	sadd.s32 $0x1, s5  }
0xe9: {  	p0 =	sne.s32 s5, $0x20  }
.Ltmp1:
0xea: {  	v3 =	vmul.f32 v5, v3;
	v4 =	vmul.f32 v6, v4;
	(pc) =	sbr.rel @p0 .LBB2_2-.Ltmp1, $3  }
0xeb: {  	_ = 	snop  }
0xec: {  	v3 =	vadd.f32 v4, v3;
	_ =	sdelay $0x1  }
0xed: {  	s4 =	sadd.s32 $0x400, s4;
	s1 =	sadd.s32 $0x1, s1;
	[tilespmem:s11+$0x30] =	vst v3  }
0xee: {  	s1 =	simm.s32 $0x0;
	s4 =	rddreg [dreg:$0x7]  }
0xef: {  	[hbm4b:s4+s1] =	stream.linear.scatter [tilespmem:s31], [sflag:$0x2], $0x8000, $0x38;
	[tilespmem:$0x1A100] =	vst v63  }
0xf0: {  	_ =	swait.ge [sflag:s18], $0x8000  }
0xf1: {  	[sflag:s18] =	ssyncset.done $0x0  }
0xf2: {  	s5 =	rddreg [dreg:$0x8];
	[sflag:s18] =	ssyncadd.s32 $0xFFFF8000  }
0xf3: {  	[tilespmem:s1], [sflag:$0x2] =	stream.linear.gather [hbm4b:s5+s1], $0x20, $0x38;
	[tilespmem:$0x1A100] =	vst v63  }
0xf4: {  	_ =	swait.ge [sflag:s18], $0x20  }
0xf5: {  	[sflag:s18] =	ssyncset.done $0x0  }
0xf6: {  	s5 =	simm.s32 $0x80;
	s6 =	rddreg [dreg:$0x9];
	[sflag:s18] =	ssyncadd.s32 $0xFFFFFFE0  }
0xf7: {  	[tilespmem:s5], [sflag:$0x2] =	stream.linear.gather [hbm4b:s6+s1], $0x20, $0x38;
	[tilespmem:$0x1A100] =	vst v63  }
0xf8: {  	_ =	swait.ge [sflag:s18], $0x20  }
0xf9: {  	[sflag:s18] =	ssyncset.done $0x0  }
0xfa: {  	s11 =	simm.s32 $0x100;
	s8 =	rddreg [dreg:$0xa];
	[sflag:s18] =	ssyncadd.s32 $0xFFFFFFE0  }
0xfb: {  	[tilespmem:s11], [sflag:$0x2] =	stream.linear.gather [hbm4b:s8+s1], $0x1000, $0x38;
	[tilespmem:$0x1A100] =	vst v63  }
0xfc: {  	_ =	swait.ge [sflag:s18], $0x1000  }
0xfd: {  	[sflag:s18] =	ssyncset.done $0x0  }
0xfe: {  	s20 =	simm.s32 $0x1100;
	s12 =	rddreg [dreg:$0xb];
	[sflag:s18] =	ssyncadd.s32 $0xFFFFF000  }
0xff: {  	[tilespmem:s20], [sflag:$0x2] =	stream.linear.gather [hbm4b:s12+s1], $0x1000, $0x38;
	[tilespmem:$0x1A100] =	vst v63  }
0x100: {  	_ =	swait.ge [sflag:s18], $0x1000  }
0x101: {  	[sflag:s18] =	ssyncset.done $0x0  }
0x102: {  	[sflag:s18] =	ssyncadd.s32 $0xFFFFF000  }
0x103: {  	v3 =	vld [tilespmem:$0x0];
	_ =	sdelay $0x4  }
0x104: {  	v4 =	vshll.u32 v3, $0x3  }
0x105: {  	v3 =	vand.u32 $0x7, v3;
	v4 =	vand.u32 $0xFFFFFFC0, v4  }
0x106: {  	v3 =	vor.u32 v3, v4  }
0x107: {  	v4 =	vperm.xlane v3, v0;
	_ =	sdelay $0x1  }
0x108: {  	v4 =	vadd.s32 v1, v4;
	_ =	sdelay $0x3  }
0x109: {  	s5 =	simm.s32 $0x2100  }
0x10a: {  	[tilespmem:s5], [sflag:$0x1] =	stream.indirect_vreg.gather [hbm4b:s3+s1], $0x80, v4, vm0, $0xb8;
	[tilespmem:$0x1A100] =	vst v63  }
0x10b: {  	s6 =	simm.s32 $0x2900;
	v3 =	vperm.xlane v3, v2  }
0x10c: {  	[tilespmem:s6], [sflag:$0x1] =	stream.indirect_vreg.gather [hbm4b:s7+s1], $0x80, v4, vm0, $0xb8;
	[tilespmem:$0x1A100] =	vst v63  }
0x10d: {  	s8 =	simm.s32 $0x3100;
	v3 =	vadd.s32 v1, v3  }
0x10e: {  	[tilespmem:s8], [sflag:$0x1] =	stream.indirect_vreg.gather [hbm4b:s9+s1], $0x80, v4, vm0, $0xb8;
	[tilespmem:$0x1A100] =	vst v63  }
0x10f: {  	s11 =	simm.s32 $0x3900  }
0x110: {  	[tilespmem:s11], [sflag:$0x1] =	stream.indirect_vreg.gather [hbm4b:s10+s1], $0x80, v4, vm0, $0xb8;
	[tilespmem:$0x1A100] =	vst v63  }
0x111: {  	s12 =	simm.s32 $0x4100  }
0x112: {  	[tilespmem:s12], [sflag:$0x1] =	stream.indirect_vreg.gather [hbm4b:s3+s1], $0x80, v3, vm0, $0xb8;
	[tilespmem:$0x1A100] =	vst v63  }
0x113: {  	s20 =	simm.s32 $0x4900  }
0x114: {  	[tilespmem:s20], [sflag:$0x1] =	stream.indirect_vreg.gather [hbm4b:s7+s1], $0x80, v3, vm0, $0xb8;
	[tilespmem:$0x1A100] =	vst v63  }
0x115: {  	s5 =	simm.s32 $0x5100  }
0x116: {  	[tilespmem:s5], [sflag:$0x1] =	stream.indirect_vreg.gather [hbm4b:s9+s1], $0x80, v3, vm0, $0xb8;
	[tilespmem:$0x1A100] =	vst v63  }
0x117: {  	s6 =	simm.s32 $0x5900  }
0x118: {  	[tilespmem:s6], [sflag:$0x1] =	stream.indirect_vreg.gather [hbm4b:s10+s1], $0x80, v3, vm0, $0xb8;
	[tilespmem:$0x1A100] =	vst v63  }
0x119: {  	v3 =	vld [tilespmem:$0x10];
	_ =	sdelay $0x4  }
0x11a: {  	v61 =	vshll.u32 v3, $0x3  }
0x11b: {  	v3 =	vand.u32 $0x7, v3;
	v4 =	vand.u32 $0xFFFFFFC0, v61  }
0x11c: {  	v3 =	vor.u32 v3, v4  }
0x11d: {  	v4 =	vperm.xlane v3, v0;
	_ =	sdelay $0x1  }
0x11e: {  	v4 =	vadd.s32 v1, v4;
	_ =	sdelay $0x3  }
0x11f: {  	s8 =	simm.s32 $0x6100  }
0x120: {  	[tilespmem:s8], [sflag:$0x1] =	stream.indirect_vreg.gather [hbm4b:s3+s1], $0x80, v4, vm0, $0xb8;
	[tilespmem:$0x1A100] =	vst v63  }
0x121: {  	s11 =	simm.s32 $0x6900;
	v3 =	vperm.xlane v3, v2  }
0x122: {  	[tilespmem:s11], [sflag:$0x1] =	stream.indirect_vreg.gather [hbm4b:s7+s1], $0x80, v4, vm0, $0xb8;
	[tilespmem:$0x1A100] =	vst v63  }
0x123: {  	s12 =	simm.s32 $0x7100;
	v3 =	vadd.s32 v1, v3  }
0x124: {  	[tilespmem:s12], [sflag:$0x1] =	stream.indirect_vreg.gather [hbm4b:s9+s1], $0x80, v4, vm0, $0xb8;
	[tilespmem:$0x1A100] =	vst v63  }
0x125: {  	s20 =	simm.s32 $0x7900  }
0x126: {  	[tilespmem:s20], [sflag:$0x1] =	stream.indirect_vreg.gather [hbm4b:s10+s1], $0x80, v4, vm0, $0xb8;
	[tilespmem:$0x1A100] =	vst v63  }
0x127: {  	s5 =	simm.s32 $0x8100  }
0x128: {  	[tilespmem:s5], [sflag:$0x1] =	stream.indirect_vreg.gather [hbm4b:s3+s1], $0x80, v3, vm0, $0xb8;
	[tilespmem:$0x1A100] =	vst v63  }
0x129: {  	s6 =	simm.s32 $0x8900  }
0x12a: {  	[tilespmem:s6], [sflag:$0x1] =	stream.indirect_vreg.gather [hbm4b:s7+s1], $0x80, v3, vm0, $0xb8;
	[tilespmem:$0x1A100] =	vst v63  }
0x12b: {  	s8 =	simm.s32 $0x9100  }
0x12c: {  	[tilespmem:s8], [sflag:$0x1] =	stream.indirect_vreg.gather [hbm4b:s9+s1], $0x80, v3, vm0, $0xb8;
	[tilespmem:$0x1A100] =	vst v63  }
0x12d: {  	s11 =	simm.s32 $0x9900  }
0x12e: {  	[tilespmem:s11], [sflag:$0x1] =	stream.indirect_vreg.gather [hbm4b:s10+s1], $0x80, v3, vm0, $0xb8;
	[tilespmem:$0x1A100] =	vst v63  }
0x12f: {  	_ =	swait.ge [sflag:s19], $0x8000  }
0x130: {  	[sflag:s19] =	ssyncset.done $0x0  }
0x131: {  	[sflag:s19] =	ssyncadd.s32 $0xFFFF8000  }
0x132: {  	v3 =	vld [tilespmem:$0x80];
	_ =	sdelay $0x4  }
0x133: {  	v62 =	vshll.u32 v3, $0x3  }
0x134: {  	v3 =	vand.u32 $0x7, v3;
	v4 =	vand.u32 $0xFFFFFFC0, v62  }
0x135: {  	v3 =	vor.u32 v3, v4  }
0x136: {  	v4 =	vperm.xlane v3, v0;
	_ =	sdelay $0x1  }
0x137: {  	v4 =	vadd.s32 v1, v4;
	_ =	sdelay $0x3  }
0x138: {  	s12 =	simm.s32 $0xA100  }
0x139: {  	[tilespmem:s12], [sflag:$0x1] =	stream.indirect_vreg.gather [hbm4b:s3+s1], $0x80, v4, vm0, $0xb8;
	[tilespmem:$0x1A100] =	vst v63  }
0x13a: {  	s20 =	simm.s32 $0xA900;
	v3 =	vperm.xlane v3, v2  }
0x13b: {  	[tilespmem:s20], [sflag:$0x1] =	stream.indirect_vreg.gather [hbm4b:s7+s1], $0x80, v4, vm0, $0xb8;
	[tilespmem:$0x1A100] =	vst v63  }
0x13c: {  	v3 =	vadd.s32 v1, v3  }
0x13d: {  	[tilespmem:s13], [sflag:$0x1] =	stream.indirect_vreg.gather [hbm4b:s9+s1], $0x80, v4, vm0, $0xb8;
	[tilespmem:$0x1A100] =	vst v63  }
0x13e: {  	_ = 	snop  }
0x13f: {  	[tilespmem:s21], [sflag:$0x1] =	stream.indirect_vreg.gather [hbm4b:s10+s1], $0x80, v4, vm0, $0xb8;
	[tilespmem:$0x1A100] =	vst v63  }
0x140: {  	_ = 	snop  }
0x141: {  	[tilespmem:s22], [sflag:$0x1] =	stream.indirect_vreg.gather [hbm4b:s3+s1], $0x80, v3, vm0, $0xb8;
	[tilespmem:$0x1A100] =	vst v63  }
0x142: {  	_ = 	snop  }
0x143: {  	[tilespmem:s14], [sflag:$0x1] =	stream.indirect_vreg.gather [hbm4b:s7+s1], $0x80, v3, vm0, $0xb8;
	[tilespmem:$0x1A100] =	vst v63  }
0x144: {  	_ = 	snop  }
0x145: {  	[tilespmem:s23], [sflag:$0x1] =	stream.indirect_vreg.gather [hbm4b:s9+s1], $0x80, v3, vm0, $0xb8;
	[tilespmem:$0x1A100] =	vst v63  }
0x146: {  	_ = 	snop  }
0x147: {  	[tilespmem:s24], [sflag:$0x1] =	stream.indirect_vreg.gather [hbm4b:s10+s1], $0x80, v3, vm0, $0xb8;
	[tilespmem:$0x1A100] =	vst v63  }
0x148: {  	v3 =	vld [tilespmem:$0x90];
	_ =	sdelay $0x4  }
0x149: {  	v63 =	vshll.u32 v3, $0x3  }
0x14a: {  	v3 =	vand.u32 $0x7, v3;
	v4 =	vand.u32 $0xFFFFFFC0, v63  }
0x14b: {  	v3 =	vor.u32 v3, v4  }
0x14c: {  	v4 =	vperm.xlane v3, v0;
	_ =	sdelay $0x1  }
0x14d: {  	v4 =	vadd.s32 v1, v4;
	_ =	sdelay $0x4  }
0x14e: {  	[tilespmem:s25], [sflag:$0x1] =	stream.indirect_vreg.gather [hbm4b:s3+s1], $0x80, v4, vm0, $0xb8;
	[tilespmem:$0x1A100] =	vst v63  }
0x14f: {  	v3 =	vperm.xlane v3, v2  }
0x150: {  	[tilespmem:s15], [sflag:$0x1] =	stream.indirect_vreg.gather [hbm4b:s7+s1], $0x80, v4, vm0, $0xb8;
	[tilespmem:$0x1A100] =	vst v63  }
0x151: {  	v3 =	vadd.s32 v1, v3  }
0x152: {  	[tilespmem:s26], [sflag:$0x1] =	stream.indirect_vreg.gather [hbm4b:s9+s1], $0x80, v4, vm0, $0xb8;
	[tilespmem:$0x1A100] =	vst v63  }
0x153: {  	_ = 	snop  }
0x154: {  	[tilespmem:s16], [sflag:$0x1] =	stream.indirect_vreg.gather [hbm4b:s10+s1], $0x80, v4, vm0, $0xb8;
	[tilespmem:$0x1A100] =	vst v63  }
0x155: {  	_ = 	snop  }
0x156: {  	[tilespmem:s28], [sflag:$0x1] =	stream.indirect_vreg.gather [hbm4b:s3+s1], $0x80, v3, vm0, $0xb8;
	[tilespmem:$0x1A100] =	vst v63  }
0x157: {  	_ = 	snop  }
0x158: {  	[tilespmem:s17], [sflag:$0x1] =	stream.indirect_vreg.gather [hbm4b:s7+s1], $0x80, v3, vm0, $0xb8;
	[tilespmem:$0x1A100] =	vst v63  }
0x159: {  	_ = 	snop  }
0x15a: {  	[tilespmem:s29], [sflag:$0x1] =	stream.indirect_vreg.gather [hbm4b:s9+s1], $0x80, v3, vm0, $0xb8;
	[tilespmem:$0x1A100] =	vst v63  }
0x15b: {  	_ = 	snop  }
0x15c: {  	[tilespmem:s30], [sflag:$0x1] =	stream.indirect_vreg.gather [hbm4b:s10+s1], $0x80, v3, vm0, $0xb8;
	[tilespmem:$0x1A100] =	vst v63  }
0x15d: {  	_ =	swait.ge [sflag:s19], $0x8000  }
0x15e: {  	[sflag:s19] =	ssyncset.done $0x0  }
0x15f: {  	s4 =	simm.s32 $0x0;
	s5 =	simm.s32 $0x0;
	[sflag:s19] =	ssyncadd.s32 $0xFFFF8000  }
.LBB2_6:
0x160: {  	s6 =	sshll.u32 s4, $0x2;
	s8 =	sand.u32 $0x7, s1  }
0x161: {  	s6 =	sand.u32 $0xFFFF8000, s6;
	s8 =	sshll.u32 s8, $0x9  }
0x162: {  	s20 =	sshll.u32 s5, $0x7;
	s6 =	sor.u32 s8, s6  }
0x163: {  	v3 =	vld [tilespmem:s20+$0x100];
	s11 =	sshrl.u32 s6, $0x2  }
0x164: {  	v4 =	vld [tilespmem:s20+$0x1100];
	s6 =	sadd.s32 $0x2140, s11  }
0x165: {  	s8 =	sadd.s32 $0xA140, s11;
	v5 =	vld [tilespmem:s6+$0xFFFFFFC0]  }
0x166: {  	v6 =	vld [tilespmem:s8+$0xFFFFFFC0];
	_ =	sdelay $0x4  }
0x167: {  	v5 =	vmul.f32 v5, v3;
	v6 =	vmul.f32 v6, v4;
	_ =	sdelay $0x1  }
0x168: {  	v5 =	vadd.f32 v6, v5  }
0x169: {  	s11 =	sadd.s32 $0x12140, s11  }
0x16a: {  	[tilespmem:s11+$0xFFFFFFC0] =	vst v5  }
0x16b: {  	v5 =	vld [tilespmem:s6+$0xFFFFFFD0]  }
0x16c: {  	v6 =	vld [tilespmem:s8+$0xFFFFFFD0];
	_ =	sdelay $0x4  }
0x16d: {  	v5 =	vmul.f32 v5, v3;
	v6 =	vmul.f32 v6, v4;
	_ =	sdelay $0x1  }
0x16e: {  	v5 =	vadd.f32 v6, v5;
	_ =	sdelay $0x1  }
0x16f: {  	[tilespmem:s11+$0xFFFFFFD0] =	vst v5  }
0x170: {  	v5 =	vld [tilespmem:s6+$0xFFFFFFE0]  }
0x171: {  	v6 =	vld [tilespmem:s8+$0xFFFFFFE0];
	_ =	sdelay $0x4  }
0x172: {  	v5 =	vmul.f32 v5, v3;
	v6 =	vmul.f32 v6, v4;
	_ =	sdelay $0x1  }
0x173: {  	v5 =	vadd.f32 v6, v5;
	_ =	sdelay $0x1  }
0x174: {  	[tilespmem:s11+$0xFFFFFFE0] =	vst v5  }
0x175: {  	v5 =	vld [tilespmem:s6+$0xFFFFFFF0]  }
0x176: {  	v6 =	vld [tilespmem:s8+$0xFFFFFFF0];
	_ =	sdelay $0x4  }
0x177: {  	v5 =	vmul.f32 v5, v3;
	v6 =	vmul.f32 v6, v4;
	_ =	sdelay $0x1  }
0x178: {  	v5 =	vadd.f32 v6, v5;
	_ =	sdelay $0x1  }
0x179: {  	[tilespmem:s11+$0xFFFFFFF0] =	vst v5  }
0x17a: {  	v5 =	vld [tilespmem:s6+$0x0]  }
0x17b: {  	v6 =	vld [tilespmem:s8+$0x0];
	_ =	sdelay $0x4  }
0x17c: {  	v5 =	vmul.f32 v5, v3;
	v6 =	vmul.f32 v6, v4;
	_ =	sdelay $0x1  }
0x17d: {  	v5 =	vadd.f32 v6, v5;
	_ =	sdelay $0x1  }
0x17e: {  	[tilespmem:s11+$0x0] =	vst v5  }
0x17f: {  	v5 =	vld [tilespmem:s6+$0x10]  }
0x180: {  	v6 =	vld [tilespmem:s8+$0x10];
	_ =	sdelay $0x4  }
0x181: {  	v5 =	vmul.f32 v5, v3;
	v6 =	vmul.f32 v6, v4;
	_ =	sdelay $0x1  }
0x182: {  	v5 =	vadd.f32 v6, v5;
	_ =	sdelay $0x1  }
0x183: {  	[tilespmem:s11+$0x10] =	vst v5  }
0x184: {  	v5 =	vld [tilespmem:s6+$0x20]  }
0x185: {  	v6 =	vld [tilespmem:s8+$0x20];
	_ =	sdelay $0x4  }
0x186: {  	v5 =	vmul.f32 v5, v3;
	v6 =	vmul.f32 v6, v4;
	_ =	sdelay $0x1  }
0x187: {  	v5 =	vadd.f32 v6, v5;
	_ =	sdelay $0x1  }
0x188: {  	[tilespmem:s11+$0x20] =	vst v5  }
0x189: {  	v5 =	vld [tilespmem:s6+$0x30]  }
0x18a: {  	v6 =	vld [tilespmem:s8+$0x30]  }
0x18b: {  	s12 =	simm.s32 $0x0;
	s20 =	sadd.s32 $0x400, s11  }
.LBB2_7:
0x18c: {  	s12 =	sadd.s32 $0x8, s12;
	s6 =	sadd.s32 $0x400, s6;
	s8 =	sadd.s32 $0x400, s8  }
0x18d: {  	p0 =	slt.u32 s12, $0x38  }
0x18e: {  	v5 =	vmul.f32 v5, v3  }
0x18f: {  	v6 =	vmul.f32 v6, v4;
	_ =	sdelay $0x1  }
0x190: {  	v5 =	vadd.f32 v6, v5;
	_ =	sdelay $0x1  }
0x191: {  	[tilespmem:s11+$0x30] =	vst v5;
	s11 =	smov.u32 s20  }
0x192: {  	v5 =	vld [tilespmem:s6+$0xFFFFFFC0]  }
0x193: {  	v6 =	vld [tilespmem:s8+$0xFFFFFFC0];
	_ =	sdelay $0x4  }
0x194: {  	v5 =	vmul.f32 v5, v3;
	v6 =	vmul.f32 v6, v4;
	_ =	sdelay $0x1  }
0x195: {  	v5 =	vadd.f32 v6, v5;
	_ =	sdelay $0x1  }
0x196: {  	[tilespmem:s20+$0xFFFFFFC0] =	vst v5  }
0x197: {  	v5 =	vld [tilespmem:s6+$0xFFFFFFD0]  }
0x198: {  	v6 =	vld [tilespmem:s8+$0xFFFFFFD0];
	_ =	sdelay $0x3  }
0x199: {  	v5 =	vmul.f32 v5, v3  }
0x19a: {  	v6 =	vmul.f32 v6, v4;
	_ =	sdelay $0x1  }
0x19b: {  	v5 =	vadd.f32 v6, v5;
	_ =	sdelay $0x1  }
0x19c: {  	[tilespmem:s20+$0xFFFFFFD0] =	vst v5  }
0x19d: {  	v5 =	vld [tilespmem:s6+$0xFFFFFFE0]  }
0x19e: {  	v6 =	vld [tilespmem:s8+$0xFFFFFFE0];
	_ =	sdelay $0x3  }
0x19f: {  	v5 =	vmul.f32 v5, v3  }
0x1a0: {  	v6 =	vmul.f32 v6, v4;
	_ =	sdelay $0x1  }
0x1a1: {  	v5 =	vadd.f32 v6, v5;
	_ =	sdelay $0x1  }
0x1a2: {  	[tilespmem:s20+$0xFFFFFFE0] =	vst v5  }
0x1a3: {  	v5 =	vld [tilespmem:s6+$0xFFFFFFF0]  }
0x1a4: {  	v6 =	vld [tilespmem:s8+$0xFFFFFFF0];
	_ =	sdelay $0x3  }
0x1a5: {  	v5 =	vmul.f32 v5, v3  }
0x1a6: {  	v6 =	vmul.f32 v6, v4;
	_ =	sdelay $0x1  }
0x1a7: {  	v5 =	vadd.f32 v6, v5;
	_ =	sdelay $0x1  }
0x1a8: {  	[tilespmem:s20+$0xFFFFFFF0] =	vst v5  }
0x1a9: {  	v5 =	vld [tilespmem:s6+$0x0]  }
0x1aa: {  	v6 =	vld [tilespmem:s8+$0x0];
	_ =	sdelay $0x3  }
0x1ab: {  	v5 =	vmul.f32 v5, v3  }
0x1ac: {  	v6 =	vmul.f32 v6, v4;
	_ =	sdelay $0x1  }
0x1ad: {  	v5 =	vadd.f32 v6, v5;
	_ =	sdelay $0x1  }
0x1ae: {  	[tilespmem:s20+$0x0] =	vst v5  }
0x1af: {  	v5 =	vld [tilespmem:s6+$0x10]  }
0x1b0: {  	v6 =	vld [tilespmem:s8+$0x10];
	_ =	sdelay $0x3  }
0x1b1: {  	v5 =	vmul.f32 v5, v3  }
0x1b2: {  	v6 =	vmul.f32 v6, v4;
	_ =	sdelay $0x1  }
0x1b3: {  	v5 =	vadd.f32 v6, v5;
	_ =	sdelay $0x1  }
0x1b4: {  	[tilespmem:s20+$0x10] =	vst v5  }
0x1b5: {  	v5 =	vld [tilespmem:s6+$0x20]  }
0x1b6: {  	v6 =	vld [tilespmem:s8+$0x20];
	_ =	sdelay $0x3  }
0x1b7: {  	v5 =	vmul.f32 v5, v3  }
0x1b8: {  	v6 =	vmul.f32 v6, v4;
	_ =	sdelay $0x1  }
0x1b9: {  	v5 =	vadd.f32 v6, v5  }
.Ltmp2:
0x1ba: {  	(pc) =	sbr.rel @p0 .LBB2_7-.Ltmp2, $4  }
0x1bb: {  	[tilespmem:s20+$0x20] =	vst v5  }
0x1bc: {  	v5 =	vld [tilespmem:s6+$0x30]  }
0x1bd: {  	v6 =	vld [tilespmem:s8+$0x30]  }
0x1be: {  	s20 =	sadd.s32 $0x400, s20  }
0x1bf: {  	_ = 	snop  }
0x1c0: {  	s5 =	sadd.s32 $0x1, s5  }
0x1c1: {  	p0 =	sne.s32 s5, $0x20  }
.Ltmp3:
0x1c2: {  	v3 =	vmul.f32 v5, v3;
	v4 =	vmul.f32 v6, v4;
	(pc) =	sbr.rel @p0 .LBB2_6-.Ltmp3, $3  }
0x1c3: {  	_ = 	snop  }
0x1c4: {  	v3 =	vadd.f32 v4, v3;
	_ =	sdelay $0x1  }
0x1c5: {  	s4 =	sadd.s32 $0x400, s4;
	s1 =	sadd.s32 $0x1, s1;
	[tilespmem:s11+$0x30] =	vst v3  }
0x1c6: {  	s1 =	rddreg [dreg:$0xc]  }
0x1c7: {  	[hbm4b:s1+s2] =	stream.linear.scatter [tilespmem:s31], [sflag:$0x2], $0x8000, $0x38;
	[tilespmem:$0x1A100] =	vst v63  }
0x1c8: {  	_ =	swait.ge [sflag:s18], $0x8000  }
0x1c9: {  	s0 =	sadd.s32 $0x1, s0;
	s20 =	rddreg [dreg:$0xd]  }
0x1ca: {  	p0 =	sne.s32 s0, s20  }
.Ltmp4:
0x1cb: {  	_ = 	snop;
	(pc) =	sbr.rel @p0 .LBB2_1-.Ltmp4, $3  }
0x1cc: {  	_ =	sdelay $0x1  }
0x1cd: {  	[sflag:s18] =	ssyncset.done $0x0  }
0x1ce: {  	[sflag:s18] =	ssyncadd.s32 $0xFFFF8000  }
0x1cf: {  	_ =	sfence.sel $0x180000  }
0x1d0: {  	[bflag:$0x0] =	sbarrier.arrive $0xFFFF  }
0x1d1: {  	_ =	strace $0x9000004A  }
0x1d2: {  	s0 =	stileid.u32;
	[bflag:$0x2] =	sbarrier.arrive $0xFFFF  }
0x1d3: {  	p0 =	sne.s32 s0, $0x0;
	s0 =	rddreg [dreg:$0x2]  }
0x1d4: {  	s0 =	sadd.s32 @!p0 $0x100000, s0  }
0x1d5: {  	[sflag:s0] =	ssyncadd.tile.s32 @!p0 $0x1;
	_ =	shalt  }
.Lfunc_end2:
_tile_overlayer_lowered:
.L_overlay_start_2:
0x1d6: {  	(tag) =	ssettag $0x2  }
0x1d7: {  	s0 =	rddreg [dreg:$0x0];
	s2 =	stileid.u32  }
0x1d8: {  	s1 =	rddreg [dreg:$0x1];
	p0 =	sne.s32 s2, $0x0  }
0x1d9: {  	s3 =	rddreg [dreg:$0x2];
	[bflag:$0x3] =	sbarrier.arrive $0xFFFF;
	s2 =	simm.s32 @!p0 $0x1C02  }
0x1da: {  	[timem:s3], [sflag:s2] =	dma.local @!p0 [hbm:s0], s1  }
0x1db: {  	s0 =	simm.s32 @!p0 $0x2  }
0x1dc: {  	_ =	swait.ge @!p0 [sflag:s0], s1  }
0x1dd: {  	s1 =	ssub.s32 @!p0 $0x0, s1;
	[sflag:s0] =	ssyncset.done @!p0 $0x0  }
0x1de: {  	[sflag:s0] =	ssyncadd.s32 @!p0 s1  }
0x1df: {  	[bflag:$0x3] =	sbarrier.arrive $0xFFFF  }
0x1e0: {  	_ =	shalt  }

</sc_bundles>
